<compile_context>
chip_gen: v7x
topology: tpu7x:2x2x1
jax: 0.10.2.dev20260603
libtpu: 0.0.44.dev20260713+nightly
codegen_flags: <defaults>
</compile_context>

<pallas_src>
import functools

import jax
import jax.numpy as jnp
from jax import lax
from jax.experimental import pallas as pl
from jax.experimental.pallas import tpu as pltpu
from jax.experimental.pallas import tpu_sc as plsc

N = 10000
E = 320000
D = 128

NC = 2
NS = 16
NW = NC * NS
NPAD = 10240
RPT = NPAD // NS
CH = 64
NCH = RPT // CH
EPW = E // NW

_mesh = plsc.VectorSubcoreMesh(core_axis_name="c", subcore_axis_name="s")


def _make_sc_agg(batch, with_counts):
    niter = EPW // batch

    out_type = [jax.ShapeDtypeStruct((NC, NPAD, D), jnp.bfloat16)]
    if with_counts:
        out_type.append(jax.ShapeDtypeStruct((NC, NPAD, 16), jnp.float32))

    scratch = (
        [pltpu.VMEM((batch,), jnp.int32)] * 3
        + [pltpu.VMEM((batch,), jnp.int32)] * 3
        + [pltpu.VMEM((batch, D), jnp.bfloat16)] * 3
    )
    if with_counts:
        scratch.append(pltpu.VMEM((batch, 16), jnp.float32))
    scratch.append(pltpu.VMEM((CH, D), jnp.bfloat16))
    if with_counts:
        scratch.append(pltpu.VMEM((CH, 16), jnp.float32))
    scratch.append(pltpu.VMEM_SHARED((NPAD, D), jnp.bfloat16))
    if with_counts:
        scratch.append(pltpu.VMEM_SHARED((NPAD, 16), jnp.float32))
    nsem = 15 if with_counts else 12
    scratch += [pltpu.SemaphoreType.DMA] * nsem

    @functools.partial(
        pl.kernel,
        mesh=_mesh,
        compiler_params=pltpu.CompilerParams(use_tc_tiling_on_sc=False),
        out_type=out_type,
        scratch_types=scratch,
    )
    def sc_agg(*refs):
        it = iter(refs)
        t_hbm = next(it)
        src_hbm = next(it)
        dst_hbm = next(it)
        zrow_hbm = next(it)
        zcnt_hbm = next(it) if with_counts else None
        ones_hbm = next(it) if with_counts else None
        pacc_hbm = next(it)
        pcnt_hbm = next(it) if with_counts else None
        SRC = (next(it), next(it), next(it))
        DST = (next(it), next(it), next(it))
        ROWS = (next(it), next(it), next(it))
        ones_v = next(it) if with_counts else None
        stage_v = next(it)
        stagec_v = next(it) if with_counts else None
        acc_s = next(it)
        cnt_s = next(it) if with_counts else None
        GS = (next(it), next(it), next(it))
        RS = (next(it), next(it), next(it))
        CS = (next(it), next(it), next(it)) if with_counts else None
        ISS = (next(it), next(it), next(it))
        IDS = (next(it), next(it), next(it))

        c = lax.axis_index("c")
        s = lax.axis_index("s")
        wid = s * NC + c

        def off(i):
            return pl.multiple_of(wid * EPW + i * batch, 8)

        def idx_src(i, p):
            return pltpu.make_async_copy(
                src_hbm.at[pl.ds(off(i), batch)], SRC[p], ISS[p])

        def idx_dst(i, p):
            return pltpu.make_async_copy(
                dst_hbm.at[pl.ds(off(i), batch)], DST[p], IDS[p])

        def gath(p):
            return pltpu.make_async_copy(t_hbm.at[SRC[p]], ROWS[p], GS[p])

        def srow(p):
            return pltpu.make_async_copy(ROWS[p], acc_s.at[DST[p]], RS[p])

        def scnt(p):
            return pltpu.make_async_copy(ones_v, cnt_s.at[DST[p]], CS[p])

        pltpu.sync_copy(zrow_hbm, stage_v)
        if with_counts:
            pltpu.sync_copy(zcnt_hbm, stagec_v)
            pltpu.sync_copy(ones_hbm, ones_v)

        def zbody(j, carry):
            o = pl.multiple_of(s * RPT + j * CH, 8)
            pltpu.sync_copy(stage_v, acc_s.at[pl.ds(o, CH)])
            if with_counts:
                pltpu.sync_copy(stagec_v, cnt_s.at[pl.ds(o, CH)])
            return carry

        lax.fori_loop(0, NCH, zbody, 0)
        plsc.subcore_barrier()

        def step(i, p, wait_prev, ahead2, ahead3):
            pm1 = (p + 2) % 3
            gath(p).wait()
            idx_dst(i, p).wait()
            srow(p).start(add=True)
            if with_counts:
                scnt(p).start(add=True)
            if wait_prev:
                srow(pm1).wait()
                if with_counts:
                    scnt(pm1).wait()
            if ahead2:
                idx_src(i + 2, pm1).wait()
                gath(pm1).start()
                idx_dst(i + 2, pm1).start()
            if ahead3:
                idx_src(i + 3, p).start()

        idx_src(0, 0).start()
        idx_dst(0, 0).start()
        idx_src(1, 1).start()
        idx_dst(1, 1).start()
        idx_src(2, 2).start()
        idx_src(0, 0).wait()
        gath(0).start()
        idx_src(1, 1).wait()
        gath(1).start()

        step(0, 0, False, True, True)
        step(1, 1, True, True, True)

        def triple(k, carry):
            i = 3 * k + 2
            step(i, 2, True, True, True)
            step(i + 1, 0, True, True, True)
            step(i + 2, 1, True, True, True)
            return carry

        assert niter % 2 == 1 and (niter - 2) % 3 == 0
        lax.fori_loop(0, (niter - 2) // 3 - 1, triple, 0)
        step(niter - 3, (niter - 3) % 3, True, True, False)
        step(niter - 2, (niter - 2) % 3, True, False, False)
        step(niter - 1, (niter - 1) % 3, True, False, False)
        srow((niter - 1) % 3).wait()
        if with_counts:
            scnt((niter - 1) % 3).wait()
        plsc.subcore_barrier()

        def wbody(j, carry):
            o = pl.multiple_of(s * RPT + j * CH, 8)
            pltpu.sync_copy(acc_s.at[pl.ds(o, CH)], stage_v)
            pltpu.sync_copy(stage_v, pacc_hbm.at[c, pl.ds(o, CH)])
            if with_counts:
                pltpu.sync_copy(cnt_s.at[pl.ds(o, CH)], stagec_v)
                pltpu.sync_copy(stagec_v, pcnt_hbm.at[c, pl.ds(o, CH)])
            return carry

        lax.fori_loop(0, NCH, wbody, 0)

    return sc_agg


_sc_agg_cnt = _make_sc_agg(80, True)
_sc_agg_nocnt = _make_sc_agg(80, False)


_BLK = 1024
_GRID = NPAD // _BLK


def _dot_t(a, w):
    return lax.dot_general(a, w, (((1,), (1,)), ((), ())),
                           preferred_element_type=jnp.float32)


def _tc_t_body(x_ref, wl_ref, t_ref):
    t_ref[...] = _dot_t(x_ref[...], wl_ref[...]).astype(jnp.bfloat16)


def _tc_t(x, W_l):
    return pl.pallas_call(
        _tc_t_body,
        grid=(_GRID,),
        in_specs=[pl.BlockSpec((_BLK, D), lambda i: (i, 0)),
                  pl.BlockSpec((D, D), lambda i: (0, 0))],
        out_specs=pl.BlockSpec((_BLK, D), lambda i: (i, 0)),
        out_shape=jax.ShapeDtypeStruct((NPAD, D), jnp.bfloat16),
    )(x, W_l)


def _tc_r_body(x_ref, wr_ref, b_ref, r_ref):
    r_ref[...] = _dot_t(x_ref[...], wr_ref[...]) + b_ref[...]


def _tc_r(x, W_r, b):
    return pl.pallas_call(
        _tc_r_body,
        grid=(_GRID,),
        in_specs=[pl.BlockSpec((_BLK, D), lambda i: (i, 0)),
                  pl.BlockSpec((D, D), lambda i: (0, 0)),
                  pl.BlockSpec((1, D), lambda i: (0, 0))],
        out_specs=pl.BlockSpec((_BLK, D), lambda i: (i, 0)),
        out_shape=jax.ShapeDtypeStruct((NPAD, D), jnp.float32),
    )(x, W_r, b.reshape(1, D))


def _tc_h_body(pacc_ref, pcnt_ref, r_ref, wl_ref, t_ref, h_ref):
    agg = pacc_ref[0].astype(jnp.float32) + pacc_ref[1].astype(jnp.float32)
    cnt = pcnt_ref[0, :, 0:1] + pcnt_ref[1, :, 0:1]
    mean = agg / jnp.maximum(cnt, 1.0)
    h = jnp.maximum(mean + r_ref[...], 0.0)
    h_ref[...] = h
    t_ref[...] = _dot_t(h, wl_ref[...]).astype(jnp.bfloat16)


def _tc_h(pacc, pcnt, r1, W_l):
    return pl.pallas_call(
        _tc_h_body,
        grid=(_GRID,),
        in_specs=[pl.BlockSpec((NC, _BLK, D), lambda i: (0, i, 0)),
                  pl.BlockSpec((NC, _BLK, 16), lambda i: (0, i, 0)),
                  pl.BlockSpec((_BLK, D), lambda i: (i, 0)),
                  pl.BlockSpec((D, D), lambda i: (0, 0))],
        out_specs=[pl.BlockSpec((_BLK, D), lambda i: (i, 0))] * 2,
        out_shape=[jax.ShapeDtypeStruct((NPAD, D), jnp.bfloat16),
                   jax.ShapeDtypeStruct((NPAD, D), jnp.float32)],
    )(pacc, pcnt, r1, W_l)


def _tc_out_body(pacc_ref, pcnt_ref, r_ref, o_ref):
    agg = pacc_ref[0].astype(jnp.float32) + pacc_ref[1].astype(jnp.float32)
    cnt = pcnt_ref[0, :, 0:1] + pcnt_ref[1, :, 0:1]
    o_ref[...] = agg / jnp.maximum(cnt, 1.0) + r_ref[...]


def _tc_out(pacc, pcnt, r2):
    return pl.pallas_call(
        _tc_out_body,
        grid=(_GRID,),
        in_specs=[pl.BlockSpec((NC, _BLK, D), lambda i: (0, i, 0)),
                  pl.BlockSpec((NC, _BLK, 16), lambda i: (0, i, 0)),
                  pl.BlockSpec((_BLK, D), lambda i: (i, 0))],
        out_specs=pl.BlockSpec((_BLK, D), lambda i: (i, 0)),
        out_shape=jax.ShapeDtypeStruct((NPAD, D), jnp.float32),
    )(pacc, pcnt, r2)


def kernel(x, edge_index, W1_l, b1_l, W1_r, W2_l, b2_l, W2_r):
    src = edge_index[0].astype(jnp.int32)
    dst = edge_index[1].astype(jnp.int32)
    x = jnp.pad(x, ((0, NPAD - N), (0, 0)))
    zrow = jnp.zeros((CH, D), jnp.bfloat16)
    zcnt = jnp.zeros((CH, 16), jnp.float32)
    ones = jnp.ones((80, 16), jnp.float32)

    t1 = _tc_t(x, W1_l)
    r1 = _tc_r(x, W1_r, b1_l)
    pacc1, pcnt1 = _sc_agg_cnt(t1, src, dst, zrow, zcnt, ones)
    t2, h = _tc_h(pacc1, pcnt1, r1, W2_l)
    r2 = _tc_r(h, W2_r, b2_l)
    (pacc2,) = _sc_agg_nocnt(t2, src, dst, zrow)
    return _tc_out(pacc2, pcnt1, r2)[:N]

# --- scband reference (transcript-rebuilt; emitter-appended) ---
"""Pipeline reference for scband-gnnencoder-32409823216438 (READ-ONLY COPY).

The authoritative reference and input builder live on the scoring server;
editing this copy changes nothing except your own understanding.
"""

import jax, jax.numpy as jnp
import numpy as np

N_NODES = 10000
N_EDGES = 320000
D = 128

def setup_inputs(seed: int = 0) -> dict:
    key = jax.random.key(seed)
    ks = jax.random.split(key, 9)
    x = jax.random.normal(ks[0], (N_NODES, D), dtype=jnp.float32)
    edge_index = jax.random.randint(ks[1], (2, N_EDGES), 0, N_NODES, dtype=jnp.int64)
    s = 1.0 / np.sqrt(D)
    W1_l = jax.random.uniform(ks[2], (D, D), jnp.float32, -s, s)
    b1_l = jax.random.uniform(ks[3], (D,), jnp.float32, -s, s)
    W1_r = jax.random.uniform(ks[4], (D, D), jnp.float32, -s, s)
    W2_l = jax.random.uniform(ks[5], (D, D), jnp.float32, -s, s)
    b2_l = jax.random.uniform(ks[6], (D,), jnp.float32, -s, s)
    W2_r = jax.random.uniform(ks[7], (D, D), jnp.float32, -s, s)
    return {"x": x, "edge_index": edge_index, "W1_l": W1_l, "b1_l": b1_l, "W1_r": W1_r, "W2_l": W2_l, "b2_l": b2_l, "W2_r": W2_r}

def _sage_conv(x, src, dst, W_l, b_l, W_r):
    # PyG SAGEConv with mean aggregation:
    # out = lin_l(mean_{j in N(i)} x_j) + lin_r(x_i)
    msg = jnp.take(x, src, axis=0)                      # gather source node feats [E, D]
    agg = jax.ops.segment_sum(msg, dst, num_segments=N_NODES)
    cnt = jax.ops.segment_sum(jnp.ones((msg.shape[0],), dtype=x.dtype), dst, num_segments=N_NODES)
    mean = agg / jnp.clip(cnt, 1.0)[:, None]
    return mean @ W_l.T + b_l + x @ W_r.T

def reference(x, edge_index, W1_l, b1_l, W1_r, W2_l, b2_l, W2_r):
    src = edge_index[0]
    dst = edge_index[1]
    h = _sage_conv(x, src, dst, W1_l, b1_l, W1_r)
    h = jax.nn.relu(h)
    out = _sage_conv(h, src, dst, W2_l, b2_l, W2_r)
    return out

if __name__ == "__main__":
    import jax
    _d = setup_inputs()
    print(jax.jit(kernel)(*tuple(_d.values())))

</pallas_src>

<mosaic_0001>
#map = affine_map<(d0, d1) -> (0, 0)>
#map1 = affine_map<(d0, d1) -> (0)>
#map2 = affine_map<(d0, d1) -> (0, 0, 0)>
module attributes {stable_mosaic.version = 14 : i64} {
  func.func @sc_agg(%arg0: i32, %arg1: i32, %arg2: memref<10240x128xbf16, #tpu.memory_space<hbm>>, %arg3: memref<320000xi32, #tpu.memory_space<hbm>>, %arg4: memref<320000xi32, #tpu.memory_space<hbm>>, %arg5: memref<64x128xbf16, #tpu.memory_space<hbm>>, %arg6: memref<64x16xf32, #tpu.memory_space<hbm>>, %arg7: memref<80x16xf32, #tpu.memory_space<hbm>>, %arg8: memref<2x10240x128xbf16, #tpu.memory_space<hbm>>, %arg9: memref<2x10240x16xf32, #tpu.memory_space<hbm>>, %arg10: memref<80xi32, #tpu.memory_space<vmem>>, %arg11: memref<80xi32, #tpu.memory_space<vmem>>, %arg12: memref<80xi32, #tpu.memory_space<vmem>>, %arg13: memref<80xi32, #tpu.memory_space<vmem>>, %arg14: memref<80xi32, #tpu.memory_space<vmem>>, %arg15: memref<80xi32, #tpu.memory_space<vmem>>, %arg16: memref<80x128xbf16, #tpu.memory_space<vmem>>, %arg17: memref<80x128xbf16, #tpu.memory_space<vmem>>, %arg18: memref<80x128xbf16, #tpu.memory_space<vmem>>, %arg19: memref<80x16xf32, #tpu.memory_space<vmem>>, %arg20: memref<64x128xbf16, #tpu.memory_space<vmem>>, %arg21: memref<64x16xf32, #tpu.memory_space<vmem>>, %arg22: memref<10240x128xbf16, #tpu.memory_space<vmem_shared>>, %arg23: memref<10240x16xf32, #tpu.memory_space<vmem_shared>>, %arg24: memref<!tpu.dma_semaphore, #tpu.memory_space<semaphore_mem>>, %arg25: memref<!tpu.dma_semaphore, #tpu.memory_space<semaphore_mem>>, %arg26: memref<!tpu.dma_semaphore, #tpu.memory_space<semaphore_mem>>, %arg27: memref<!tpu.dma_semaphore, #tpu.memory_space<semaphore_mem>>, %arg28: memref<!tpu.dma_semaphore, #tpu.memory_space<semaphore_mem>>, %arg29: memref<!tpu.dma_semaphore, #tpu.memory_space<semaphore_mem>>, %arg30: memref<!tpu.dma_semaphore, #tpu.memory_space<semaphore_mem>>, %arg31: memref<!tpu.dma_semaphore, #tpu.memory_space<semaphore_mem>>, %arg32: memref<!tpu.dma_semaphore, #tpu.memory_space<semaphore_mem>>, %arg33: memref<!tpu.dma_semaphore, #tpu.memory_space<semaphore_mem>>, %arg34: memref<!tpu.dma_semaphore, #tpu.memory_space<semaphore_mem>>, %arg35: memref<!tpu.dma_semaphore, #tpu.memory_space<semaphore_mem>>, %arg36: memref<!tpu.dma_semaphore, #tpu.memory_space<semaphore_mem>>, %arg37: memref<!tpu.dma_semaphore, #tpu.memory_space<semaphore_mem>>, %arg38: memref<!tpu.dma_semaphore, #tpu.memory_space<semaphore_mem>>) attributes {dimension_semantics = [#tpu.dimension_semantics<core_parallel>, #tpu.dimension_semantics<subcore_parallel>], iteration_bounds = array<i64: 2, 16>, scalar_prefetch = 0 : i64, scratch_operands = 29 : i64, tpu.core_type = #tpu.core_type<sc_vector_subcore>, window_params = [{transform_indices = #map}, {transform_indices = #map1}, {transform_indices = #map1}, {transform_indices = #map}, {transform_indices = #map}, {transform_indices = #map}, {transform_indices = #map2}, {transform_indices = #map2}]} {
    %mul3A = arith.constant 2 : i32
    %mul3A_0 = arith.muli %arg1, %mul3A : i32
    %add3A = arith.addi %mul3A_0, %arg0 : i32
    "tpu.region"() ({
      %run_scoped3A = tpu.sem_alloc : memref<!tpu.dma_semaphore, #tpu.memory_space<semaphore_mem>>
      tpu.enqueue_dma source(%arg5 : memref<64x128xbf16, #tpu.memory_space<hbm>>) target(%arg20 : memref<64x128xbf16, #tpu.memory_space<vmem>>) target_semaphore(%run_scoped3A : memref<!tpu.dma_semaphore, #tpu.memory_space<semaphore_mem>>)
      tpu.wait_dma2 semaphore(%run_scoped3A : memref<!tpu.dma_semaphore, #tpu.memory_space<semaphore_mem>>) src(%arg5 : memref<64x128xbf16, #tpu.memory_space<hbm>>) dst(%arg20 : memref<64x128xbf16, #tpu.memory_space<vmem>>)
      tpu.yield
    }) : () -> ()
    "tpu.region"() ({
      %run_scoped3A = tpu.sem_alloc : memref<!tpu.dma_semaphore, #tpu.memory_space<semaphore_mem>>
      tpu.enqueue_dma source(%arg6 : memref<64x16xf32, #tpu.memory_space<hbm>>) target(%arg21 : memref<64x16xf32, #tpu.memory_space<vmem>>) target_semaphore(%run_scoped3A : memref<!tpu.dma_semaphore, #tpu.memory_space<semaphore_mem>>)
      tpu.wait_dma2 semaphore(%run_scoped3A : memref<!tpu.dma_semaphore, #tpu.memory_space<semaphore_mem>>) src(%arg6 : memref<64x16xf32, #tpu.memory_space<hbm>>) dst(%arg21 : memref<64x16xf32, #tpu.memory_space<vmem>>)
      tpu.yield
    }) : () -> ()
    "tpu.region"() ({
      %run_scoped3A = tpu.sem_alloc : memref<!tpu.dma_semaphore, #tpu.memory_space<semaphore_mem>>
      tpu.enqueue_dma source(%arg7 : memref<80x16xf32, #tpu.memory_space<hbm>>) target(%arg19 : memref<80x16xf32, #tpu.memory_space<vmem>>) target_semaphore(%run_scoped3A : memref<!tpu.dma_semaphore, #tpu.memory_space<semaphore_mem>>)
      tpu.wait_dma2 semaphore(%run_scoped3A : memref<!tpu.dma_semaphore, #tpu.memory_space<semaphore_mem>>) src(%arg7 : memref<80x16xf32, #tpu.memory_space<hbm>>) dst(%arg19 : memref<80x16xf32, #tpu.memory_space<vmem>>)
      tpu.yield
    }) : () -> ()
    %scan3A = arith.constant 0 : i32
    %scan3A_1 = arith.constant 0 : i32
    %scan3A_2 = arith.constant 10 : i32
    %scan3A_3 = arith.addi %scan3A_1, %scan3A_2 : i32
    %scan3A_4 = arith.constant 1 : i32
    scf.for %scan3A_246 = %scan3A_1 to %scan3A_3 step %scan3A_4  : i32 {
      %mul3A_247 = arith.constant 640 : i32
      %mul3A_248 = arith.muli %arg1, %mul3A_247 : i32
      %mul3A_249 = arith.constant 64 : i32
      %mul3A_250 = arith.muli %scan3A_246, %mul3A_249 : i32
      %add3A_251 = arith.addi %mul3A_248, %mul3A_250 : i32
      %multiple_of3A_252 = tpu.assume_multiple %add3A_251, 8 : i32
      "tpu.region"() ({
        %run_scoped3A = tpu.sem_alloc : memref<!tpu.dma_semaphore, #tpu.memory_space<semaphore_mem>>
        %dma_start3A_253 = arith.constant 0 : i32
        %dma_start3A_254 = tpu.memref_slice %arg22[%multiple_of3A_252, %dma_start3A_253] : memref<10240x128xbf16, #tpu.memory_space<vmem_shared>> -> memref<64x128xbf16, #tpu.memory_space<vmem_shared>>
        %dma_start3A_255 = arith.constant 0 : i32
        %dma_start3A_256 = tpu.memref_slice %arg22[%multiple_of3A_252, %dma_start3A_255] : memref<10240x128xbf16, #tpu.memory_space<vmem_shared>> -> memref<64x128xbf16, #tpu.memory_space<vmem_shared>>
        tpu.enqueue_dma source(%arg20 : memref<64x128xbf16, #tpu.memory_space<vmem>>) target(%dma_start3A_256 : memref<64x128xbf16, #tpu.memory_space<vmem_shared>>) target_semaphore(%run_scoped3A : memref<!tpu.dma_semaphore, #tpu.memory_space<semaphore_mem>>)
        %dma_wait3A_257 = arith.constant 0 : i32
        %dma_wait3A_258 = tpu.memref_slice %arg22[%multiple_of3A_252, %dma_wait3A_257] : memref<10240x128xbf16, #tpu.memory_space<vmem_shared>> -> memref<64x128xbf16, #tpu.memory_space<vmem_shared>>
        %dma_wait3A_259 = arith.constant 0 : i32
        %dma_wait3A_260 = tpu.memref_slice %arg22[%multiple_of3A_252, %dma_wait3A_259] : memref<10240x128xbf16, #tpu.memory_space<vmem_shared>> -> memref<64x128xbf16, #tpu.memory_space<vmem_shared>>
        tpu.wait_dma2 semaphore(%run_scoped3A : memref<!tpu.dma_semaphore, #tpu.memory_space<semaphore_mem>>) src(%arg20 : memref<64x128xbf16, #tpu.memory_space<vmem>>) dst(%dma_wait3A_260 : memref<64x128xbf16, #tpu.memory_space<vmem_shared>>)
        tpu.yield
      }) : () -> ()
      "tpu.region"() ({
        %run_scoped3A = tpu.sem_alloc : memref<!tpu.dma_semaphore, #tpu.memory_space<semaphore_mem>>
        %dma_start3A_253 = arith.constant 0 : i32
        %dma_start3A_254 = tpu.memref_slice %arg23[%multiple_of3A_252, %dma_start3A_253] : memref<10240x16xf32, #tpu.memory_space<vmem_shared>> -> memref<64x16xf32, #tpu.memory_space<vmem_shared>>
        %dma_start3A_255 = arith.constant 0 : i32
        %dma_start3A_256 = tpu.memref_slice %arg23[%multiple_of3A_252, %dma_start3A_255] : memref<10240x16xf32, #tpu.memory_space<vmem_shared>> -> memref<64x16xf32, #tpu.memory_space<vmem_shared>>
        tpu.enqueue_dma source(%arg21 : memref<64x16xf32, #tpu.memory_space<vmem>>) target(%dma_start3A_256 : memref<64x16xf32, #tpu.memory_space<vmem_shared>>) target_semaphore(%run_scoped3A : memref<!tpu.dma_semaphore, #tpu.memory_space<semaphore_mem>>)
        %dma_wait3A_257 = arith.constant 0 : i32
        %dma_wait3A_258 = tpu.memref_slice %arg23[%multiple_of3A_252, %dma_wait3A_257] : memref<10240x16xf32, #tpu.memory_space<vmem_shared>> -> memref<64x16xf32, #tpu.memory_space<vmem_shared>>
        %dma_wait3A_259 = arith.constant 0 : i32
        %dma_wait3A_260 = tpu.memref_slice %arg23[%multiple_of3A_252, %dma_wait3A_259] : memref<10240x16xf32, #tpu.memory_space<vmem_shared>> -> memref<64x16xf32, #tpu.memory_space<vmem_shared>>
        tpu.wait_dma2 semaphore(%run_scoped3A : memref<!tpu.dma_semaphore, #tpu.memory_space<semaphore_mem>>) src(%arg21 : memref<64x16xf32, #tpu.memory_space<vmem>>) dst(%dma_wait3A_260 : memref<64x16xf32, #tpu.memory_space<vmem_shared>>)
        tpu.yield
      }) : () -> ()
    }
    %scan3A_5 = arith.constant 10 : i32
    %barrier3A = arith.constant 0 : index
    tpu.barrier barrier_id(%barrier3A)
    %mul3A_6 = arith.constant 10000 : i32
    %mul3A_7 = arith.muli %add3A, %mul3A_6 : i32
    %add3A_8 = arith.constant 0 : i32
    %add3A_9 = arith.addi %mul3A_7, %add3A_8 : i32
    %multiple_of3A = tpu.assume_multiple %add3A_9, 8 : i32
    %dma_start3A = tpu.memref_slice %arg3[%multiple_of3A] : memref<320000xi32, #tpu.memory_space<hbm>> -> memref<80xi32, #tpu.memory_space<hbm>>
    %dma_start3A_10 = tpu.memref_slice %arg3[%multiple_of3A] : memref<320000xi32, #tpu.memory_space<hbm>> -> memref<80xi32, #tpu.memory_space<hbm>>
    tpu.enqueue_dma source(%dma_start3A_10 : memref<80xi32, #tpu.memory_space<hbm>>) target(%arg10 : memref<80xi32, #tpu.memory_space<vmem>>) target_semaphore(%arg33 : memref<!tpu.dma_semaphore, #tpu.memory_space<semaphore_mem>>)
    %mul3A_11 = arith.constant 10000 : i32
    %mul3A_12 = arith.muli %add3A, %mul3A_11 : i32
    %add3A_13 = arith.constant 0 : i32
    %add3A_14 = arith.addi %mul3A_12, %add3A_13 : i32
    %multiple_of3A_15 = tpu.assume_multiple %add3A_14, 8 : i32
    %dma_start3A_16 = tpu.memref_slice %arg4[%multiple_of3A_15] : memref<320000xi32, #tpu.memory_space<hbm>> -> memref<80xi32, #tpu.memory_space<hbm>>
    %dma_start3A_17 = tpu.memref_slice %arg4[%multiple_of3A_15] : memref<320000xi32, #tpu.memory_space<hbm>> -> memref<80xi32, #tpu.memory_space<hbm>>
    tpu.enqueue_dma source(%dma_start3A_17 : memref<80xi32, #tpu.memory_space<hbm>>) target(%arg13 : memref<80xi32, #tpu.memory_space<vmem>>) target_semaphore(%arg36 : memref<!tpu.dma_semaphore, #tpu.memory_space<semaphore_mem>>)
    %mul3A_18 = arith.constant 10000 : i32
    %mul3A_19 = arith.muli %add3A, %mul3A_18 : i32
    %add3A_20 = arith.constant 80 : i32
    %add3A_21 = arith.addi %mul3A_19, %add3A_20 : i32
    %multiple_of3A_22 = tpu.assume_multiple %add3A_21, 8 : i32
    %dma_start3A_23 = tpu.memref_slice %arg3[%multiple_of3A_22] : memref<320000xi32, #tpu.memory_space<hbm>> -> memref<80xi32, #tpu.memory_space<hbm>>
    %dma_start3A_24 = tpu.memref_slice %arg3[%multiple_of3A_22] : memref<320000xi32, #tpu.memory_space<hbm>> -> memref<80xi32, #tpu.memory_space<hbm>>
    tpu.enqueue_dma source(%dma_start3A_24 : memref<80xi32, #tpu.memory_space<hbm>>) target(%arg11 : memref<80xi32, #tpu.memory_space<vmem>>) target_semaphore(%arg34 : memref<!tpu.dma_semaphore, #tpu.memory_space<semaphore_mem>>)
    %mul3A_25 = arith.constant 10000 : i32
    %mul3A_26 = arith.muli %add3A, %mul3A_25 : i32
    %add3A_27 = arith.constant 80 : i32
    %add3A_28 = arith.addi %mul3A_26, %add3A_27 : i32
    %multiple_of3A_29 = tpu.assume_multiple %add3A_28, 8 : i32
    %dma_start3A_30 = tpu.memref_slice %arg4[%multiple_of3A_29] : memref<320000xi32, #tpu.memory_space<hbm>> -> memref<80xi32, #tpu.memory_space<hbm>>
    %dma_start3A_31 = tpu.memref_slice %arg4[%multiple_of3A_29] : memref<320000xi32, #tpu.memory_space<hbm>> -> memref<80xi32, #tpu.memory_space<hbm>>
    tpu.enqueue_dma source(%dma_start3A_31 : memref<80xi32, #tpu.memory_space<hbm>>) target(%arg14 : memref<80xi32, #tpu.memory_space<vmem>>) target_semaphore(%arg37 : memref<!tpu.dma_semaphore, #tpu.memory_space<semaphore_mem>>)
    %mul3A_32 = arith.constant 10000 : i32
    %mul3A_33 = arith.muli %add3A, %mul3A_32 : i32
    %add3A_34 = arith.constant 160 : i32
    %add3A_35 = arith.addi %mul3A_33, %add3A_34 : i32
    %multiple_of3A_36 = tpu.assume_multiple %add3A_35, 8 : i32
    %dma_start3A_37 = tpu.memref_slice %arg3[%multiple_of3A_36] : memref<320000xi32, #tpu.memory_space<hbm>> -> memref<80xi32, #tpu.memory_space<hbm>>
    %dma_start3A_38 = tpu.memref_slice %arg3[%multiple_of3A_36] : memref<320000xi32, #tpu.memory_space<hbm>> -> memref<80xi32, #tpu.memory_space<hbm>>
    tpu.enqueue_dma source(%dma_start3A_38 : memref<80xi32, #tpu.memory_space<hbm>>) target(%arg12 : memref<80xi32, #tpu.memory_space<vmem>>) target_semaphore(%arg35 : memref<!tpu.dma_semaphore, #tpu.memory_space<semaphore_mem>>)
    %mul3A_39 = arith.constant 10000 : i32
    %mul3A_40 = arith.muli %add3A, %mul3A_39 : i32
    %add3A_41 = arith.constant 0 : i32
    %add3A_42 = arith.addi %mul3A_40, %add3A_41 : i32
    %multiple_of3A_43 = tpu.assume_multiple %add3A_42, 8 : i32
    %dma_wait3A = tpu.memref_slice %arg3[%multiple_of3A_43] : memref<320000xi32, #tpu.memory_space<hbm>> -> memref<80xi32, #tpu.memory_space<hbm>>
    %dma_wait3A_44 = tpu.memref_slice %arg3[%multiple_of3A_43] : memref<320000xi32, #tpu.memory_space<hbm>> -> memref<80xi32, #tpu.memory_space<hbm>>
    tpu.wait_dma2 semaphore(%arg33 : memref<!tpu.dma_semaphore, #tpu.memory_space<semaphore_mem>>) src(%dma_wait3A_44 : memref<80xi32, #tpu.memory_space<hbm>>) dst(%arg10 : memref<80xi32, #tpu.memory_space<vmem>>)
    %dma_start3A_45 = arith.constant 0 : i32
    %dma_start3A_46 = arith.constant 0 : i32
    %dma_start3A_47 = tpu.memref_slice %arg2[%dma_start3A_45, %dma_start3A_46] : memref<10240x128xbf16, #tpu.memory_space<hbm>> -> memref<10240x128xbf16, #tpu.memory_space<hbm>>
    tpu.enqueue_indirect_dma source(%dma_start3A_47 : memref<10240x128xbf16, #tpu.memory_space<hbm>>) target(%arg16 : memref<80x128xbf16, #tpu.memory_space<vmem>>) offsets(%arg10 : memref<80xi32, #tpu.memory_space<vmem>>) semaphore(%arg24 : memref<!tpu.dma_semaphore, #tpu.memory_space<semaphore_mem>>)
    %mul3A_48 = arith.constant 10000 : i32
    %mul3A_49 = arith.muli %add3A, %mul3A_48 : i32
    %add3A_50 = arith.constant 80 : i32
    %add3A_51 = arith.addi %mul3A_49, %add3A_50 : i32
    %multiple_of3A_52 = tpu.assume_multiple %add3A_51, 8 : i32
    %dma_wait3A_53 = tpu.memref_slice %arg3[%multiple_of3A_52] : memref<320000xi32, #tpu.memory_space<hbm>> -> memref<80xi32, #tpu.memory_space<hbm>>
    %dma_wait3A_54 = tpu.memref_slice %arg3[%multiple_of3A_52] : memref<320000xi32, #tpu.memory_space<hbm>> -> memref<80xi32, #tpu.memory_space<hbm>>
    tpu.wait_dma2 semaphore(%arg34 : memref<!tpu.dma_semaphore, #tpu.memory_space<semaphore_mem>>) src(%dma_wait3A_54 : memref<80xi32, #tpu.memory_space<hbm>>) dst(%arg11 : memref<80xi32, #tpu.memory_space<vmem>>)
    %dma_start3A_55 = arith.constant 0 : i32
    %dma_start3A_56 = arith.constant 0 : i32
    %dma_start3A_57 = tpu.memref_slice %arg2[%dma_start3A_55, %dma_start3A_56] : memref<10240x128xbf16, #tpu.memory_space<hbm>> -> memref<10240x128xbf16, #tpu.memory_space<hbm>>
    tpu.enqueue_indirect_dma source(%dma_start3A_57 : memref<10240x128xbf16, #tpu.memory_space<hbm>>) target(%arg17 : memref<80x128xbf16, #tpu.memory_space<vmem>>) offsets(%arg11 : memref<80xi32, #tpu.memory_space<vmem>>) semaphore(%arg25 : memref<!tpu.dma_semaphore, #tpu.memory_space<semaphore_mem>>)
    %dma_wait3A_58 = arith.constant 0 : i32
    %dma_wait3A_59 = arith.constant 0 : i32
    %dma_wait3A_60 = tpu.memref_slice %arg2[%dma_wait3A_58, %dma_wait3A_59] : memref<10240x128xbf16, #tpu.memory_space<hbm>> -> memref<10240x128xbf16, #tpu.memory_space<hbm>>
    tpu.wait_indirect_dma semaphore(%arg24 : memref<!tpu.dma_semaphore, #tpu.memory_space<semaphore_mem>>) src(%dma_wait3A_60 : memref<10240x128xbf16, #tpu.memory_space<hbm>>) dst(%arg16 : memref<80x128xbf16, #tpu.memory_space<vmem>>)
    %mul3A_61 = arith.constant 10000 : i32
    %mul3A_62 = arith.muli %add3A, %mul3A_61 : i32
    %add3A_63 = arith.constant 0 : i32
    %add3A_64 = arith.addi %mul3A_62, %add3A_63 : i32
    %multiple_of3A_65 = tpu.assume_multiple %add3A_64, 8 : i32
    %dma_wait3A_66 = tpu.memref_slice %arg4[%multiple_of3A_65] : memref<320000xi32, #tpu.memory_space<hbm>> -> memref<80xi32, #tpu.memory_space<hbm>>
    %dma_wait3A_67 = tpu.memref_slice %arg4[%multiple_of3A_65] : memref<320000xi32, #tpu.memory_space<hbm>> -> memref<80xi32, #tpu.memory_space<hbm>>
    tpu.wait_dma2 semaphore(%arg36 : memref<!tpu.dma_semaphore, #tpu.memory_space<semaphore_mem>>) src(%dma_wait3A_67 : memref<80xi32, #tpu.memory_space<hbm>>) dst(%arg13 : memref<80xi32, #tpu.memory_space<vmem>>)
    %dma_start3A_68 = arith.constant 0 : i32
    %dma_start3A_69 = arith.constant 0 : i32
    %dma_start3A_70 = tpu.memref_slice %arg22[%dma_start3A_68, %dma_start3A_69] : memref<10240x128xbf16, #tpu.memory_space<vmem_shared>> -> memref<10240x128xbf16, #tpu.memory_space<vmem_shared>>
    tpu.enqueue_indirect_dma source(%arg16 : memref<80x128xbf16, #tpu.memory_space<vmem>>) target(%dma_start3A_70 : memref<10240x128xbf16, #tpu.memory_space<vmem_shared>>) offsets(%arg13 : memref<80xi32, #tpu.memory_space<vmem>>) semaphore(%arg27 : memref<!tpu.dma_semaphore, #tpu.memory_space<semaphore_mem>>) {add = true}
    %dma_start3A_71 = arith.constant 0 : i32
    %dma_start3A_72 = arith.constant 0 : i32
    %dma_start3A_73 = tpu.memref_slice %arg23[%dma_start3A_71, %dma_start3A_72] : memref<10240x16xf32, #tpu.memory_space<vmem_shared>> -> memref<10240x16xf32, #tpu.memory_space<vmem_shared>>
    tpu.enqueue_indirect_dma source(%arg19 : memref<80x16xf32, #tpu.memory_space<vmem>>) target(%dma_start3A_73 : memref<10240x16xf32, #tpu.memory_space<vmem_shared>>) offsets(%arg13 : memref<80xi32, #tpu.memory_space<vmem>>) semaphore(%arg30 : memref<!tpu.dma_semaphore, #tpu.memory_space<semaphore_mem>>) {add = true}
    %mul3A_74 = arith.constant 10000 : i32
    %mul3A_75 = arith.muli %add3A, %mul3A_74 : i32
    %add3A_76 = arith.constant 160 : i32
    %add3A_77 = arith.addi %mul3A_75, %add3A_76 : i32
    %multiple_of3A_78 = tpu.assume_multiple %add3A_77, 8 : i32
    %dma_wait3A_79 = tpu.memref_slice %arg3[%multiple_of3A_78] : memref<320000xi32, #tpu.memory_space<hbm>> -> memref<80xi32, #tpu.memory_space<hbm>>
    %dma_wait3A_80 = tpu.memref_slice %arg3[%multiple_of3A_78] : memref<320000xi32, #tpu.memory_space<hbm>> -> memref<80xi32, #tpu.memory_space<hbm>>
    tpu.wait_dma2 semaphore(%arg35 : memref<!tpu.dma_semaphore, #tpu.memory_space<semaphore_mem>>) src(%dma_wait3A_80 : memref<80xi32, #tpu.memory_space<hbm>>) dst(%arg12 : memref<80xi32, #tpu.memory_space<vmem>>)
    %dma_start3A_81 = arith.constant 0 : i32
    %dma_start3A_82 = arith.constant 0 : i32
    %dma_start3A_83 = tpu.memref_slice %arg2[%dma_start3A_81, %dma_start3A_82] : memref<10240x128xbf16, #tpu.memory_space<hbm>> -> memref<10240x128xbf16, #tpu.memory_space<hbm>>
    tpu.enqueue_indirect_dma source(%dma_start3A_83 : memref<10240x128xbf16, #tpu.memory_space<hbm>>) target(%arg18 : memref<80x128xbf16, #tpu.memory_space<vmem>>) offsets(%arg12 : memref<80xi32, #tpu.memory_space<vmem>>) semaphore(%arg26 : memref<!tpu.dma_semaphore, #tpu.memory_space<semaphore_mem>>)
    %mul3A_84 = arith.constant 10000 : i32
    %mul3A_85 = arith.muli %add3A, %mul3A_84 : i32
    %add3A_86 = arith.constant 160 : i32
    %add3A_87 = arith.addi %mul3A_85, %add3A_86 : i32
    %multiple_of3A_88 = tpu.assume_multiple %add3A_87, 8 : i32
    %dma_start3A_89 = tpu.memref_slice %arg4[%multiple_of3A_88] : memref<320000xi32, #tpu.memory_space<hbm>> -> memref<80xi32, #tpu.memory_space<hbm>>
    %dma_start3A_90 = tpu.memref_slice %arg4[%multiple_of3A_88] : memref<320000xi32, #tpu.memory_space<hbm>> -> memref<80xi32, #tpu.memory_space<hbm>>
    tpu.enqueue_dma source(%dma_start3A_90 : memref<80xi32, #tpu.memory_space<hbm>>) target(%arg15 : memref<80xi32, #tpu.memory_space<vmem>>) target_semaphore(%arg38 : memref<!tpu.dma_semaphore, #tpu.memory_space<semaphore_mem>>)
    %mul3A_91 = arith.constant 10000 : i32
    %mul3A_92 = arith.muli %add3A, %mul3A_91 : i32
    %add3A_93 = arith.constant 240 : i32
    %add3A_94 = arith.addi %mul3A_92, %add3A_93 : i32
    %multiple_of3A_95 = tpu.assume_multiple %add3A_94, 8 : i32
    %dma_start3A_96 = tpu.memref_slice %arg3[%multiple_of3A_95] : memref<320000xi32, #tpu.memory_space<hbm>> -> memref<80xi32, #tpu.memory_space<hbm>>
    %dma_start3A_97 = tpu.memref_slice %arg3[%multiple_of3A_95] : memref<320000xi32, #tpu.memory_space<hbm>> -> memref<80xi32, #tpu.memory_space<hbm>>
    tpu.enqueue_dma source(%dma_start3A_97 : memref<80xi32, #tpu.memory_space<hbm>>) target(%arg10 : memref<80xi32, #tpu.memory_space<vmem>>) target_semaphore(%arg33 : memref<!tpu.dma_semaphore, #tpu.memory_space<semaphore_mem>>)
    %dma_wait3A_98 = arith.constant 0 : i32
    %dma_wait3A_99 = arith.constant 0 : i32
    %dma_wait3A_100 = tpu.memref_slice %arg2[%dma_wait3A_98, %dma_wait3A_99] : memref<10240x128xbf16, #tpu.memory_space<hbm>> -> memref<10240x128xbf16, #tpu.memory_space<hbm>>
    tpu.wait_indirect_dma semaphore(%arg25 : memref<!tpu.dma_semaphore, #tpu.memory_space<semaphore_mem>>) src(%dma_wait3A_100 : memref<10240x128xbf16, #tpu.memory_space<hbm>>) dst(%arg17 : memref<80x128xbf16, #tpu.memory_space<vmem>>)
    %mul3A_101 = arith.constant 10000 : i32
    %mul3A_102 = arith.muli %add3A, %mul3A_101 : i32
    %add3A_103 = arith.constant 80 : i32
    %add3A_104 = arith.addi %mul3A_102, %add3A_103 : i32
    %multiple_of3A_105 = tpu.assume_multiple %add3A_104, 8 : i32
    %dma_wait3A_106 = tpu.memref_slice %arg4[%multiple_of3A_105] : memref<320000xi32, #tpu.memory_space<hbm>> -> memref<80xi32, #tpu.memory_space<hbm>>
    %dma_wait3A_107 = tpu.memref_slice %arg4[%multiple_of3A_105] : memref<320000xi32, #tpu.memory_space<hbm>> -> memref<80xi32, #tpu.memory_space<hbm>>
    tpu.wait_dma2 semaphore(%arg37 : memref<!tpu.dma_semaphore, #tpu.memory_space<semaphore_mem>>) src(%dma_wait3A_107 : memref<80xi32, #tpu.memory_space<hbm>>) dst(%arg14 : memref<80xi32, #tpu.memory_space<vmem>>)
    %dma_start3A_108 = arith.constant 0 : i32
    %dma_start3A_109 = arith.constant 0 : i32
    %dma_start3A_110 = tpu.memref_slice %arg22[%dma_start3A_108, %dma_start3A_109] : memref<10240x128xbf16, #tpu.memory_space<vmem_shared>> -> memref<10240x128xbf16, #tpu.memory_space<vmem_shared>>
    tpu.enqueue_indirect_dma source(%arg17 : memref<80x128xbf16, #tpu.memory_space<vmem>>) target(%dma_start3A_110 : memref<10240x128xbf16, #tpu.memory_space<vmem_shared>>) offsets(%arg14 : memref<80xi32, #tpu.memory_space<vmem>>) semaphore(%arg28 : memref<!tpu.dma_semaphore, #tpu.memory_space<semaphore_mem>>) {add = true}
    %dma_start3A_111 = arith.constant 0 : i32
    %dma_start3A_112 = arith.constant 0 : i32
    %dma_start3A_113 = tpu.memref_slice %arg23[%dma_start3A_111, %dma_start3A_112] : memref<10240x16xf32, #tpu.memory_space<vmem_shared>> -> memref<10240x16xf32, #tpu.memory_space<vmem_shared>>
    tpu.enqueue_indirect_dma source(%arg19 : memref<80x16xf32, #tpu.memory_space<vmem>>) target(%dma_start3A_113 : memref<10240x16xf32, #tpu.memory_space<vmem_shared>>) offsets(%arg14 : memref<80xi32, #tpu.memory_space<vmem>>) semaphore(%arg31 : memref<!tpu.dma_semaphore, #tpu.memory_space<semaphore_mem>>) {add = true}
    %dma_wait3A_114 = arith.constant 0 : i32
    %dma_wait3A_115 = arith.constant 0 : i32
    %dma_wait3A_116 = tpu.memref_slice %arg22[%dma_wait3A_114, %dma_wait3A_115] : memref<10240x128xbf16, #tpu.memory_space<vmem_shared>> -> memref<10240x128xbf16, #tpu.memory_space<vmem_shared>>
    tpu.wait_indirect_dma semaphore(%arg27 : memref<!tpu.dma_semaphore, #tpu.memory_space<semaphore_mem>>) src(%arg16 : memref<80x128xbf16, #tpu.memory_space<vmem>>) dst(%dma_wait3A_116 : memref<10240x128xbf16, #tpu.memory_space<vmem_shared>>)
    %dma_wait3A_117 = arith.constant 0 : i32
    %dma_wait3A_118 = arith.constant 0 : i32
    %dma_wait3A_119 = tpu.memref_slice %arg23[%dma_wait3A_117, %dma_wait3A_118] : memref<10240x16xf32, #tpu.memory_space<vmem_shared>> -> memref<10240x16xf32, #tpu.memory_space<vmem_shared>>
    tpu.wait_indirect_dma semaphore(%arg30 : memref<!tpu.dma_semaphore, #tpu.memory_space<semaphore_mem>>) src(%arg19 : memref<80x16xf32, #tpu.memory_space<vmem>>) dst(%dma_wait3A_119 : memref<10240x16xf32, #tpu.memory_space<vmem_shared>>)
    %mul3A_120 = arith.constant 10000 : i32
    %mul3A_121 = arith.muli %add3A, %mul3A_120 : i32
    %add3A_122 = arith.constant 240 : i32
    %add3A_123 = arith.addi %mul3A_121, %add3A_122 : i32
    %multiple_of3A_124 = tpu.assume_multiple %add3A_123, 8 : i32
    %dma_wait3A_125 = tpu.memref_slice %arg3[%multiple_of3A_124] : memref<320000xi32, #tpu.memory_space<hbm>> -> memref<80xi32, #tpu.memory_space<hbm>>
    %dma_wait3A_126 = tpu.memref_slice %arg3[%multiple_of3A_124] : memref<320000xi32, #tpu.memory_space<hbm>> -> memref<80xi32, #tpu.memory_space<hbm>>
    tpu.wait_dma2 semaphore(%arg33 : memref<!tpu.dma_semaphore, #tpu.memory_space<semaphore_mem>>) src(%dma_wait3A_126 : memref<80xi32, #tpu.memory_space<hbm>>) dst(%arg10 : memref<80xi32, #tpu.memory_space<vmem>>)
    %dma_start3A_127 = arith.constant 0 : i32
    %dma_start3A_128 = arith.constant 0 : i32
    %dma_start3A_129 = tpu.memref_slice %arg2[%dma_start3A_127, %dma_start3A_128] : memref<10240x128xbf16, #tpu.memory_space<hbm>> -> memref<10240x128xbf16, #tpu.memory_space<hbm>>
    tpu.enqueue_indirect_dma source(%dma_start3A_129 : memref<10240x128xbf16, #tpu.memory_space<hbm>>) target(%arg16 : memref<80x128xbf16, #tpu.memory_space<vmem>>) offsets(%arg10 : memref<80xi32, #tpu.memory_space<vmem>>) semaphore(%arg24 : memref<!tpu.dma_semaphore, #tpu.memory_space<semaphore_mem>>)
    %mul3A_130 = arith.constant 10000 : i32
    %mul3A_131 = arith.muli %add3A, %mul3A_130 : i32
    %add3A_132 = arith.constant 240 : i32
    %add3A_133 = arith.addi %mul3A_131, %add3A_132 : i32
    %multiple_of3A_134 = tpu.assume_multiple %add3A_133, 8 : i32
    %dma_start3A_135 = tpu.memref_slice %arg4[%multiple_of3A_134] : memref<320000xi32, #tpu.memory_space<hbm>> -> memref<80xi32, #tpu.memory_space<hbm>>
    %dma_start3A_136 = tpu.memref_slice %arg4[%multiple_of3A_134] : memref<320000xi32, #tpu.memory_space<hbm>> -> memref<80xi32, #tpu.memory_space<hbm>>
    tpu.enqueue_dma source(%dma_start3A_136 : memref<80xi32, #tpu.memory_space<hbm>>) target(%arg13 : memref<80xi32, #tpu.memory_space<vmem>>) target_semaphore(%arg36 : memref<!tpu.dma_semaphore, #tpu.memory_space<semaphore_mem>>)
    %mul3A_137 = arith.constant 10000 : i32
    %mul3A_138 = arith.muli %add3A, %mul3A_137 : i32
    %add3A_139 = arith.constant 320 : i32
    %add3A_140 = arith.addi %mul3A_138, %add3A_139 : i32
    %multiple_of3A_141 = tpu.assume_multiple %add3A_140, 8 : i32
    %dma_start3A_142 = tpu.memref_slice %arg3[%multiple_of3A_141] : memref<320000xi32, #tpu.memory_space<hbm>> -> memref<80xi32, #tpu.memory_space<hbm>>
    %dma_start3A_143 = tpu.memref_slice %arg3[%multiple_of3A_141] : memref<320000xi32, #tpu.memory_space<hbm>> -> memref<80xi32, #tpu.memory_space<hbm>>
    tpu.enqueue_dma source(%dma_start3A_143 : memref<80xi32, #tpu.memory_space<hbm>>) target(%arg11 : memref<80xi32, #tpu.memory_space<vmem>>) target_semaphore(%arg34 : memref<!tpu.dma_semaphore, #tpu.memory_space<semaphore_mem>>)
    %scan3A_144 = arith.constant 0 : i32
    %scan3A_145 = arith.constant 0 : i32
    %scan3A_146 = arith.constant 40 : i32
    %scan3A_147 = arith.addi %scan3A_145, %scan3A_146 : i32
    %scan3A_148 = arith.constant 1 : i32
    scf.for %scan3A_246 = %scan3A_145 to %scan3A_147 step %scan3A_148  : i32 {
      %mul3A_247 = arith.constant 3 : i32
      %mul3A_248 = arith.muli %mul3A_247, %scan3A_246 : i32
      %add3A_249 = arith.constant 2 : i32
      %add3A_250 = arith.addi %mul3A_248, %add3A_249 : i32
      %dma_wait3A_251 = arith.constant 0 : i32
      %dma_wait3A_252 = arith.constant 0 : i32
      %dma_wait3A_253 = tpu.memref_slice %arg2[%dma_wait3A_251, %dma_wait3A_252] : memref<10240x128xbf16, #tpu.memory_space<hbm>> -> memref<10240x128xbf16, #tpu.memory_space<hbm>>
      tpu.wait_indirect_dma semaphore(%arg26 : memref<!tpu.dma_semaphore, #tpu.memory_space<semaphore_mem>>) src(%dma_wait3A_253 : memref<10240x128xbf16, #tpu.memory_space<hbm>>) dst(%arg18 : memref<80x128xbf16, #tpu.memory_space<vmem>>)
      %mul3A_254 = arith.constant 10000 : i32
      %mul3A_255 = arith.muli %add3A, %mul3A_254 : i32
      %mul3A_256 = arith.constant 80 : i32
      %mul3A_257 = arith.muli %add3A_250, %mul3A_256 : i32
      %add3A_258 = arith.addi %mul3A_255, %mul3A_257 : i32
      %multiple_of3A_259 = tpu.assume_multiple %add3A_258, 8 : i32
      %dma_wait3A_260 = tpu.memref_slice %arg4[%multiple_of3A_259] : memref<320000xi32, #tpu.memory_space<hbm>> -> memref<80xi32, #tpu.memory_space<hbm>>
      %dma_wait3A_261 = tpu.memref_slice %arg4[%multiple_of3A_259] : memref<320000xi32, #tpu.memory_space<hbm>> -> memref<80xi32, #tpu.memory_space<hbm>>
      tpu.wait_dma2 semaphore(%arg38 : memref<!tpu.dma_semaphore, #tpu.memory_space<semaphore_mem>>) src(%dma_wait3A_261 : memref<80xi32, #tpu.memory_space<hbm>>) dst(%arg15 : memref<80xi32, #tpu.memory_space<vmem>>)
      %dma_start3A_262 = arith.constant 0 : i32
      %dma_start3A_263 = arith.constant 0 : i32
      %dma_start3A_264 = tpu.memref_slice %arg22[%dma_start3A_262, %dma_start3A_263] : memref<10240x128xbf16, #tpu.memory_space<vmem_shared>> -> memref<10240x128xbf16, #tpu.memory_space<vmem_shared>>
      tpu.enqueue_indirect_dma source(%arg18 : memref<80x128xbf16, #tpu.memory_space<vmem>>) target(%dma_start3A_264 : memref<10240x128xbf16, #tpu.memory_space<vmem_shared>>) offsets(%arg15 : memref<80xi32, #tpu.memory_space<vmem>>) semaphore(%arg29 : memref<!tpu.dma_semaphore, #tpu.memory_space<semaphore_mem>>) {add = true}
      %dma_start3A_265 = arith.constant 0 : i32
      %dma_start3A_266 = arith.constant 0 : i32
      %dma_start3A_267 = tpu.memref_slice %arg23[%dma_start3A_265, %dma_start3A_266] : memref<10240x16xf32, #tpu.memory_space<vmem_shared>> -> memref<10240x16xf32, #tpu.memory_space<vmem_shared>>
      tpu.enqueue_indirect_dma source(%arg19 : memref<80x16xf32, #tpu.memory_space<vmem>>) target(%dma_start3A_267 : memref<10240x16xf32, #tpu.memory_space<vmem_shared>>) offsets(%arg15 : memref<80xi32, #tpu.memory_space<vmem>>) semaphore(%arg32 : memref<!tpu.dma_semaphore, #tpu.memory_space<semaphore_mem>>) {add = true}
      %dma_wait3A_268 = arith.constant 0 : i32
      %dma_wait3A_269 = arith.constant 0 : i32
      %dma_wait3A_270 = tpu.memref_slice %arg22[%dma_wait3A_268, %dma_wait3A_269] : memref<10240x128xbf16, #tpu.memory_space<vmem_shared>> -> memref<10240x128xbf16, #tpu.memory_space<vmem_shared>>
      tpu.wait_indirect_dma semaphore(%arg28 : memref<!tpu.dma_semaphore, #tpu.memory_space<semaphore_mem>>) src(%arg17 : memref<80x128xbf16, #tpu.memory_space<vmem>>) dst(%dma_wait3A_270 : memref<10240x128xbf16, #tpu.memory_space<vmem_shared>>)
      %dma_wait3A_271 = arith.constant 0 : i32
      %dma_wait3A_272 = arith.constant 0 : i32
      %dma_wait3A_273 = tpu.memref_slice %arg23[%dma_wait3A_271, %dma_wait3A_272] : memref<10240x16xf32, #tpu.memory_space<vmem_shared>> -> memref<10240x16xf32, #tpu.memory_space<vmem_shared>>
      tpu.wait_indirect_dma semaphore(%arg31 : memref<!tpu.dma_semaphore, #tpu.memory_space<semaphore_mem>>) src(%arg19 : memref<80x16xf32, #tpu.memory_space<vmem>>) dst(%dma_wait3A_273 : memref<10240x16xf32, #tpu.memory_space<vmem_shared>>)
      %add3A_274 = arith.constant 2 : i32
      %add3A_275 = arith.addi %add3A_250, %add3A_274 : i32
      %mul3A_276 = arith.constant 10000 : i32
      %mul3A_277 = arith.muli %add3A, %mul3A_276 : i32
      %mul3A_278 = arith.constant 80 : i32
      %mul3A_279 = arith.muli %add3A_275, %mul3A_278 : i32
      %add3A_280 = arith.addi %mul3A_277, %mul3A_279 : i32
      %multiple_of3A_281 = tpu.assume_multiple %add3A_280, 8 : i32
      %dma_wait3A_282 = tpu.memref_slice %arg3[%multiple_of3A_281] : memref<320000xi32, #tpu.memory_space<hbm>> -> memref<80xi32, #tpu.memory_space<hbm>>
      %dma_wait3A_283 = tpu.memref_slice %arg3[%multiple_of3A_281] : memref<320000xi32, #tpu.memory_space<hbm>> -> memref<80xi32, #tpu.memory_space<hbm>>
      tpu.wait_dma2 semaphore(%arg34 : memref<!tpu.dma_semaphore, #tpu.memory_space<semaphore_mem>>) src(%dma_wait3A_283 : memref<80xi32, #tpu.memory_space<hbm>>) dst(%arg11 : memref<80xi32, #tpu.memory_space<vmem>>)
      %dma_start3A_284 = arith.constant 0 : i32
      %dma_start3A_285 = arith.constant 0 : i32
      %dma_start3A_286 = tpu.memref_slice %arg2[%dma_start3A_284, %dma_start3A_285] : memref<10240x128xbf16, #tpu.memory_space<hbm>> -> memref<10240x128xbf16, #tpu.memory_space<hbm>>
      tpu.enqueue_indirect_dma source(%dma_start3A_286 : memref<10240x128xbf16, #tpu.memory_space<hbm>>) target(%arg17 : memref<80x128xbf16, #tpu.memory_space<vmem>>) offsets(%arg11 : memref<80xi32, #tpu.memory_space<vmem>>) semaphore(%arg25 : memref<!tpu.dma_semaphore, #tpu.memory_space<semaphore_mem>>)
      %add3A_287 = arith.constant 2 : i32
      %add3A_288 = arith.addi %add3A_250, %add3A_287 : i32
      %mul3A_289 = arith.constant 10000 : i32
      %mul3A_290 = arith.muli %add3A, %mul3A_289 : i32
      %mul3A_291 = arith.constant 80 : i32
      %mul3A_292 = arith.muli %add3A_288, %mul3A_291 : i32
      %add3A_293 = arith.addi %mul3A_290, %mul3A_292 : i32
      %multiple_of3A_294 = tpu.assume_multiple %add3A_293, 8 : i32
      %dma_start3A_295 = tpu.memref_slice %arg4[%multiple_of3A_294] : memref<320000xi32, #tpu.memory_space<hbm>> -> memref<80xi32, #tpu.memory_space<hbm>>
      %dma_start3A_296 = tpu.memref_slice %arg4[%multiple_of3A_294] : memref<320000xi32, #tpu.memory_space<hbm>> -> memref<80xi32, #tpu.memory_space<hbm>>
      tpu.enqueue_dma source(%dma_start3A_296 : memref<80xi32, #tpu.memory_space<hbm>>) target(%arg14 : memref<80xi32, #tpu.memory_space<vmem>>) target_semaphore(%arg37 : memref<!tpu.dma_semaphore, #tpu.memory_space<semaphore_mem>>)
      %add3A_297 = arith.constant 3 : i32
      %add3A_298 = arith.addi %add3A_250, %add3A_297 : i32
      %mul3A_299 = arith.constant 10000 : i32
      %mul3A_300 = arith.muli %add3A, %mul3A_299 : i32
      %mul3A_301 = arith.constant 80 : i32
      %mul3A_302 = arith.muli %add3A_298, %mul3A_301 : i32
      %add3A_303 = arith.addi %mul3A_300, %mul3A_302 : i32
      %multiple_of3A_304 = tpu.assume_multiple %add3A_303, 8 : i32
      %dma_start3A_305 = tpu.memref_slice %arg3[%multiple_of3A_304] : memref<320000xi32, #tpu.memory_space<hbm>> -> memref<80xi32, #tpu.memory_space<hbm>>
      %dma_start3A_306 = tpu.memref_slice %arg3[%multiple_of3A_304] : memref<320000xi32, #tpu.memory_space<hbm>> -> memref<80xi32, #tpu.memory_space<hbm>>
      tpu.enqueue_dma source(%dma_start3A_306 : memref<80xi32, #tpu.memory_space<hbm>>) target(%arg12 : memref<80xi32, #tpu.memory_space<vmem>>) target_semaphore(%arg35 : memref<!tpu.dma_semaphore, #tpu.memory_space<semaphore_mem>>)
      %add3A_307 = arith.constant 1 : i32
      %add3A_308 = arith.addi %add3A_250, %add3A_307 : i32
      %dma_wait3A_309 = arith.constant 0 : i32
      %dma_wait3A_310 = arith.constant 0 : i32
      %dma_wait3A_311 = tpu.memref_slice %arg2[%dma_wait3A_309, %dma_wait3A_310] : memref<10240x128xbf16, #tpu.memory_space<hbm>> -> memref<10240x128xbf16, #tpu.memory_space<hbm>>
      tpu.wait_indirect_dma semaphore(%arg24 : memref<!tpu.dma_semaphore, #tpu.memory_space<semaphore_mem>>) src(%dma_wait3A_311 : memref<10240x128xbf16, #tpu.memory_space<hbm>>) dst(%arg16 : memref<80x128xbf16, #tpu.memory_space<vmem>>)
      %mul3A_312 = arith.constant 10000 : i32
      %mul3A_313 = arith.muli %add3A, %mul3A_312 : i32
      %mul3A_314 = arith.constant 80 : i32
      %mul3A_315 = arith.muli %add3A_308, %mul3A_314 : i32
      %add3A_316 = arith.addi %mul3A_313, %mul3A_315 : i32
      %multiple_of3A_317 = tpu.assume_multiple %add3A_316, 8 : i32
      %dma_wait3A_318 = tpu.memref_slice %arg4[%multiple_of3A_317] : memref<320000xi32, #tpu.memory_space<hbm>> -> memref<80xi32, #tpu.memory_space<hbm>>
      %dma_wait3A_319 = tpu.memref_slice %arg4[%multiple_of3A_317] : memref<320000xi32, #tpu.memory_space<hbm>> -> memref<80xi32, #tpu.memory_space<hbm>>
      tpu.wait_dma2 semaphore(%arg36 : memref<!tpu.dma_semaphore, #tpu.memory_space<semaphore_mem>>) src(%dma_wait3A_319 : memref<80xi32, #tpu.memory_space<hbm>>) dst(%arg13 : memref<80xi32, #tpu.memory_space<vmem>>)
      %dma_start3A_320 = arith.constant 0 : i32
      %dma_start3A_321 = arith.constant 0 : i32
      %dma_start3A_322 = tpu.memref_slice %arg22[%dma_start3A_320, %dma_start3A_321] : memref<10240x128xbf16, #tpu.memory_space<vmem_shared>> -> memref<10240x128xbf16, #tpu.memory_space<vmem_shared>>
      tpu.enqueue_indirect_dma source(%arg16 : memref<80x128xbf16, #tpu.memory_space<vmem>>) target(%dma_start3A_322 : memref<10240x128xbf16, #tpu.memory_space<vmem_shared>>) offsets(%arg13 : memref<80xi32, #tpu.memory_space<vmem>>) semaphore(%arg27 : memref<!tpu.dma_semaphore, #tpu.memory_space<semaphore_mem>>) {add = true}
      %dma_start3A_323 = arith.constant 0 : i32
      %dma_start3A_324 = arith.constant 0 : i32
      %dma_start3A_325 = tpu.memref_slice %arg23[%dma_start3A_323, %dma_start3A_324] : memref<10240x16xf32, #tpu.memory_space<vmem_shared>> -> memref<10240x16xf32, #tpu.memory_space<vmem_shared>>
      tpu.enqueue_indirect_dma source(%arg19 : memref<80x16xf32, #tpu.memory_space<vmem>>) target(%dma_start3A_325 : memref<10240x16xf32, #tpu.memory_space<vmem_shared>>) offsets(%arg13 : memref<80xi32, #tpu.memory_space<vmem>>) semaphore(%arg30 : memref<!tpu.dma_semaphore, #tpu.memory_space<semaphore_mem>>) {add = true}
      %dma_wait3A_326 = arith.constant 0 : i32
      %dma_wait3A_327 = arith.constant 0 : i32
      %dma_wait3A_328 = tpu.memref_slice %arg22[%dma_wait3A_326, %dma_wait3A_327] : memref<10240x128xbf16, #tpu.memory_space<vmem_shared>> -> memref<10240x128xbf16, #tpu.memory_space<vmem_shared>>
      tpu.wait_indirect_dma semaphore(%arg29 : memref<!tpu.dma_semaphore, #tpu.memory_space<semaphore_mem>>) src(%arg18 : memref<80x128xbf16, #tpu.memory_space<vmem>>) dst(%dma_wait3A_328 : memref<10240x128xbf16, #tpu.memory_space<vmem_shared>>)
      %dma_wait3A_329 = arith.constant 0 : i32
      %dma_wait3A_330 = arith.constant 0 : i32
      %dma_wait3A_331 = tpu.memref_slice %arg23[%dma_wait3A_329, %dma_wait3A_330] : memref<10240x16xf32, #tpu.memory_space<vmem_shared>> -> memref<10240x16xf32, #tpu.memory_space<vmem_shared>>
      tpu.wait_indirect_dma semaphore(%arg32 : memref<!tpu.dma_semaphore, #tpu.memory_space<semaphore_mem>>) src(%arg19 : memref<80x16xf32, #tpu.memory_space<vmem>>) dst(%dma_wait3A_331 : memref<10240x16xf32, #tpu.memory_space<vmem_shared>>)
      %add3A_332 = arith.constant 2 : i32
      %add3A_333 = arith.addi %add3A_308, %add3A_332 : i32
      %mul3A_334 = arith.constant 10000 : i32
      %mul3A_335 = arith.muli %add3A, %mul3A_334 : i32
      %mul3A_336 = arith.constant 80 : i32
      %mul3A_337 = arith.muli %add3A_333, %mul3A_336 : i32
      %add3A_338 = arith.addi %mul3A_335, %mul3A_337 : i32
      %multiple_of3A_339 = tpu.assume_multiple %add3A_338, 8 : i32
      %dma_wait3A_340 = tpu.memref_slice %arg3[%multiple_of3A_339] : memref<320000xi32, #tpu.memory_space<hbm>> -> memref<80xi32, #tpu.memory_space<hbm>>
      %dma_wait3A_341 = tpu.memref_slice %arg3[%multiple_of3A_339] : memref<320000xi32, #tpu.memory_space<hbm>> -> memref<80xi32, #tpu.memory_space<hbm>>
      tpu.wait_dma2 semaphore(%arg35 : memref<!tpu.dma_semaphore, #tpu.memory_space<semaphore_mem>>) src(%dma_wait3A_341 : memref<80xi32, #tpu.memory_space<hbm>>) dst(%arg12 : memref<80xi32, #tpu.memory_space<vmem>>)
      %dma_start3A_342 = arith.constant 0 : i32
      %dma_start3A_343 = arith.constant 0 : i32
      %dma_start3A_344 = tpu.memref_slice %arg2[%dma_start3A_342, %dma_start3A_343] : memref<10240x128xbf16, #tpu.memory_space<hbm>> -> memref<10240x128xbf16, #tpu.memory_space<hbm>>
      tpu.enqueue_indirect_dma source(%dma_start3A_344 : memref<10240x128xbf16, #tpu.memory_space<hbm>>) target(%arg18 : memref<80x128xbf16, #tpu.memory_space<vmem>>) offsets(%arg12 : memref<80xi32, #tpu.memory_space<vmem>>) semaphore(%arg26 : memref<!tpu.dma_semaphore, #tpu.memory_space<semaphore_mem>>)
      %add3A_345 = arith.constant 2 : i32
      %add3A_346 = arith.addi %add3A_308, %add3A_345 : i32
      %mul3A_347 = arith.constant 10000 : i32
      %mul3A_348 = arith.muli %add3A, %mul3A_347 : i32
      %mul3A_349 = arith.constant 80 : i32
      %mul3A_350 = arith.muli %add3A_346, %mul3A_349 : i32
      %add3A_351 = arith.addi %mul3A_348, %mul3A_350 : i32
      %multiple_of3A_352 = tpu.assume_multiple %add3A_351, 8 : i32
      %dma_start3A_353 = tpu.memref_slice %arg4[%multiple_of3A_352] : memref<320000xi32, #tpu.memory_space<hbm>> -> memref<80xi32, #tpu.memory_space<hbm>>
      %dma_start3A_354 = tpu.memref_slice %arg4[%multiple_of3A_352] : memref<320000xi32, #tpu.memory_space<hbm>> -> memref<80xi32, #tpu.memory_space<hbm>>
      tpu.enqueue_dma source(%dma_start3A_354 : memref<80xi32, #tpu.memory_space<hbm>>) target(%arg15 : memref<80xi32, #tpu.memory_space<vmem>>) target_semaphore(%arg38 : memref<!tpu.dma_semaphore, #tpu.memory_space<semaphore_mem>>)
      %add3A_355 = arith.constant 3 : i32
      %add3A_356 = arith.addi %add3A_308, %add3A_355 : i32
      %mul3A_357 = arith.constant 10000 : i32
      %mul3A_358 = arith.muli %add3A, %mul3A_357 : i32
      %mul3A_359 = arith.constant 80 : i32
      %mul3A_360 = arith.muli %add3A_356, %mul3A_359 : i32
      %add3A_361 = arith.addi %mul3A_358, %mul3A_360 : i32
      %multiple_of3A_362 = tpu.assume_multiple %add3A_361, 8 : i32
      %dma_start3A_363 = tpu.memref_slice %arg3[%multiple_of3A_362] : memref<320000xi32, #tpu.memory_space<hbm>> -> memref<80xi32, #tpu.memory_space<hbm>>
      %dma_start3A_364 = tpu.memref_slice %arg3[%multiple_of3A_362] : memref<320000xi32, #tpu.memory_space<hbm>> -> memref<80xi32, #tpu.memory_space<hbm>>
      tpu.enqueue_dma source(%dma_start3A_364 : memref<80xi32, #tpu.memory_space<hbm>>) target(%arg10 : memref<80xi32, #tpu.memory_space<vmem>>) target_semaphore(%arg33 : memref<!tpu.dma_semaphore, #tpu.memory_space<semaphore_mem>>)
      %add3A_365 = arith.constant 2 : i32
      %add3A_366 = arith.addi %add3A_250, %add3A_365 : i32
      %dma_wait3A_367 = arith.constant 0 : i32
      %dma_wait3A_368 = arith.constant 0 : i32
      %dma_wait3A_369 = tpu.memref_slice %arg2[%dma_wait3A_367, %dma_wait3A_368] : memref<10240x128xbf16, #tpu.memory_space<hbm>> -> memref<10240x128xbf16, #tpu.memory_space<hbm>>
      tpu.wait_indirect_dma semaphore(%arg25 : memref<!tpu.dma_semaphore, #tpu.memory_space<semaphore_mem>>) src(%dma_wait3A_369 : memref<10240x128xbf16, #tpu.memory_space<hbm>>) dst(%arg17 : memref<80x128xbf16, #tpu.memory_space<vmem>>)
      %mul3A_370 = arith.constant 10000 : i32
      %mul3A_371 = arith.muli %add3A, %mul3A_370 : i32
      %mul3A_372 = arith.constant 80 : i32
      %mul3A_373 = arith.muli %add3A_366, %mul3A_372 : i32
      %add3A_374 = arith.addi %mul3A_371, %mul3A_373 : i32
      %multiple_of3A_375 = tpu.assume_multiple %add3A_374, 8 : i32
      %dma_wait3A_376 = tpu.memref_slice %arg4[%multiple_of3A_375] : memref<320000xi32, #tpu.memory_space<hbm>> -> memref<80xi32, #tpu.memory_space<hbm>>
      %dma_wait3A_377 = tpu.memref_slice %arg4[%multiple_of3A_375] : memref<320000xi32, #tpu.memory_space<hbm>> -> memref<80xi32, #tpu.memory_space<hbm>>
      tpu.wait_dma2 semaphore(%arg37 : memref<!tpu.dma_semaphore, #tpu.memory_space<semaphore_mem>>) src(%dma_wait3A_377 : memref<80xi32, #tpu.memory_space<hbm>>) dst(%arg14 : memref<80xi32, #tpu.memory_space<vmem>>)
      %dma_start3A_378 = arith.constant 0 : i32
      %dma_start3A_379 = arith.constant 0 : i32
      %dma_start3A_380 = tpu.memref_slice %arg22[%dma_start3A_378, %dma_start3A_379] : memref<10240x128xbf16, #tpu.memory_space<vmem_shared>> -> memref<10240x128xbf16, #tpu.memory_space<vmem_shared>>
      tpu.enqueue_indirect_dma source(%arg17 : memref<80x128xbf16, #tpu.memory_space<vmem>>) target(%dma_start3A_380 : memref<10240x128xbf16, #tpu.memory_space<vmem_shared>>) offsets(%arg14 : memref<80xi32, #tpu.memory_space<vmem>>) semaphore(%arg28 : memref<!tpu.dma_semaphore, #tpu.memory_space<semaphore_mem>>) {add = true}
      %dma_start3A_381 = arith.constant 0 : i32
      %dma_start3A_382 = arith.constant 0 : i32
      %dma_start3A_383 = tpu.memref_slice %arg23[%dma_start3A_381, %dma_start3A_382] : memref<10240x16xf32, #tpu.memory_space<vmem_shared>> -> memref<10240x16xf32, #tpu.memory_space<vmem_shared>>
      tpu.enqueue_indirect_dma source(%arg19 : memref<80x16xf32, #tpu.memory_space<vmem>>) target(%dma_start3A_383 : memref<10240x16xf32, #tpu.memory_space<vmem_shared>>) offsets(%arg14 : memref<80xi32, #tpu.memory_space<vmem>>) semaphore(%arg31 : memref<!tpu.dma_semaphore, #tpu.memory_space<semaphore_mem>>) {add = true}
      %dma_wait3A_384 = arith.constant 0 : i32
      %dma_wait3A_385 = arith.constant 0 : i32
      %dma_wait3A_386 = tpu.memref_slice %arg22[%dma_wait3A_384, %dma_wait3A_385] : memref<10240x128xbf16, #tpu.memory_space<vmem_shared>> -> memref<10240x128xbf16, #tpu.memory_space<vmem_shared>>
      tpu.wait_indirect_dma semaphore(%arg27 : memref<!tpu.dma_semaphore, #tpu.memory_space<semaphore_mem>>) src(%arg16 : memref<80x128xbf16, #tpu.memory_space<vmem>>) dst(%dma_wait3A_386 : memref<10240x128xbf16, #tpu.memory_space<vmem_shared>>)
      %dma_wait3A_387 = arith.constant 0 : i32
      %dma_wait3A_388 = arith.constant 0 : i32
      %dma_wait3A_389 = tpu.memref_slice %arg23[%dma_wait3A_387, %dma_wait3A_388] : memref<10240x16xf32, #tpu.memory_space<vmem_shared>> -> memref<10240x16xf32, #tpu.memory_space<vmem_shared>>
      tpu.wait_indirect_dma semaphore(%arg30 : memref<!tpu.dma_semaphore, #tpu.memory_space<semaphore_mem>>) src(%arg19 : memref<80x16xf32, #tpu.memory_space<vmem>>) dst(%dma_wait3A_389 : memref<10240x16xf32, #tpu.memory_space<vmem_shared>>)
      %add3A_390 = arith.constant 2 : i32
      %add3A_391 = arith.addi %add3A_366, %add3A_390 : i32
      %mul3A_392 = arith.constant 10000 : i32
      %mul3A_393 = arith.muli %add3A, %mul3A_392 : i32
      %mul3A_394 = arith.constant 80 : i32
      %mul3A_395 = arith.muli %add3A_391, %mul3A_394 : i32
      %add3A_396 = arith.addi %mul3A_393, %mul3A_395 : i32
      %multiple_of3A_397 = tpu.assume_multiple %add3A_396, 8 : i32
      %dma_wait3A_398 = tpu.memref_slice %arg3[%multiple_of3A_397] : memref<320000xi32, #tpu.memory_space<hbm>> -> memref<80xi32, #tpu.memory_space<hbm>>
      %dma_wait3A_399 = tpu.memref_slice %arg3[%multiple_of3A_397] : memref<320000xi32, #tpu.memory_space<hbm>> -> memref<80xi32, #tpu.memory_space<hbm>>
      tpu.wait_dma2 semaphore(%arg33 : memref<!tpu.dma_semaphore, #tpu.memory_space<semaphore_mem>>) src(%dma_wait3A_399 : memref<80xi32, #tpu.memory_space<hbm>>) dst(%arg10 : memref<80xi32, #tpu.memory_space<vmem>>)
      %dma_start3A_400 = arith.constant 0 : i32
      %dma_start3A_401 = arith.constant 0 : i32
      %dma_start3A_402 = tpu.memref_slice %arg2[%dma_start3A_400, %dma_start3A_401] : memref<10240x128xbf16, #tpu.memory_space<hbm>> -> memref<10240x128xbf16, #tpu.memory_space<hbm>>
      tpu.enqueue_indirect_dma source(%dma_start3A_402 : memref<10240x128xbf16, #tpu.memory_space<hbm>>) target(%arg16 : memref<80x128xbf16, #tpu.memory_space<vmem>>) offsets(%arg10 : memref<80xi32, #tpu.memory_space<vmem>>) semaphore(%arg24 : memref<!tpu.dma_semaphore, #tpu.memory_space<semaphore_mem>>)
      %add3A_403 = arith.constant 2 : i32
      %add3A_404 = arith.addi %add3A_366, %add3A_403 : i32
      %mul3A_405 = arith.constant 10000 : i32
      %mul3A_406 = arith.muli %add3A, %mul3A_405 : i32
      %mul3A_407 = arith.constant 80 : i32
      %mul3A_408 = arith.muli %add3A_404, %mul3A_407 : i32
      %add3A_409 = arith.addi %mul3A_406, %mul3A_408 : i32
      %multiple_of3A_410 = tpu.assume_multiple %add3A_409, 8 : i32
      %dma_start3A_411 = tpu.memref_slice %arg4[%multiple_of3A_410] : memref<320000xi32, #tpu.memory_space<hbm>> -> memref<80xi32, #tpu.memory_space<hbm>>
      %dma_start3A_412 = tpu.memref_slice %arg4[%multiple_of3A_410] : memref<320000xi32, #tpu.memory_space<hbm>> -> memref<80xi32, #tpu.memory_space<hbm>>
      tpu.enqueue_dma source(%dma_start3A_412 : memref<80xi32, #tpu.memory_space<hbm>>) target(%arg13 : memref<80xi32, #tpu.memory_space<vmem>>) target_semaphore(%arg36 : memref<!tpu.dma_semaphore, #tpu.memory_space<semaphore_mem>>)
      %add3A_413 = arith.constant 3 : i32
      %add3A_414 = arith.addi %add3A_366, %add3A_413 : i32
      %mul3A_415 = arith.constant 10000 : i32
      %mul3A_416 = arith.muli %add3A, %mul3A_415 : i32
      %mul3A_417 = arith.constant 80 : i32
      %mul3A_418 = arith.muli %add3A_414, %mul3A_417 : i32
      %add3A_419 = arith.addi %mul3A_416, %mul3A_418 : i32
      %multiple_of3A_420 = tpu.assume_multiple %add3A_419, 8 : i32
      %dma_start3A_421 = tpu.memref_slice %arg3[%multiple_of3A_420] : memref<320000xi32, #tpu.memory_space<hbm>> -> memref<80xi32, #tpu.memory_space<hbm>>
      %dma_start3A_422 = tpu.memref_slice %arg3[%multiple_of3A_420] : memref<320000xi32, #tpu.memory_space<hbm>> -> memref<80xi32, #tpu.memory_space<hbm>>
      tpu.enqueue_dma source(%dma_start3A_422 : memref<80xi32, #tpu.memory_space<hbm>>) target(%arg11 : memref<80xi32, #tpu.memory_space<vmem>>) target_semaphore(%arg34 : memref<!tpu.dma_semaphore, #tpu.memory_space<semaphore_mem>>)
    }
    %scan3A_149 = arith.constant 40 : i32
    %dma_wait3A_150 = arith.constant 0 : i32
    %dma_wait3A_151 = arith.constant 0 : i32
    %dma_wait3A_152 = tpu.memref_slice %arg2[%dma_wait3A_150, %dma_wait3A_151] : memref<10240x128xbf16, #tpu.memory_space<hbm>> -> memref<10240x128xbf16, #tpu.memory_space<hbm>>
    tpu.wait_indirect_dma semaphore(%arg26 : memref<!tpu.dma_semaphore, #tpu.memory_space<semaphore_mem>>) src(%dma_wait3A_152 : memref<10240x128xbf16, #tpu.memory_space<hbm>>) dst(%arg18 : memref<80x128xbf16, #tpu.memory_space<vmem>>)
    %mul3A_153 = arith.constant 10000 : i32
    %mul3A_154 = arith.muli %add3A, %mul3A_153 : i32
    %add3A_155 = arith.constant 9760 : i32
    %add3A_156 = arith.addi %mul3A_154, %add3A_155 : i32
    %multiple_of3A_157 = tpu.assume_multiple %add3A_156, 8 : i32
    %dma_wait3A_158 = tpu.memref_slice %arg4[%multiple_of3A_157] : memref<320000xi32, #tpu.memory_space<hbm>> -> memref<80xi32, #tpu.memory_space<hbm>>
    %dma_wait3A_159 = tpu.memref_slice %arg4[%multiple_of3A_157] : memref<320000xi32, #tpu.memory_space<hbm>> -> memref<80xi32, #tpu.memory_space<hbm>>
    tpu.wait_dma2 semaphore(%arg38 : memref<!tpu.dma_semaphore, #tpu.memory_space<semaphore_mem>>) src(%dma_wait3A_159 : memref<80xi32, #tpu.memory_space<hbm>>) dst(%arg15 : memref<80xi32, #tpu.memory_space<vmem>>)
    %dma_start3A_160 = arith.constant 0 : i32
    %dma_start3A_161 = arith.constant 0 : i32
    %dma_start3A_162 = tpu.memref_slice %arg22[%dma_start3A_160, %dma_start3A_161] : memref<10240x128xbf16, #tpu.memory_space<vmem_shared>> -> memref<10240x128xbf16, #tpu.memory_space<vmem_shared>>
    tpu.enqueue_indirect_dma source(%arg18 : memref<80x128xbf16, #tpu.memory_space<vmem>>) target(%dma_start3A_162 : memref<10240x128xbf16, #tpu.memory_space<vmem_shared>>) offsets(%arg15 : memref<80xi32, #tpu.memory_space<vmem>>) semaphore(%arg29 : memref<!tpu.dma_semaphore, #tpu.memory_space<semaphore_mem>>) {add = true}
    %dma_start3A_163 = arith.constant 0 : i32
    %dma_start3A_164 = arith.constant 0 : i32
    %dma_start3A_165 = tpu.memref_slice %arg23[%dma_start3A_163, %dma_start3A_164] : memref<10240x16xf32, #tpu.memory_space<vmem_shared>> -> memref<10240x16xf32, #tpu.memory_space<vmem_shared>>
    tpu.enqueue_indirect_dma source(%arg19 : memref<80x16xf32, #tpu.memory_space<vmem>>) target(%dma_start3A_165 : memref<10240x16xf32, #tpu.memory_space<vmem_shared>>) offsets(%arg15 : memref<80xi32, #tpu.memory_space<vmem>>) semaphore(%arg32 : memref<!tpu.dma_semaphore, #tpu.memory_space<semaphore_mem>>) {add = true}
    %dma_wait3A_166 = arith.constant 0 : i32
    %dma_wait3A_167 = arith.constant 0 : i32
    %dma_wait3A_168 = tpu.memref_slice %arg22[%dma_wait3A_166, %dma_wait3A_167] : memref<10240x128xbf16, #tpu.memory_space<vmem_shared>> -> memref<10240x128xbf16, #tpu.memory_space<vmem_shared>>
    tpu.wait_indirect_dma semaphore(%arg28 : memref<!tpu.dma_semaphore, #tpu.memory_space<semaphore_mem>>) src(%arg17 : memref<80x128xbf16, #tpu.memory_space<vmem>>) dst(%dma_wait3A_168 : memref<10240x128xbf16, #tpu.memory_space<vmem_shared>>)
    %dma_wait3A_169 = arith.constant 0 : i32
    %dma_wait3A_170 = arith.constant 0 : i32
    %dma_wait3A_171 = tpu.memref_slice %arg23[%dma_wait3A_169, %dma_wait3A_170] : memref<10240x16xf32, #tpu.memory_space<vmem_shared>> -> memref<10240x16xf32, #tpu.memory_space<vmem_shared>>
    tpu.wait_indirect_dma semaphore(%arg31 : memref<!tpu.dma_semaphore, #tpu.memory_space<semaphore_mem>>) src(%arg19 : memref<80x16xf32, #tpu.memory_space<vmem>>) dst(%dma_wait3A_171 : memref<10240x16xf32, #tpu.memory_space<vmem_shared>>)
    %mul3A_172 = arith.constant 10000 : i32
    %mul3A_173 = arith.muli %add3A, %mul3A_172 : i32
    %add3A_174 = arith.constant 9920 : i32
    %add3A_175 = arith.addi %mul3A_173, %add3A_174 : i32
    %multiple_of3A_176 = tpu.assume_multiple %add3A_175, 8 : i32
    %dma_wait3A_177 = tpu.memref_slice %arg3[%multiple_of3A_176] : memref<320000xi32, #tpu.memory_space<hbm>> -> memref<80xi32, #tpu.memory_space<hbm>>
    %dma_wait3A_178 = tpu.memref_slice %arg3[%multiple_of3A_176] : memref<320000xi32, #tpu.memory_space<hbm>> -> memref<80xi32, #tpu.memory_space<hbm>>
    tpu.wait_dma2 semaphore(%arg34 : memref<!tpu.dma_semaphore, #tpu.memory_space<semaphore_mem>>) src(%dma_wait3A_178 : memref<80xi32, #tpu.memory_space<hbm>>) dst(%arg11 : memref<80xi32, #tpu.memory_space<vmem>>)
    %dma_start3A_179 = arith.constant 0 : i32
    %dma_start3A_180 = arith.constant 0 : i32
    %dma_start3A_181 = tpu.memref_slice %arg2[%dma_start3A_179, %dma_start3A_180] : memref<10240x128xbf16, #tpu.memory_space<hbm>> -> memref<10240x128xbf16, #tpu.memory_space<hbm>>
    tpu.enqueue_indirect_dma source(%dma_start3A_181 : memref<10240x128xbf16, #tpu.memory_space<hbm>>) target(%arg17 : memref<80x128xbf16, #tpu.memory_space<vmem>>) offsets(%arg11 : memref<80xi32, #tpu.memory_space<vmem>>) semaphore(%arg25 : memref<!tpu.dma_semaphore, #tpu.memory_space<semaphore_mem>>)
    %mul3A_182 = arith.constant 10000 : i32
    %mul3A_183 = arith.muli %add3A, %mul3A_182 : i32
    %add3A_184 = arith.constant 9920 : i32
    %add3A_185 = arith.addi %mul3A_183, %add3A_184 : i32
    %multiple_of3A_186 = tpu.assume_multiple %add3A_185, 8 : i32
    %dma_start3A_187 = tpu.memref_slice %arg4[%multiple_of3A_186] : memref<320000xi32, #tpu.memory_space<hbm>> -> memref<80xi32, #tpu.memory_space<hbm>>
    %dma_start3A_188 = tpu.memref_slice %arg4[%multiple_of3A_186] : memref<320000xi32, #tpu.memory_space<hbm>> -> memref<80xi32, #tpu.memory_space<hbm>>
    tpu.enqueue_dma source(%dma_start3A_188 : memref<80xi32, #tpu.memory_space<hbm>>) target(%arg14 : memref<80xi32, #tpu.memory_space<vmem>>) target_semaphore(%arg37 : memref<!tpu.dma_semaphore, #tpu.memory_space<semaphore_mem>>)
    %dma_wait3A_189 = arith.constant 0 : i32
    %dma_wait3A_190 = arith.constant 0 : i32
    %dma_wait3A_191 = tpu.memref_slice %arg2[%dma_wait3A_189, %dma_wait3A_190] : memref<10240x128xbf16, #tpu.memory_space<hbm>> -> memref<10240x128xbf16, #tpu.memory_space<hbm>>
    tpu.wait_indirect_dma semaphore(%arg24 : memref<!tpu.dma_semaphore, #tpu.memory_space<semaphore_mem>>) src(%dma_wait3A_191 : memref<10240x128xbf16, #tpu.memory_space<hbm>>) dst(%arg16 : memref<80x128xbf16, #tpu.memory_space<vmem>>)
    %mul3A_192 = arith.constant 10000 : i32
    %mul3A_193 = arith.muli %add3A, %mul3A_192 : i32
    %add3A_194 = arith.constant 9840 : i32
    %add3A_195 = arith.addi %mul3A_193, %add3A_194 : i32
    %multiple_of3A_196 = tpu.assume_multiple %add3A_195, 8 : i32
    %dma_wait3A_197 = tpu.memref_slice %arg4[%multiple_of3A_196] : memref<320000xi32, #tpu.memory_space<hbm>> -> memref<80xi32, #tpu.memory_space<hbm>>
    %dma_wait3A_198 = tpu.memref_slice %arg4[%multiple_of3A_196] : memref<320000xi32, #tpu.memory_space<hbm>> -> memref<80xi32, #tpu.memory_space<hbm>>
    tpu.wait_dma2 semaphore(%arg36 : memref<!tpu.dma_semaphore, #tpu.memory_space<semaphore_mem>>) src(%dma_wait3A_198 : memref<80xi32, #tpu.memory_space<hbm>>) dst(%arg13 : memref<80xi32, #tpu.memory_space<vmem>>)
    %dma_start3A_199 = arith.constant 0 : i32
    %dma_start3A_200 = arith.constant 0 : i32
    %dma_start3A_201 = tpu.memref_slice %arg22[%dma_start3A_199, %dma_start3A_200] : memref<10240x128xbf16, #tpu.memory_space<vmem_shared>> -> memref<10240x128xbf16, #tpu.memory_space<vmem_shared>>
    tpu.enqueue_indirect_dma source(%arg16 : memref<80x128xbf16, #tpu.memory_space<vmem>>) target(%dma_start3A_201 : memref<10240x128xbf16, #tpu.memory_space<vmem_shared>>) offsets(%arg13 : memref<80xi32, #tpu.memory_space<vmem>>) semaphore(%arg27 : memref<!tpu.dma_semaphore, #tpu.memory_space<semaphore_mem>>) {add = true}
    %dma_start3A_202 = arith.constant 0 : i32
    %dma_start3A_203 = arith.constant 0 : i32
    %dma_start3A_204 = tpu.memref_slice %arg23[%dma_start3A_202, %dma_start3A_203] : memref<10240x16xf32, #tpu.memory_space<vmem_shared>> -> memref<10240x16xf32, #tpu.memory_space<vmem_shared>>
    tpu.enqueue_indirect_dma source(%arg19 : memref<80x16xf32, #tpu.memory_space<vmem>>) target(%dma_start3A_204 : memref<10240x16xf32, #tpu.memory_space<vmem_shared>>) offsets(%arg13 : memref<80xi32, #tpu.memory_space<vmem>>) semaphore(%arg30 : memref<!tpu.dma_semaphore, #tpu.memory_space<semaphore_mem>>) {add = true}
    %dma_wait3A_205 = arith.constant 0 : i32
    %dma_wait3A_206 = arith.constant 0 : i32
    %dma_wait3A_207 = tpu.memref_slice %arg22[%dma_wait3A_205, %dma_wait3A_206] : memref<10240x128xbf16, #tpu.memory_space<vmem_shared>> -> memref<10240x128xbf16, #tpu.memory_space<vmem_shared>>
    tpu.wait_indirect_dma semaphore(%arg29 : memref<!tpu.dma_semaphore, #tpu.memory_space<semaphore_mem>>) src(%arg18 : memref<80x128xbf16, #tpu.memory_space<vmem>>) dst(%dma_wait3A_207 : memref<10240x128xbf16, #tpu.memory_space<vmem_shared>>)
    %dma_wait3A_208 = arith.constant 0 : i32
    %dma_wait3A_209 = arith.constant 0 : i32
    %dma_wait3A_210 = tpu.memref_slice %arg23[%dma_wait3A_208, %dma_wait3A_209] : memref<10240x16xf32, #tpu.memory_space<vmem_shared>> -> memref<10240x16xf32, #tpu.memory_space<vmem_shared>>
    tpu.wait_indirect_dma semaphore(%arg32 : memref<!tpu.dma_semaphore, #tpu.memory_space<semaphore_mem>>) src(%arg19 : memref<80x16xf32, #tpu.memory_space<vmem>>) dst(%dma_wait3A_210 : memref<10240x16xf32, #tpu.memory_space<vmem_shared>>)
    %dma_wait3A_211 = arith.constant 0 : i32
    %dma_wait3A_212 = arith.constant 0 : i32
    %dma_wait3A_213 = tpu.memref_slice %arg2[%dma_wait3A_211, %dma_wait3A_212] : memref<10240x128xbf16, #tpu.memory_space<hbm>> -> memref<10240x128xbf16, #tpu.memory_space<hbm>>
    tpu.wait_indirect_dma semaphore(%arg25 : memref<!tpu.dma_semaphore, #tpu.memory_space<semaphore_mem>>) src(%dma_wait3A_213 : memref<10240x128xbf16, #tpu.memory_space<hbm>>) dst(%arg17 : memref<80x128xbf16, #tpu.memory_space<vmem>>)
    %mul3A_214 = arith.constant 10000 : i32
    %mul3A_215 = arith.muli %add3A, %mul3A_214 : i32
    %add3A_216 = arith.constant 9920 : i32
    %add3A_217 = arith.addi %mul3A_215, %add3A_216 : i32
    %multiple_of3A_218 = tpu.assume_multiple %add3A_217, 8 : i32
    %dma_wait3A_219 = tpu.memref_slice %arg4[%multiple_of3A_218] : memref<320000xi32, #tpu.memory_space<hbm>> -> memref<80xi32, #tpu.memory_space<hbm>>
    %dma_wait3A_220 = tpu.memref_slice %arg4[%multiple_of3A_218] : memref<320000xi32, #tpu.memory_space<hbm>> -> memref<80xi32, #tpu.memory_space<hbm>>
    tpu.wait_dma2 semaphore(%arg37 : memref<!tpu.dma_semaphore, #tpu.memory_space<semaphore_mem>>) src(%dma_wait3A_220 : memref<80xi32, #tpu.memory_space<hbm>>) dst(%arg14 : memref<80xi32, #tpu.memory_space<vmem>>)
    %dma_start3A_221 = arith.constant 0 : i32
    %dma_start3A_222 = arith.constant 0 : i32
    %dma_start3A_223 = tpu.memref_slice %arg22[%dma_start3A_221, %dma_start3A_222] : memref<10240x128xbf16, #tpu.memory_space<vmem_shared>> -> memref<10240x128xbf16, #tpu.memory_space<vmem_shared>>
    tpu.enqueue_indirect_dma source(%arg17 : memref<80x128xbf16, #tpu.memory_space<vmem>>) target(%dma_start3A_223 : memref<10240x128xbf16, #tpu.memory_space<vmem_shared>>) offsets(%arg14 : memref<80xi32, #tpu.memory_space<vmem>>) semaphore(%arg28 : memref<!tpu.dma_semaphore, #tpu.memory_space<semaphore_mem>>) {add = true}
    %dma_start3A_224 = arith.constant 0 : i32
    %dma_start3A_225 = arith.constant 0 : i32
    %dma_start3A_226 = tpu.memref_slice %arg23[%dma_start3A_224, %dma_start3A_225] : memref<10240x16xf32, #tpu.memory_space<vmem_shared>> -> memref<10240x16xf32, #tpu.memory_space<vmem_shared>>
    tpu.enqueue_indirect_dma source(%arg19 : memref<80x16xf32, #tpu.memory_space<vmem>>) target(%dma_start3A_226 : memref<10240x16xf32, #tpu.memory_space<vmem_shared>>) offsets(%arg14 : memref<80xi32, #tpu.memory_space<vmem>>) semaphore(%arg31 : memref<!tpu.dma_semaphore, #tpu.memory_space<semaphore_mem>>) {add = true}
    %dma_wait3A_227 = arith.constant 0 : i32
    %dma_wait3A_228 = arith.constant 0 : i32
    %dma_wait3A_229 = tpu.memref_slice %arg22[%dma_wait3A_227, %dma_wait3A_228] : memref<10240x128xbf16, #tpu.memory_space<vmem_shared>> -> memref<10240x128xbf16, #tpu.memory_space<vmem_shared>>
    tpu.wait_indirect_dma semaphore(%arg27 : memref<!tpu.dma_semaphore, #tpu.memory_space<semaphore_mem>>) src(%arg16 : memref<80x128xbf16, #tpu.memory_space<vmem>>) dst(%dma_wait3A_229 : memref<10240x128xbf16, #tpu.memory_space<vmem_shared>>)
    %dma_wait3A_230 = arith.constant 0 : i32
    %dma_wait3A_231 = arith.constant 0 : i32
    %dma_wait3A_232 = tpu.memref_slice %arg23[%dma_wait3A_230, %dma_wait3A_231] : memref<10240x16xf32, #tpu.memory_space<vmem_shared>> -> memref<10240x16xf32, #tpu.memory_space<vmem_shared>>
    tpu.wait_indirect_dma semaphore(%arg30 : memref<!tpu.dma_semaphore, #tpu.memory_space<semaphore_mem>>) src(%arg19 : memref<80x16xf32, #tpu.memory_space<vmem>>) dst(%dma_wait3A_232 : memref<10240x16xf32, #tpu.memory_space<vmem_shared>>)
    %dma_wait3A_233 = arith.constant 0 : i32
    %dma_wait3A_234 = arith.constant 0 : i32
    %dma_wait3A_235 = tpu.memref_slice %arg22[%dma_wait3A_233, %dma_wait3A_234] : memref<10240x128xbf16, #tpu.memory_space<vmem_shared>> -> memref<10240x128xbf16, #tpu.memory_space<vmem_shared>>
    tpu.wait_indirect_dma semaphore(%arg28 : memref<!tpu.dma_semaphore, #tpu.memory_space<semaphore_mem>>) src(%arg17 : memref<80x128xbf16, #tpu.memory_space<vmem>>) dst(%dma_wait3A_235 : memref<10240x128xbf16, #tpu.memory_space<vmem_shared>>)
    %dma_wait3A_236 = arith.constant 0 : i32
    %dma_wait3A_237 = arith.constant 0 : i32
    %dma_wait3A_238 = tpu.memref_slice %arg23[%dma_wait3A_236, %dma_wait3A_237] : memref<10240x16xf32, #tpu.memory_space<vmem_shared>> -> memref<10240x16xf32, #tpu.memory_space<vmem_shared>>
    tpu.wait_indirect_dma semaphore(%arg31 : memref<!tpu.dma_semaphore, #tpu.memory_space<semaphore_mem>>) src(%arg19 : memref<80x16xf32, #tpu.memory_space<vmem>>) dst(%dma_wait3A_238 : memref<10240x16xf32, #tpu.memory_space<vmem_shared>>)
    %barrier3A_239 = arith.constant 0 : index
    tpu.barrier barrier_id(%barrier3A_239)
    %scan3A_240 = arith.constant 0 : i32
    %scan3A_241 = arith.constant 0 : i32
    %scan3A_242 = arith.constant 10 : i32
    %scan3A_243 = arith.addi %scan3A_241, %scan3A_242 : i32
    %scan3A_244 = arith.constant 1 : i32
    scf.for %scan3A_246 = %scan3A_241 to %scan3A_243 step %scan3A_244  : i32 {
      %mul3A_247 = arith.constant 640 : i32
      %mul3A_248 = arith.muli %arg1, %mul3A_247 : i32
      %mul3A_249 = arith.constant 64 : i32
      %mul3A_250 = arith.muli %scan3A_246, %mul3A_249 : i32
      %add3A_251 = arith.addi %mul3A_248, %mul3A_250 : i32
      %multiple_of3A_252 = tpu.assume_multiple %add3A_251, 8 : i32
      "tpu.region"() ({
        %run_scoped3A = tpu.sem_alloc : memref<!tpu.dma_semaphore, #tpu.memory_space<semaphore_mem>>
        %dma_start3A_253 = arith.constant 0 : i32
        %dma_start3A_254 = tpu.memref_slice %arg22[%multiple_of3A_252, %dma_start3A_253] : memref<10240x128xbf16, #tpu.memory_space<vmem_shared>> -> memref<64x128xbf16, #tpu.memory_space<vmem_shared>>
        %dma_start3A_255 = arith.constant 0 : i32
        %dma_start3A_256 = tpu.memref_slice %arg22[%multiple_of3A_252, %dma_start3A_255] : memref<10240x128xbf16, #tpu.memory_space<vmem_shared>> -> memref<64x128xbf16, #tpu.memory_space<vmem_shared>>
        tpu.enqueue_dma source(%dma_start3A_256 : memref<64x128xbf16, #tpu.memory_space<vmem_shared>>) target(%arg20 : memref<64x128xbf16, #tpu.memory_space<vmem>>) target_semaphore(%run_scoped3A : memref<!tpu.dma_semaphore, #tpu.memory_space<semaphore_mem>>)
        %dma_wait3A_257 = arith.constant 0 : i32
        %dma_wait3A_258 = tpu.memref_slice %arg22[%multiple_of3A_252, %dma_wait3A_257] : memref<10240x128xbf16, #tpu.memory_space<vmem_shared>> -> memref<64x128xbf16, #tpu.memory_space<vmem_shared>>
        %dma_wait3A_259 = arith.constant 0 : i32
        %dma_wait3A_260 = tpu.memref_slice %arg22[%multiple_of3A_252, %dma_wait3A_259] : memref<10240x128xbf16, #tpu.memory_space<vmem_shared>> -> memref<64x128xbf16, #tpu.memory_space<vmem_shared>>
        tpu.wait_dma2 semaphore(%run_scoped3A : memref<!tpu.dma_semaphore, #tpu.memory_space<semaphore_mem>>) src(%dma_wait3A_260 : memref<64x128xbf16, #tpu.memory_space<vmem_shared>>) dst(%arg20 : memref<64x128xbf16, #tpu.memory_space<vmem>>)
        tpu.yield
      }) : () -> ()
      "tpu.region"() ({
        %run_scoped3A = tpu.sem_alloc : memref<!tpu.dma_semaphore, #tpu.memory_space<semaphore_mem>>
        %dma_start3A_253 = arith.constant 0 : i32
        %dma_start3A_254 = tpu.memref_slice %arg8[%arg0, %multiple_of3A_252, %dma_start3A_253] : memref<2x10240x128xbf16, #tpu.memory_space<hbm>> -> memref<1x64x128xbf16, #tpu.memory_space<hbm>>
        %dma_start3A_255 = tpu.memref_squeeze %dma_start3A_254 : memref<1x64x128xbf16, #tpu.memory_space<hbm>> -> memref<64x128xbf16, #tpu.memory_space<hbm>>
        %dma_start3A_256 = arith.constant 0 : i32
        %dma_start3A_257 = tpu.memref_slice %arg8[%arg0, %multiple_of3A_252, %dma_start3A_256] : memref<2x10240x128xbf16, #tpu.memory_space<hbm>> -> memref<1x64x128xbf16, #tpu.memory_space<hbm>>
        %dma_start3A_258 = tpu.memref_squeeze %dma_start3A_257 : memref<1x64x128xbf16, #tpu.memory_space<hbm>> -> memref<64x128xbf16, #tpu.memory_space<hbm>>
        tpu.enqueue_dma source(%arg20 : memref<64x128xbf16, #tpu.memory_space<vmem>>) target(%dma_start3A_258 : memref<64x128xbf16, #tpu.memory_space<hbm>>) target_semaphore(%run_scoped3A : memref<!tpu.dma_semaphore, #tpu.memory_space<semaphore_mem>>)
        %dma_wait3A_259 = arith.constant 0 : i32
        %dma_wait3A_260 = tpu.memref_slice %arg8[%arg0, %multiple_of3A_252, %dma_wait3A_259] : memref<2x10240x128xbf16, #tpu.memory_space<hbm>> -> memref<1x64x128xbf16, #tpu.memory_space<hbm>>
        %dma_wait3A_261 = tpu.memref_squeeze %dma_wait3A_260 : memref<1x64x128xbf16, #tpu.memory_space<hbm>> -> memref<64x128xbf16, #tpu.memory_space<hbm>>
        %dma_wait3A_262 = arith.constant 0 : i32
        %dma_wait3A_263 = tpu.memref_slice %arg8[%arg0, %multiple_of3A_252, %dma_wait3A_262] : memref<2x10240x128xbf16, #tpu.memory_space<hbm>> -> memref<1x64x128xbf16, #tpu.memory_space<hbm>>
        %dma_wait3A_264 = tpu.memref_squeeze %dma_wait3A_263 : memref<1x64x128xbf16, #tpu.memory_space<hbm>> -> memref<64x128xbf16, #tpu.memory_space<hbm>>
        tpu.wait_dma2 semaphore(%run_scoped3A : memref<!tpu.dma_semaphore, #tpu.memory_space<semaphore_mem>>) src(%arg20 : memref<64x128xbf16, #tpu.memory_space<vmem>>) dst(%dma_wait3A_264 : memref<64x128xbf16, #tpu.memory_space<hbm>>)
        tpu.yield
      }) : () -> ()
      "tpu.region"() ({
        %run_scoped3A = tpu.sem_alloc : memref<!tpu.dma_semaphore, #tpu.memory_space<semaphore_mem>>
        %dma_start3A_253 = arith.constant 0 : i32
        %dma_start3A_254 = tpu.memref_slice %arg23[%multiple_of3A_252, %dma_start3A_253] : memref<10240x16xf32, #tpu.memory_space<vmem_shared>> -> memref<64x16xf32, #tpu.memory_space<vmem_shared>>
        %dma_start3A_255 = arith.constant 0 : i32
        %dma_start3A_256 = tpu.memref_slice %arg23[%multiple_of3A_252, %dma_start3A_255] : memref<10240x16xf32, #tpu.memory_space<vmem_shared>> -> memref<64x16xf32, #tpu.memory_space<vmem_shared>>
        tpu.enqueue_dma source(%dma_start3A_256 : memref<64x16xf32, #tpu.memory_space<vmem_shared>>) target(%arg21 : memref<64x16xf32, #tpu.memory_space<vmem>>) target_semaphore(%run_scoped3A : memref<!tpu.dma_semaphore, #tpu.memory_space<semaphore_mem>>)
        %dma_wait3A_257 = arith.constant 0 : i32
        %dma_wait3A_258 = tpu.memref_slice %arg23[%multiple_of3A_252, %dma_wait3A_257] : memref<10240x16xf32, #tpu.memory_space<vmem_shared>> -> memref<64x16xf32, #tpu.memory_space<vmem_shared>>
        %dma_wait3A_259 = arith.constant 0 : i32
        %dma_wait3A_260 = tpu.memref_slice %arg23[%multiple_of3A_252, %dma_wait3A_259] : memref<10240x16xf32, #tpu.memory_space<vmem_shared>> -> memref<64x16xf32, #tpu.memory_space<vmem_shared>>
        tpu.wait_dma2 semaphore(%run_scoped3A : memref<!tpu.dma_semaphore, #tpu.memory_space<semaphore_mem>>) src(%dma_wait3A_260 : memref<64x16xf32, #tpu.memory_space<vmem_shared>>) dst(%arg21 : memref<64x16xf32, #tpu.memory_space<vmem>>)
        tpu.yield
      }) : () -> ()
      "tpu.region"() ({
        %run_scoped3A = tpu.sem_alloc : memref<!tpu.dma_semaphore, #tpu.memory_space<semaphore_mem>>
        %dma_start3A_253 = arith.constant 0 : i32
        %dma_start3A_254 = tpu.memref_slice %arg9[%arg0, %multiple_of3A_252, %dma_start3A_253] : memref<2x10240x16xf32, #tpu.memory_space<hbm>> -> memref<1x64x16xf32, #tpu.memory_space<hbm>>
        %dma_start3A_255 = tpu.memref_squeeze %dma_start3A_254 : memref<1x64x16xf32, #tpu.memory_space<hbm>> -> memref<64x16xf32, #tpu.memory_space<hbm>>
        %dma_start3A_256 = arith.constant 0 : i32
        %dma_start3A_257 = tpu.memref_slice %arg9[%arg0, %multiple_of3A_252, %dma_start3A_256] : memref<2x10240x16xf32, #tpu.memory_space<hbm>> -> memref<1x64x16xf32, #tpu.memory_space<hbm>>
        %dma_start3A_258 = tpu.memref_squeeze %dma_start3A_257 : memref<1x64x16xf32, #tpu.memory_space<hbm>> -> memref<64x16xf32, #tpu.memory_space<hbm>>
        tpu.enqueue_dma source(%arg21 : memref<64x16xf32, #tpu.memory_space<vmem>>) target(%dma_start3A_258 : memref<64x16xf32, #tpu.memory_space<hbm>>) target_semaphore(%run_scoped3A : memref<!tpu.dma_semaphore, #tpu.memory_space<semaphore_mem>>)
        %dma_wait3A_259 = arith.constant 0 : i32
        %dma_wait3A_260 = tpu.memref_slice %arg9[%arg0, %multiple_of3A_252, %dma_wait3A_259] : memref<2x10240x16xf32, #tpu.memory_space<hbm>> -> memref<1x64x16xf32, #tpu.memory_space<hbm>>
        %dma_wait3A_261 = tpu.memref_squeeze %dma_wait3A_260 : memref<1x64x16xf32, #tpu.memory_space<hbm>> -> memref<64x16xf32, #tpu.memory_space<hbm>>
        %dma_wait3A_262 = arith.constant 0 : i32
        %dma_wait3A_263 = tpu.memref_slice %arg9[%arg0, %multiple_of3A_252, %dma_wait3A_262] : memref<2x10240x16xf32, #tpu.memory_space<hbm>> -> memref<1x64x16xf32, #tpu.memory_space<hbm>>
        %dma_wait3A_264 = tpu.memref_squeeze %dma_wait3A_263 : memref<1x64x16xf32, #tpu.memory_space<hbm>> -> memref<64x16xf32, #tpu.memory_space<hbm>>
        tpu.wait_dma2 semaphore(%run_scoped3A : memref<!tpu.dma_semaphore, #tpu.memory_space<semaphore_mem>>) src(%arg21 : memref<64x16xf32, #tpu.memory_space<vmem>>) dst(%dma_wait3A_264 : memref<64x16xf32, #tpu.memory_space<hbm>>)
        tpu.yield
      }) : () -> ()
    }
    %scan3A_245 = arith.constant 10 : i32
    return
  }
}

#map = affine_map<(d0, d1) -> (0, 0)>
#map1 = affine_map<(d0, d1) -> (0)>
#map2 = affine_map<(d0, d1) -> (0, 0, 0)>
module attributes {stable_mosaic.version = 14 : i64} {
  func.func @sc_agg(%arg0: i32, %arg1: i32, %arg2: memref<10240x128xbf16, #tpu.memory_space<hbm>>, %arg3: memref<320000xi32, #tpu.memory_space<hbm>>, %arg4: memref<320000xi32, #tpu.memory_space<hbm>>, %arg5: memref<64x128xbf16, #tpu.memory_space<hbm>>, %arg6: memref<2x10240x128xbf16, #tpu.memory_space<hbm>>, %arg7: memref<80xi32, #tpu.memory_space<vmem>>, %arg8: memref<80xi32, #tpu.memory_space<vmem>>, %arg9: memref<80xi32, #tpu.memory_space<vmem>>, %arg10: memref<80xi32, #tpu.memory_space<vmem>>, %arg11: memref<80xi32, #tpu.memory_space<vmem>>, %arg12: memref<80xi32, #tpu.memory_space<vmem>>, %arg13: memref<80x128xbf16, #tpu.memory_space<vmem>>, %arg14: memref<80x128xbf16, #tpu.memory_space<vmem>>, %arg15: memref<80x128xbf16, #tpu.memory_space<vmem>>, %arg16: memref<64x128xbf16, #tpu.memory_space<vmem>>, %arg17: memref<10240x128xbf16, #tpu.memory_space<vmem_shared>>, %arg18: memref<!tpu.dma_semaphore, #tpu.memory_space<semaphore_mem>>, %arg19: memref<!tpu.dma_semaphore, #tpu.memory_space<semaphore_mem>>, %arg20: memref<!tpu.dma_semaphore, #tpu.memory_space<semaphore_mem>>, %arg21: memref<!tpu.dma_semaphore, #tpu.memory_space<semaphore_mem>>, %arg22: memref<!tpu.dma_semaphore, #tpu.memory_space<semaphore_mem>>, %arg23: memref<!tpu.dma_semaphore, #tpu.memory_space<semaphore_mem>>, %arg24: memref<!tpu.dma_semaphore, #tpu.memory_space<semaphore_mem>>, %arg25: memref<!tpu.dma_semaphore, #tpu.memory_space<semaphore_mem>>, %arg26: memref<!tpu.dma_semaphore, #tpu.memory_space<semaphore_mem>>, %arg27: memref<!tpu.dma_semaphore, #tpu.memory_space<semaphore_mem>>, %arg28: memref<!tpu.dma_semaphore, #tpu.memory_space<semaphore_mem>>, %arg29: memref<!tpu.dma_semaphore, #tpu.memory_space<semaphore_mem>>) attributes {dimension_semantics = [#tpu.dimension_semantics<core_parallel>, #tpu.dimension_semantics<subcore_parallel>], iteration_bounds = array<i64: 2, 16>, scalar_prefetch = 0 : i64, scratch_operands = 23 : i64, tpu.core_type = #tpu.core_type<sc_vector_subcore>, window_params = [{transform_indices = #map}, {transform_indices = #map1}, {transform_indices = #map1}, {transform_indices = #map}, {transform_indices = #map2}]} {
    %mul3A = arith.constant 2 : i32
    %mul3A_0 = arith.muli %arg1, %mul3A : i32
    %add3A = arith.addi %mul3A_0, %arg0 : i32
    "tpu.region"() ({
      %run_scoped3A = tpu.sem_alloc : memref<!tpu.dma_semaphore, #tpu.memory_space<semaphore_mem>>
      tpu.enqueue_dma source(%arg5 : memref<64x128xbf16, #tpu.memory_space<hbm>>) target(%arg16 : memref<64x128xbf16, #tpu.memory_space<vmem>>) target_semaphore(%run_scoped3A : memref<!tpu.dma_semaphore, #tpu.memory_space<semaphore_mem>>)
      tpu.wait_dma2 semaphore(%run_scoped3A : memref<!tpu.dma_semaphore, #tpu.memory_space<semaphore_mem>>) src(%arg5 : memref<64x128xbf16, #tpu.memory_space<hbm>>) dst(%arg16 : memref<64x128xbf16, #tpu.memory_space<vmem>>)
      tpu.yield
    }) : () -> ()
    %scan3A = arith.constant 0 : i32
    %scan3A_1 = arith.constant 0 : i32
    %scan3A_2 = arith.constant 10 : i32
    %scan3A_3 = arith.addi %scan3A_1, %scan3A_2 : i32
    %scan3A_4 = arith.constant 1 : i32
    scf.for %scan3A_216 = %scan3A_1 to %scan3A_3 step %scan3A_4  : i32 {
      %mul3A_217 = arith.constant 640 : i32
      %mul3A_218 = arith.muli %arg1, %mul3A_217 : i32
      %mul3A_219 = arith.constant 64 : i32
      %mul3A_220 = arith.muli %scan3A_216, %mul3A_219 : i32
      %add3A_221 = arith.addi %mul3A_218, %mul3A_220 : i32
      %multiple_of3A_222 = tpu.assume_multiple %add3A_221, 8 : i32
      "tpu.region"() ({
        %run_scoped3A = tpu.sem_alloc : memref<!tpu.dma_semaphore, #tpu.memory_space<semaphore_mem>>
        %dma_start3A_223 = arith.constant 0 : i32
        %dma_start3A_224 = tpu.memref_slice %arg17[%multiple_of3A_222, %dma_start3A_223] : memref<10240x128xbf16, #tpu.memory_space<vmem_shared>> -> memref<64x128xbf16, #tpu.memory_space<vmem_shared>>
        %dma_start3A_225 = arith.constant 0 : i32
        %dma_start3A_226 = tpu.memref_slice %arg17[%multiple_of3A_222, %dma_start3A_225] : memref<10240x128xbf16, #tpu.memory_space<vmem_shared>> -> memref<64x128xbf16, #tpu.memory_space<vmem_shared>>
        tpu.enqueue_dma source(%arg16 : memref<64x128xbf16, #tpu.memory_space<vmem>>) target(%dma_start3A_226 : memref<64x128xbf16, #tpu.memory_space<vmem_shared>>) target_semaphore(%run_scoped3A : memref<!tpu.dma_semaphore, #tpu.memory_space<semaphore_mem>>)
        %dma_wait3A_227 = arith.constant 0 : i32
        %dma_wait3A_228 = tpu.memref_slice %arg17[%multiple_of3A_222, %dma_wait3A_227] : memref<10240x128xbf16, #tpu.memory_space<vmem_shared>> -> memref<64x128xbf16, #tpu.memory_space<vmem_shared>>
        %dma_wait3A_229 = arith.constant 0 : i32
        %dma_wait3A_230 = tpu.memref_slice %arg17[%multiple_of3A_222, %dma_wait3A_229] : memref<10240x128xbf16, #tpu.memory_space<vmem_shared>> -> memref<64x128xbf16, #tpu.memory_space<vmem_shared>>
        tpu.wait_dma2 semaphore(%run_scoped3A : memref<!tpu.dma_semaphore, #tpu.memory_space<semaphore_mem>>) src(%arg16 : memref<64x128xbf16, #tpu.memory_space<vmem>>) dst(%dma_wait3A_230 : memref<64x128xbf16, #tpu.memory_space<vmem_shared>>)
        tpu.yield
      }) : () -> ()
    }
    %scan3A_5 = arith.constant 10 : i32
    %barrier3A = arith.constant 0 : index
    tpu.barrier barrier_id(%barrier3A)
    %mul3A_6 = arith.constant 10000 : i32
    %mul3A_7 = arith.muli %add3A, %mul3A_6 : i32
    %add3A_8 = arith.constant 0 : i32
    %add3A_9 = arith.addi %mul3A_7, %add3A_8 : i32
    %multiple_of3A = tpu.assume_multiple %add3A_9, 8 : i32
    %dma_start3A = tpu.memref_slice %arg3[%multiple_of3A] : memref<320000xi32, #tpu.memory_space<hbm>> -> memref<80xi32, #tpu.memory_space<hbm>>
    %dma_start3A_10 = tpu.memref_slice %arg3[%multiple_of3A] : memref<320000xi32, #tpu.memory_space<hbm>> -> memref<80xi32, #tpu.memory_space<hbm>>
    tpu.enqueue_dma source(%dma_start3A_10 : memref<80xi32, #tpu.memory_space<hbm>>) target(%arg7 : memref<80xi32, #tpu.memory_space<vmem>>) target_semaphore(%arg24 : memref<!tpu.dma_semaphore, #tpu.memory_space<semaphore_mem>>)
    %mul3A_11 = arith.constant 10000 : i32
    %mul3A_12 = arith.muli %add3A, %mul3A_11 : i32
    %add3A_13 = arith.constant 0 : i32
    %add3A_14 = arith.addi %mul3A_12, %add3A_13 : i32
    %multiple_of3A_15 = tpu.assume_multiple %add3A_14, 8 : i32
    %dma_start3A_16 = tpu.memref_slice %arg4[%multiple_of3A_15] : memref<320000xi32, #tpu.memory_space<hbm>> -> memref<80xi32, #tpu.memory_space<hbm>>
    %dma_start3A_17 = tpu.memref_slice %arg4[%multiple_of3A_15] : memref<320000xi32, #tpu.memory_space<hbm>> -> memref<80xi32, #tpu.memory_space<hbm>>
    tpu.enqueue_dma source(%dma_start3A_17 : memref<80xi32, #tpu.memory_space<hbm>>) target(%arg10 : memref<80xi32, #tpu.memory_space<vmem>>) target_semaphore(%arg27 : memref<!tpu.dma_semaphore, #tpu.memory_space<semaphore_mem>>)
    %mul3A_18 = arith.constant 10000 : i32
    %mul3A_19 = arith.muli %add3A, %mul3A_18 : i32
    %add3A_20 = arith.constant 80 : i32
    %add3A_21 = arith.addi %mul3A_19, %add3A_20 : i32
    %multiple_of3A_22 = tpu.assume_multiple %add3A_21, 8 : i32
    %dma_start3A_23 = tpu.memref_slice %arg3[%multiple_of3A_22] : memref<320000xi32, #tpu.memory_space<hbm>> -> memref<80xi32, #tpu.memory_space<hbm>>
    %dma_start3A_24 = tpu.memref_slice %arg3[%multiple_of3A_22] : memref<320000xi32, #tpu.memory_space<hbm>> -> memref<80xi32, #tpu.memory_space<hbm>>
    tpu.enqueue_dma source(%dma_start3A_24 : memref<80xi32, #tpu.memory_space<hbm>>) target(%arg8 : memref<80xi32, #tpu.memory_space<vmem>>) target_semaphore(%arg25 : memref<!tpu.dma_semaphore, #tpu.memory_space<semaphore_mem>>)
    %mul3A_25 = arith.constant 10000 : i32
    %mul3A_26 = arith.muli %add3A, %mul3A_25 : i32
    %add3A_27 = arith.constant 80 : i32
    %add3A_28 = arith.addi %mul3A_26, %add3A_27 : i32
    %multiple_of3A_29 = tpu.assume_multiple %add3A_28, 8 : i32
    %dma_start3A_30 = tpu.memref_slice %arg4[%multiple_of3A_29] : memref<320000xi32, #tpu.memory_space<hbm>> -> memref<80xi32, #tpu.memory_space<hbm>>
    %dma_start3A_31 = tpu.memref_slice %arg4[%multiple_of3A_29] : memref<320000xi32, #tpu.memory_space<hbm>> -> memref<80xi32, #tpu.memory_space<hbm>>
    tpu.enqueue_dma source(%dma_start3A_31 : memref<80xi32, #tpu.memory_space<hbm>>) target(%arg11 : memref<80xi32, #tpu.memory_space<vmem>>) target_semaphore(%arg28 : memref<!tpu.dma_semaphore, #tpu.memory_space<semaphore_mem>>)
    %mul3A_32 = arith.constant 10000 : i32
    %mul3A_33 = arith.muli %add3A, %mul3A_32 : i32
    %add3A_34 = arith.constant 160 : i32
    %add3A_35 = arith.addi %mul3A_33, %add3A_34 : i32
    %multiple_of3A_36 = tpu.assume_multiple %add3A_35, 8 : i32
    %dma_start3A_37 = tpu.memref_slice %arg3[%multiple_of3A_36] : memref<320000xi32, #tpu.memory_space<hbm>> -> memref<80xi32, #tpu.memory_space<hbm>>
    %dma_start3A_38 = tpu.memref_slice %arg3[%multiple_of3A_36] : memref<320000xi32, #tpu.memory_space<hbm>> -> memref<80xi32, #tpu.memory_space<hbm>>
    tpu.enqueue_dma source(%dma_start3A_38 : memref<80xi32, #tpu.memory_space<hbm>>) target(%arg9 : memref<80xi32, #tpu.memory_space<vmem>>) target_semaphore(%arg26 : memref<!tpu.dma_semaphore, #tpu.memory_space<semaphore_mem>>)
    %mul3A_39 = arith.constant 10000 : i32
    %mul3A_40 = arith.muli %add3A, %mul3A_39 : i32
    %add3A_41 = arith.constant 0 : i32
    %add3A_42 = arith.addi %mul3A_40, %add3A_41 : i32
    %multiple_of3A_43 = tpu.assume_multiple %add3A_42, 8 : i32
    %dma_wait3A = tpu.memref_slice %arg3[%multiple_of3A_43] : memref<320000xi32, #tpu.memory_space<hbm>> -> memref<80xi32, #tpu.memory_space<hbm>>
    %dma_wait3A_44 = tpu.memref_slice %arg3[%multiple_of3A_43] : memref<320000xi32, #tpu.memory_space<hbm>> -> memref<80xi32, #tpu.memory_space<hbm>>
    tpu.wait_dma2 semaphore(%arg24 : memref<!tpu.dma_semaphore, #tpu.memory_space<semaphore_mem>>) src(%dma_wait3A_44 : memref<80xi32, #tpu.memory_space<hbm>>) dst(%arg7 : memref<80xi32, #tpu.memory_space<vmem>>)
    %dma_start3A_45 = arith.constant 0 : i32
    %dma_start3A_46 = arith.constant 0 : i32
    %dma_start3A_47 = tpu.memref_slice %arg2[%dma_start3A_45, %dma_start3A_46] : memref<10240x128xbf16, #tpu.memory_space<hbm>> -> memref<10240x128xbf16, #tpu.memory_space<hbm>>
    tpu.enqueue_indirect_dma source(%dma_start3A_47 : memref<10240x128xbf16, #tpu.memory_space<hbm>>) target(%arg13 : memref<80x128xbf16, #tpu.memory_space<vmem>>) offsets(%arg7 : memref<80xi32, #tpu.memory_space<vmem>>) semaphore(%arg18 : memref<!tpu.dma_semaphore, #tpu.memory_space<semaphore_mem>>)
    %mul3A_48 = arith.constant 10000 : i32
    %mul3A_49 = arith.muli %add3A, %mul3A_48 : i32
    %add3A_50 = arith.constant 80 : i32
    %add3A_51 = arith.addi %mul3A_49, %add3A_50 : i32
    %multiple_of3A_52 = tpu.assume_multiple %add3A_51, 8 : i32
    %dma_wait3A_53 = tpu.memref_slice %arg3[%multiple_of3A_52] : memref<320000xi32, #tpu.memory_space<hbm>> -> memref<80xi32, #tpu.memory_space<hbm>>
    %dma_wait3A_54 = tpu.memref_slice %arg3[%multiple_of3A_52] : memref<320000xi32, #tpu.memory_space<hbm>> -> memref<80xi32, #tpu.memory_space<hbm>>
    tpu.wait_dma2 semaphore(%arg25 : memref<!tpu.dma_semaphore, #tpu.memory_space<semaphore_mem>>) src(%dma_wait3A_54 : memref<80xi32, #tpu.memory_space<hbm>>) dst(%arg8 : memref<80xi32, #tpu.memory_space<vmem>>)
    %dma_start3A_55 = arith.constant 0 : i32
    %dma_start3A_56 = arith.constant 0 : i32
    %dma_start3A_57 = tpu.memref_slice %arg2[%dma_start3A_55, %dma_start3A_56] : memref<10240x128xbf16, #tpu.memory_space<hbm>> -> memref<10240x128xbf16, #tpu.memory_space<hbm>>
    tpu.enqueue_indirect_dma source(%dma_start3A_57 : memref<10240x128xbf16, #tpu.memory_space<hbm>>) target(%arg14 : memref<80x128xbf16, #tpu.memory_space<vmem>>) offsets(%arg8 : memref<80xi32, #tpu.memory_space<vmem>>) semaphore(%arg19 : memref<!tpu.dma_semaphore, #tpu.memory_space<semaphore_mem>>)
    %dma_wait3A_58 = arith.constant 0 : i32
    %dma_wait3A_59 = arith.constant 0 : i32
    %dma_wait3A_60 = tpu.memref_slice %arg2[%dma_wait3A_58, %dma_wait3A_59] : memref<10240x128xbf16, #tpu.memory_space<hbm>> -> memref<10240x128xbf16, #tpu.memory_space<hbm>>
    tpu.wait_indirect_dma semaphore(%arg18 : memref<!tpu.dma_semaphore, #tpu.memory_space<semaphore_mem>>) src(%dma_wait3A_60 : memref<10240x128xbf16, #tpu.memory_space<hbm>>) dst(%arg13 : memref<80x128xbf16, #tpu.memory_space<vmem>>)
    %mul3A_61 = arith.constant 10000 : i32
    %mul3A_62 = arith.muli %add3A, %mul3A_61 : i32
    %add3A_63 = arith.constant 0 : i32
    %add3A_64 = arith.addi %mul3A_62, %add3A_63 : i32
    %multiple_of3A_65 = tpu.assume_multiple %add3A_64, 8 : i32
    %dma_wait3A_66 = tpu.memref_slice %arg4[%multiple_of3A_65] : memref<320000xi32, #tpu.memory_space<hbm>> -> memref<80xi32, #tpu.memory_space<hbm>>
    %dma_wait3A_67 = tpu.memref_slice %arg4[%multiple_of3A_65] : memref<320000xi32, #tpu.memory_space<hbm>> -> memref<80xi32, #tpu.memory_space<hbm>>
    tpu.wait_dma2 semaphore(%arg27 : memref<!tpu.dma_semaphore, #tpu.memory_space<semaphore_mem>>) src(%dma_wait3A_67 : memref<80xi32, #tpu.memory_space<hbm>>) dst(%arg10 : memref<80xi32, #tpu.memory_space<vmem>>)
    %dma_start3A_68 = arith.constant 0 : i32
    %dma_start3A_69 = arith.constant 0 : i32
    %dma_start3A_70 = tpu.memref_slice %arg17[%dma_start3A_68, %dma_start3A_69] : memref<10240x128xbf16, #tpu.memory_space<vmem_shared>> -> memref<10240x128xbf16, #tpu.memory_space<vmem_shared>>
    tpu.enqueue_indirect_dma source(%arg13 : memref<80x128xbf16, #tpu.memory_space<vmem>>) target(%dma_start3A_70 : memref<10240x128xbf16, #tpu.memory_space<vmem_shared>>) offsets(%arg10 : memref<80xi32, #tpu.memory_space<vmem>>) semaphore(%arg21 : memref<!tpu.dma_semaphore, #tpu.memory_space<semaphore_mem>>) {add = true}
    %mul3A_71 = arith.constant 10000 : i32
    %mul3A_72 = arith.muli %add3A, %mul3A_71 : i32
    %add3A_73 = arith.constant 160 : i32
    %add3A_74 = arith.addi %mul3A_72, %add3A_73 : i32
    %multiple_of3A_75 = tpu.assume_multiple %add3A_74, 8 : i32
    %dma_wait3A_76 = tpu.memref_slice %arg3[%multiple_of3A_75] : memref<320000xi32, #tpu.memory_space<hbm>> -> memref<80xi32, #tpu.memory_space<hbm>>
    %dma_wait3A_77 = tpu.memref_slice %arg3[%multiple_of3A_75] : memref<320000xi32, #tpu.memory_space<hbm>> -> memref<80xi32, #tpu.memory_space<hbm>>
    tpu.wait_dma2 semaphore(%arg26 : memref<!tpu.dma_semaphore, #tpu.memory_space<semaphore_mem>>) src(%dma_wait3A_77 : memref<80xi32, #tpu.memory_space<hbm>>) dst(%arg9 : memref<80xi32, #tpu.memory_space<vmem>>)
    %dma_start3A_78 = arith.constant 0 : i32
    %dma_start3A_79 = arith.constant 0 : i32
    %dma_start3A_80 = tpu.memref_slice %arg2[%dma_start3A_78, %dma_start3A_79] : memref<10240x128xbf16, #tpu.memory_space<hbm>> -> memref<10240x128xbf16, #tpu.memory_space<hbm>>
    tpu.enqueue_indirect_dma source(%dma_start3A_80 : memref<10240x128xbf16, #tpu.memory_space<hbm>>) target(%arg15 : memref<80x128xbf16, #tpu.memory_space<vmem>>) offsets(%arg9 : memref<80xi32, #tpu.memory_space<vmem>>) semaphore(%arg20 : memref<!tpu.dma_semaphore, #tpu.memory_space<semaphore_mem>>)
    %mul3A_81 = arith.constant 10000 : i32
    %mul3A_82 = arith.muli %add3A, %mul3A_81 : i32
    %add3A_83 = arith.constant 160 : i32
    %add3A_84 = arith.addi %mul3A_82, %add3A_83 : i32
    %multiple_of3A_85 = tpu.assume_multiple %add3A_84, 8 : i32
    %dma_start3A_86 = tpu.memref_slice %arg4[%multiple_of3A_85] : memref<320000xi32, #tpu.memory_space<hbm>> -> memref<80xi32, #tpu.memory_space<hbm>>
    %dma_start3A_87 = tpu.memref_slice %arg4[%multiple_of3A_85] : memref<320000xi32, #tpu.memory_space<hbm>> -> memref<80xi32, #tpu.memory_space<hbm>>
    tpu.enqueue_dma source(%dma_start3A_87 : memref<80xi32, #tpu.memory_space<hbm>>) target(%arg12 : memref<80xi32, #tpu.memory_space<vmem>>) target_semaphore(%arg29 : memref<!tpu.dma_semaphore, #tpu.memory_space<semaphore_mem>>)
    %mul3A_88 = arith.constant 10000 : i32
    %mul3A_89 = arith.muli %add3A, %mul3A_88 : i32
    %add3A_90 = arith.constant 240 : i32
    %add3A_91 = arith.addi %mul3A_89, %add3A_90 : i32
    %multiple_of3A_92 = tpu.assume_multiple %add3A_91, 8 : i32
    %dma_start3A_93 = tpu.memref_slice %arg3[%multiple_of3A_92] : memref<320000xi32, #tpu.memory_space<hbm>> -> memref<80xi32, #tpu.memory_space<hbm>>
    %dma_start3A_94 = tpu.memref_slice %arg3[%multiple_of3A_92] : memref<320000xi32, #tpu.memory_space<hbm>> -> memref<80xi32, #tpu.memory_space<hbm>>
    tpu.enqueue_dma source(%dma_start3A_94 : memref<80xi32, #tpu.memory_space<hbm>>) target(%arg7 : memref<80xi32, #tpu.memory_space<vmem>>) target_semaphore(%arg24 : memref<!tpu.dma_semaphore, #tpu.memory_space<semaphore_mem>>)
    %dma_wait3A_95 = arith.constant 0 : i32
    %dma_wait3A_96 = arith.constant 0 : i32
    %dma_wait3A_97 = tpu.memref_slice %arg2[%dma_wait3A_95, %dma_wait3A_96] : memref<10240x128xbf16, #tpu.memory_space<hbm>> -> memref<10240x128xbf16, #tpu.memory_space<hbm>>
    tpu.wait_indirect_dma semaphore(%arg19 : memref<!tpu.dma_semaphore, #tpu.memory_space<semaphore_mem>>) src(%dma_wait3A_97 : memref<10240x128xbf16, #tpu.memory_space<hbm>>) dst(%arg14 : memref<80x128xbf16, #tpu.memory_space<vmem>>)
    %mul3A_98 = arith.constant 10000 : i32
    %mul3A_99 = arith.muli %add3A, %mul3A_98 : i32
    %add3A_100 = arith.constant 80 : i32
    %add3A_101 = arith.addi %mul3A_99, %add3A_100 : i32
    %multiple_of3A_102 = tpu.assume_multiple %add3A_101, 8 : i32
    %dma_wait3A_103 = tpu.memref_slice %arg4[%multiple_of3A_102] : memref<320000xi32, #tpu.memory_space<hbm>> -> memref<80xi32, #tpu.memory_space<hbm>>
    %dma_wait3A_104 = tpu.memref_slice %arg4[%multiple_of3A_102] : memref<320000xi32, #tpu.memory_space<hbm>> -> memref<80xi32, #tpu.memory_space<hbm>>
    tpu.wait_dma2 semaphore(%arg28 : memref<!tpu.dma_semaphore, #tpu.memory_space<semaphore_mem>>) src(%dma_wait3A_104 : memref<80xi32, #tpu.memory_space<hbm>>) dst(%arg11 : memref<80xi32, #tpu.memory_space<vmem>>)
    %dma_start3A_105 = arith.constant 0 : i32
    %dma_start3A_106 = arith.constant 0 : i32
    %dma_start3A_107 = tpu.memref_slice %arg17[%dma_start3A_105, %dma_start3A_106] : memref<10240x128xbf16, #tpu.memory_space<vmem_shared>> -> memref<10240x128xbf16, #tpu.memory_space<vmem_shared>>
    tpu.enqueue_indirect_dma source(%arg14 : memref<80x128xbf16, #tpu.memory_space<vmem>>) target(%dma_start3A_107 : memref<10240x128xbf16, #tpu.memory_space<vmem_shared>>) offsets(%arg11 : memref<80xi32, #tpu.memory_space<vmem>>) semaphore(%arg22 : memref<!tpu.dma_semaphore, #tpu.memory_space<semaphore_mem>>) {add = true}
    %dma_wait3A_108 = arith.constant 0 : i32
    %dma_wait3A_109 = arith.constant 0 : i32
    %dma_wait3A_110 = tpu.memref_slice %arg17[%dma_wait3A_108, %dma_wait3A_109] : memref<10240x128xbf16, #tpu.memory_space<vmem_shared>> -> memref<10240x128xbf16, #tpu.memory_space<vmem_shared>>
    tpu.wait_indirect_dma semaphore(%arg21 : memref<!tpu.dma_semaphore, #tpu.memory_space<semaphore_mem>>) src(%arg13 : memref<80x128xbf16, #tpu.memory_space<vmem>>) dst(%dma_wait3A_110 : memref<10240x128xbf16, #tpu.memory_space<vmem_shared>>)
    %mul3A_111 = arith.constant 10000 : i32
    %mul3A_112 = arith.muli %add3A, %mul3A_111 : i32
    %add3A_113 = arith.constant 240 : i32
    %add3A_114 = arith.addi %mul3A_112, %add3A_113 : i32
    %multiple_of3A_115 = tpu.assume_multiple %add3A_114, 8 : i32
    %dma_wait3A_116 = tpu.memref_slice %arg3[%multiple_of3A_115] : memref<320000xi32, #tpu.memory_space<hbm>> -> memref<80xi32, #tpu.memory_space<hbm>>
    %dma_wait3A_117 = tpu.memref_slice %arg3[%multiple_of3A_115] : memref<320000xi32, #tpu.memory_space<hbm>> -> memref<80xi32, #tpu.memory_space<hbm>>
    tpu.wait_dma2 semaphore(%arg24 : memref<!tpu.dma_semaphore, #tpu.memory_space<semaphore_mem>>) src(%dma_wait3A_117 : memref<80xi32, #tpu.memory_space<hbm>>) dst(%arg7 : memref<80xi32, #tpu.memory_space<vmem>>)
    %dma_start3A_118 = arith.constant 0 : i32
    %dma_start3A_119 = arith.constant 0 : i32
    %dma_start3A_120 = tpu.memref_slice %arg2[%dma_start3A_118, %dma_start3A_119] : memref<10240x128xbf16, #tpu.memory_space<hbm>> -> memref<10240x128xbf16, #tpu.memory_space<hbm>>
    tpu.enqueue_indirect_dma source(%dma_start3A_120 : memref<10240x128xbf16, #tpu.memory_space<hbm>>) target(%arg13 : memref<80x128xbf16, #tpu.memory_space<vmem>>) offsets(%arg7 : memref<80xi32, #tpu.memory_space<vmem>>) semaphore(%arg18 : memref<!tpu.dma_semaphore, #tpu.memory_space<semaphore_mem>>)
    %mul3A_121 = arith.constant 10000 : i32
    %mul3A_122 = arith.muli %add3A, %mul3A_121 : i32
    %add3A_123 = arith.constant 240 : i32
    %add3A_124 = arith.addi %mul3A_122, %add3A_123 : i32
    %multiple_of3A_125 = tpu.assume_multiple %add3A_124, 8 : i32
    %dma_start3A_126 = tpu.memref_slice %arg4[%multiple_of3A_125] : memref<320000xi32, #tpu.memory_space<hbm>> -> memref<80xi32, #tpu.memory_space<hbm>>
    %dma_start3A_127 = tpu.memref_slice %arg4[%multiple_of3A_125] : memref<320000xi32, #tpu.memory_space<hbm>> -> memref<80xi32, #tpu.memory_space<hbm>>
    tpu.enqueue_dma source(%dma_start3A_127 : memref<80xi32, #tpu.memory_space<hbm>>) target(%arg10 : memref<80xi32, #tpu.memory_space<vmem>>) target_semaphore(%arg27 : memref<!tpu.dma_semaphore, #tpu.memory_space<semaphore_mem>>)
    %mul3A_128 = arith.constant 10000 : i32
    %mul3A_129 = arith.muli %add3A, %mul3A_128 : i32
    %add3A_130 = arith.constant 320 : i32
    %add3A_131 = arith.addi %mul3A_129, %add3A_130 : i32
    %multiple_of3A_132 = tpu.assume_multiple %add3A_131, 8 : i32
    %dma_start3A_133 = tpu.memref_slice %arg3[%multiple_of3A_132] : memref<320000xi32, #tpu.memory_space<hbm>> -> memref<80xi32, #tpu.memory_space<hbm>>
    %dma_start3A_134 = tpu.memref_slice %arg3[%multiple_of3A_132] : memref<320000xi32, #tpu.memory_space<hbm>> -> memref<80xi32, #tpu.memory_space<hbm>>
    tpu.enqueue_dma source(%dma_start3A_134 : memref<80xi32, #tpu.memory_space<hbm>>) target(%arg8 : memref<80xi32, #tpu.memory_space<vmem>>) target_semaphore(%arg25 : memref<!tpu.dma_semaphore, #tpu.memory_space<semaphore_mem>>)
    %scan3A_135 = arith.constant 0 : i32
    %scan3A_136 = arith.constant 0 : i32
    %scan3A_137 = arith.constant 40 : i32
    %scan3A_138 = arith.addi %scan3A_136, %scan3A_137 : i32
    %scan3A_139 = arith.constant 1 : i32
    scf.for %scan3A_216 = %scan3A_136 to %scan3A_138 step %scan3A_139  : i32 {
      %mul3A_217 = arith.constant 3 : i32
      %mul3A_218 = arith.muli %mul3A_217, %scan3A_216 : i32
      %add3A_219 = arith.constant 2 : i32
      %add3A_220 = arith.addi %mul3A_218, %add3A_219 : i32
      %dma_wait3A_221 = arith.constant 0 : i32
      %dma_wait3A_222 = arith.constant 0 : i32
      %dma_wait3A_223 = tpu.memref_slice %arg2[%dma_wait3A_221, %dma_wait3A_222] : memref<10240x128xbf16, #tpu.memory_space<hbm>> -> memref<10240x128xbf16, #tpu.memory_space<hbm>>
      tpu.wait_indirect_dma semaphore(%arg20 : memref<!tpu.dma_semaphore, #tpu.memory_space<semaphore_mem>>) src(%dma_wait3A_223 : memref<10240x128xbf16, #tpu.memory_space<hbm>>) dst(%arg15 : memref<80x128xbf16, #tpu.memory_space<vmem>>)
      %mul3A_224 = arith.constant 10000 : i32
      %mul3A_225 = arith.muli %add3A, %mul3A_224 : i32
      %mul3A_226 = arith.constant 80 : i32
      %mul3A_227 = arith.muli %add3A_220, %mul3A_226 : i32
      %add3A_228 = arith.addi %mul3A_225, %mul3A_227 : i32
      %multiple_of3A_229 = tpu.assume_multiple %add3A_228, 8 : i32
      %dma_wait3A_230 = tpu.memref_slice %arg4[%multiple_of3A_229] : memref<320000xi32, #tpu.memory_space<hbm>> -> memref<80xi32, #tpu.memory_space<hbm>>
      %dma_wait3A_231 = tpu.memref_slice %arg4[%multiple_of3A_229] : memref<320000xi32, #tpu.memory_space<hbm>> -> memref<80xi32, #tpu.memory_space<hbm>>
      tpu.wait_dma2 semaphore(%arg29 : memref<!tpu.dma_semaphore, #tpu.memory_space<semaphore_mem>>) src(%dma_wait3A_231 : memref<80xi32, #tpu.memory_space<hbm>>) dst(%arg12 : memref<80xi32, #tpu.memory_space<vmem>>)
      %dma_start3A_232 = arith.constant 0 : i32
      %dma_start3A_233 = arith.constant 0 : i32
      %dma_start3A_234 = tpu.memref_slice %arg17[%dma_start3A_232, %dma_start3A_233] : memref<10240x128xbf16, #tpu.memory_space<vmem_shared>> -> memref<10240x128xbf16, #tpu.memory_space<vmem_shared>>
      tpu.enqueue_indirect_dma source(%arg15 : memref<80x128xbf16, #tpu.memory_space<vmem>>) target(%dma_start3A_234 : memref<10240x128xbf16, #tpu.memory_space<vmem_shared>>) offsets(%arg12 : memref<80xi32, #tpu.memory_space<vmem>>) semaphore(%arg23 : memref<!tpu.dma_semaphore, #tpu.memory_space<semaphore_mem>>) {add = true}
      %dma_wait3A_235 = arith.constant 0 : i32
      %dma_wait3A_236 = arith.constant 0 : i32
      %dma_wait3A_237 = tpu.memref_slice %arg17[%dma_wait3A_235, %dma_wait3A_236] : memref<10240x128xbf16, #tpu.memory_space<vmem_shared>> -> memref<10240x128xbf16, #tpu.memory_space<vmem_shared>>
      tpu.wait_indirect_dma semaphore(%arg22 : memref<!tpu.dma_semaphore, #tpu.memory_space<semaphore_mem>>) src(%arg14 : memref<80x128xbf16, #tpu.memory_space<vmem>>) dst(%dma_wait3A_237 : memref<10240x128xbf16, #tpu.memory_space<vmem_shared>>)
      %add3A_238 = arith.constant 2 : i32
      %add3A_239 = arith.addi %add3A_220, %add3A_238 : i32
      %mul3A_240 = arith.constant 10000 : i32
      %mul3A_241 = arith.muli %add3A, %mul3A_240 : i32
      %mul3A_242 = arith.constant 80 : i32
      %mul3A_243 = arith.muli %add3A_239, %mul3A_242 : i32
      %add3A_244 = arith.addi %mul3A_241, %mul3A_243 : i32
      %multiple_of3A_245 = tpu.assume_multiple %add3A_244, 8 : i32
      %dma_wait3A_246 = tpu.memref_slice %arg3[%multiple_of3A_245] : memref<320000xi32, #tpu.memory_space<hbm>> -> memref<80xi32, #tpu.memory_space<hbm>>
      %dma_wait3A_247 = tpu.memref_slice %arg3[%multiple_of3A_245] : memref<320000xi32, #tpu.memory_space<hbm>> -> memref<80xi32, #tpu.memory_space<hbm>>
      tpu.wait_dma2 semaphore(%arg25 : memref<!tpu.dma_semaphore, #tpu.memory_space<semaphore_mem>>) src(%dma_wait3A_247 : memref<80xi32, #tpu.memory_space<hbm>>) dst(%arg8 : memref<80xi32, #tpu.memory_space<vmem>>)
      %dma_start3A_248 = arith.constant 0 : i32
      %dma_start3A_249 = arith.constant 0 : i32
      %dma_start3A_250 = tpu.memref_slice %arg2[%dma_start3A_248, %dma_start3A_249] : memref<10240x128xbf16, #tpu.memory_space<hbm>> -> memref<10240x128xbf16, #tpu.memory_space<hbm>>
      tpu.enqueue_indirect_dma source(%dma_start3A_250 : memref<10240x128xbf16, #tpu.memory_space<hbm>>) target(%arg14 : memref<80x128xbf16, #tpu.memory_space<vmem>>) offsets(%arg8 : memref<80xi32, #tpu.memory_space<vmem>>) semaphore(%arg19 : memref<!tpu.dma_semaphore, #tpu.memory_space<semaphore_mem>>)
      %add3A_251 = arith.constant 2 : i32
      %add3A_252 = arith.addi %add3A_220, %add3A_251 : i32
      %mul3A_253 = arith.constant 10000 : i32
      %mul3A_254 = arith.muli %add3A, %mul3A_253 : i32
      %mul3A_255 = arith.constant 80 : i32
      %mul3A_256 = arith.muli %add3A_252, %mul3A_255 : i32
      %add3A_257 = arith.addi %mul3A_254, %mul3A_256 : i32
      %multiple_of3A_258 = tpu.assume_multiple %add3A_257, 8 : i32
      %dma_start3A_259 = tpu.memref_slice %arg4[%multiple_of3A_258] : memref<320000xi32, #tpu.memory_space<hbm>> -> memref<80xi32, #tpu.memory_space<hbm>>
      %dma_start3A_260 = tpu.memref_slice %arg4[%multiple_of3A_258] : memref<320000xi32, #tpu.memory_space<hbm>> -> memref<80xi32, #tpu.memory_space<hbm>>
      tpu.enqueue_dma source(%dma_start3A_260 : memref<80xi32, #tpu.memory_space<hbm>>) target(%arg11 : memref<80xi32, #tpu.memory_space<vmem>>) target_semaphore(%arg28 : memref<!tpu.dma_semaphore, #tpu.memory_space<semaphore_mem>>)
      %add3A_261 = arith.constant 3 : i32
      %add3A_262 = arith.addi %add3A_220, %add3A_261 : i32
      %mul3A_263 = arith.constant 10000 : i32
      %mul3A_264 = arith.muli %add3A, %mul3A_263 : i32
      %mul3A_265 = arith.constant 80 : i32
      %mul3A_266 = arith.muli %add3A_262, %mul3A_265 : i32
      %add3A_267 = arith.addi %mul3A_264, %mul3A_266 : i32
      %multiple_of3A_268 = tpu.assume_multiple %add3A_267, 8 : i32
      %dma_start3A_269 = tpu.memref_slice %arg3[%multiple_of3A_268] : memref<320000xi32, #tpu.memory_space<hbm>> -> memref<80xi32, #tpu.memory_space<hbm>>
      %dma_start3A_270 = tpu.memref_slice %arg3[%multiple_of3A_268] : memref<320000xi32, #tpu.memory_space<hbm>> -> memref<80xi32, #tpu.memory_space<hbm>>
      tpu.enqueue_dma source(%dma_start3A_270 : memref<80xi32, #tpu.memory_space<hbm>>) target(%arg9 : memref<80xi32, #tpu.memory_space<vmem>>) target_semaphore(%arg26 : memref<!tpu.dma_semaphore, #tpu.memory_space<semaphore_mem>>)
      %add3A_271 = arith.constant 1 : i32
      %add3A_272 = arith.addi %add3A_220, %add3A_271 : i32
      %dma_wait3A_273 = arith.constant 0 : i32
      %dma_wait3A_274 = arith.constant 0 : i32
      %dma_wait3A_275 = tpu.memref_slice %arg2[%dma_wait3A_273, %dma_wait3A_274] : memref<10240x128xbf16, #tpu.memory_space<hbm>> -> memref<10240x128xbf16, #tpu.memory_space<hbm>>
      tpu.wait_indirect_dma semaphore(%arg18 : memref<!tpu.dma_semaphore, #tpu.memory_space<semaphore_mem>>) src(%dma_wait3A_275 : memref<10240x128xbf16, #tpu.memory_space<hbm>>) dst(%arg13 : memref<80x128xbf16, #tpu.memory_space<vmem>>)
      %mul3A_276 = arith.constant 10000 : i32
      %mul3A_277 = arith.muli %add3A, %mul3A_276 : i32
      %mul3A_278 = arith.constant 80 : i32
      %mul3A_279 = arith.muli %add3A_272, %mul3A_278 : i32
      %add3A_280 = arith.addi %mul3A_277, %mul3A_279 : i32
      %multiple_of3A_281 = tpu.assume_multiple %add3A_280, 8 : i32
      %dma_wait3A_282 = tpu.memref_slice %arg4[%multiple_of3A_281] : memref<320000xi32, #tpu.memory_space<hbm>> -> memref<80xi32, #tpu.memory_space<hbm>>
      %dma_wait3A_283 = tpu.memref_slice %arg4[%multiple_of3A_281] : memref<320000xi32, #tpu.memory_space<hbm>> -> memref<80xi32, #tpu.memory_space<hbm>>
      tpu.wait_dma2 semaphore(%arg27 : memref<!tpu.dma_semaphore, #tpu.memory_space<semaphore_mem>>) src(%dma_wait3A_283 : memref<80xi32, #tpu.memory_space<hbm>>) dst(%arg10 : memref<80xi32, #tpu.memory_space<vmem>>)
      %dma_start3A_284 = arith.constant 0 : i32
      %dma_start3A_285 = arith.constant 0 : i32
      %dma_start3A_286 = tpu.memref_slice %arg17[%dma_start3A_284, %dma_start3A_285] : memref<10240x128xbf16, #tpu.memory_space<vmem_shared>> -> memref<10240x128xbf16, #tpu.memory_space<vmem_shared>>
      tpu.enqueue_indirect_dma source(%arg13 : memref<80x128xbf16, #tpu.memory_space<vmem>>) target(%dma_start3A_286 : memref<10240x128xbf16, #tpu.memory_space<vmem_shared>>) offsets(%arg10 : memref<80xi32, #tpu.memory_space<vmem>>) semaphore(%arg21 : memref<!tpu.dma_semaphore, #tpu.memory_space<semaphore_mem>>) {add = true}
      %dma_wait3A_287 = arith.constant 0 : i32
      %dma_wait3A_288 = arith.constant 0 : i32
      %dma_wait3A_289 = tpu.memref_slice %arg17[%dma_wait3A_287, %dma_wait3A_288] : memref<10240x128xbf16, #tpu.memory_space<vmem_shared>> -> memref<10240x128xbf16, #tpu.memory_space<vmem_shared>>
      tpu.wait_indirect_dma semaphore(%arg23 : memref<!tpu.dma_semaphore, #tpu.memory_space<semaphore_mem>>) src(%arg15 : memref<80x128xbf16, #tpu.memory_space<vmem>>) dst(%dma_wait3A_289 : memref<10240x128xbf16, #tpu.memory_space<vmem_shared>>)
      %add3A_290 = arith.constant 2 : i32
      %add3A_291 = arith.addi %add3A_272, %add3A_290 : i32
      %mul3A_292 = arith.constant 10000 : i32
      %mul3A_293 = arith.muli %add3A, %mul3A_292 : i32
      %mul3A_294 = arith.constant 80 : i32
      %mul3A_295 = arith.muli %add3A_291, %mul3A_294 : i32
      %add3A_296 = arith.addi %mul3A_293, %mul3A_295 : i32
      %multiple_of3A_297 = tpu.assume_multiple %add3A_296, 8 : i32
      %dma_wait3A_298 = tpu.memref_slice %arg3[%multiple_of3A_297] : memref<320000xi32, #tpu.memory_space<hbm>> -> memref<80xi32, #tpu.memory_space<hbm>>
      %dma_wait3A_299 = tpu.memref_slice %arg3[%multiple_of3A_297] : memref<320000xi32, #tpu.memory_space<hbm>> -> memref<80xi32, #tpu.memory_space<hbm>>
      tpu.wait_dma2 semaphore(%arg26 : memref<!tpu.dma_semaphore, #tpu.memory_space<semaphore_mem>>) src(%dma_wait3A_299 : memref<80xi32, #tpu.memory_space<hbm>>) dst(%arg9 : memref<80xi32, #tpu.memory_space<vmem>>)
      %dma_start3A_300 = arith.constant 0 : i32
      %dma_start3A_301 = arith.constant 0 : i32
      %dma_start3A_302 = tpu.memref_slice %arg2[%dma_start3A_300, %dma_start3A_301] : memref<10240x128xbf16, #tpu.memory_space<hbm>> -> memref<10240x128xbf16, #tpu.memory_space<hbm>>
      tpu.enqueue_indirect_dma source(%dma_start3A_302 : memref<10240x128xbf16, #tpu.memory_space<hbm>>) target(%arg15 : memref<80x128xbf16, #tpu.memory_space<vmem>>) offsets(%arg9 : memref<80xi32, #tpu.memory_space<vmem>>) semaphore(%arg20 : memref<!tpu.dma_semaphore, #tpu.memory_space<semaphore_mem>>)
      %add3A_303 = arith.constant 2 : i32
      %add3A_304 = arith.addi %add3A_272, %add3A_303 : i32
      %mul3A_305 = arith.constant 10000 : i32
      %mul3A_306 = arith.muli %add3A, %mul3A_305 : i32
      %mul3A_307 = arith.constant 80 : i32
      %mul3A_308 = arith.muli %add3A_304, %mul3A_307 : i32
      %add3A_309 = arith.addi %mul3A_306, %mul3A_308 : i32
      %multiple_of3A_310 = tpu.assume_multiple %add3A_309, 8 : i32
      %dma_start3A_311 = tpu.memref_slice %arg4[%multiple_of3A_310] : memref<320000xi32, #tpu.memory_space<hbm>> -> memref<80xi32, #tpu.memory_space<hbm>>
      %dma_start3A_312 = tpu.memref_slice %arg4[%multiple_of3A_310] : memref<320000xi32, #tpu.memory_space<hbm>> -> memref<80xi32, #tpu.memory_space<hbm>>
      tpu.enqueue_dma source(%dma_start3A_312 : memref<80xi32, #tpu.memory_space<hbm>>) target(%arg12 : memref<80xi32, #tpu.memory_space<vmem>>) target_semaphore(%arg29 : memref<!tpu.dma_semaphore, #tpu.memory_space<semaphore_mem>>)
      %add3A_313 = arith.constant 3 : i32
      %add3A_314 = arith.addi %add3A_272, %add3A_313 : i32
      %mul3A_315 = arith.constant 10000 : i32
      %mul3A_316 = arith.muli %add3A, %mul3A_315 : i32
      %mul3A_317 = arith.constant 80 : i32
      %mul3A_318 = arith.muli %add3A_314, %mul3A_317 : i32
      %add3A_319 = arith.addi %mul3A_316, %mul3A_318 : i32
      %multiple_of3A_320 = tpu.assume_multiple %add3A_319, 8 : i32
      %dma_start3A_321 = tpu.memref_slice %arg3[%multiple_of3A_320] : memref<320000xi32, #tpu.memory_space<hbm>> -> memref<80xi32, #tpu.memory_space<hbm>>
      %dma_start3A_322 = tpu.memref_slice %arg3[%multiple_of3A_320] : memref<320000xi32, #tpu.memory_space<hbm>> -> memref<80xi32, #tpu.memory_space<hbm>>
      tpu.enqueue_dma source(%dma_start3A_322 : memref<80xi32, #tpu.memory_space<hbm>>) target(%arg7 : memref<80xi32, #tpu.memory_space<vmem>>) target_semaphore(%arg24 : memref<!tpu.dma_semaphore, #tpu.memory_space<semaphore_mem>>)
      %add3A_323 = arith.constant 2 : i32
      %add3A_324 = arith.addi %add3A_220, %add3A_323 : i32
      %dma_wait3A_325 = arith.constant 0 : i32
      %dma_wait3A_326 = arith.constant 0 : i32
      %dma_wait3A_327 = tpu.memref_slice %arg2[%dma_wait3A_325, %dma_wait3A_326] : memref<10240x128xbf16, #tpu.memory_space<hbm>> -> memref<10240x128xbf16, #tpu.memory_space<hbm>>
      tpu.wait_indirect_dma semaphore(%arg19 : memref<!tpu.dma_semaphore, #tpu.memory_space<semaphore_mem>>) src(%dma_wait3A_327 : memref<10240x128xbf16, #tpu.memory_space<hbm>>) dst(%arg14 : memref<80x128xbf16, #tpu.memory_space<vmem>>)
      %mul3A_328 = arith.constant 10000 : i32
      %mul3A_329 = arith.muli %add3A, %mul3A_328 : i32
      %mul3A_330 = arith.constant 80 : i32
      %mul3A_331 = arith.muli %add3A_324, %mul3A_330 : i32
      %add3A_332 = arith.addi %mul3A_329, %mul3A_331 : i32
      %multiple_of3A_333 = tpu.assume_multiple %add3A_332, 8 : i32
      %dma_wait3A_334 = tpu.memref_slice %arg4[%multiple_of3A_333] : memref<320000xi32, #tpu.memory_space<hbm>> -> memref<80xi32, #tpu.memory_space<hbm>>
      %dma_wait3A_335 = tpu.memref_slice %arg4[%multiple_of3A_333] : memref<320000xi32, #tpu.memory_space<hbm>> -> memref<80xi32, #tpu.memory_space<hbm>>
      tpu.wait_dma2 semaphore(%arg28 : memref<!tpu.dma_semaphore, #tpu.memory_space<semaphore_mem>>) src(%dma_wait3A_335 : memref<80xi32, #tpu.memory_space<hbm>>) dst(%arg11 : memref<80xi32, #tpu.memory_space<vmem>>)
      %dma_start3A_336 = arith.constant 0 : i32
      %dma_start3A_337 = arith.constant 0 : i32
      %dma_start3A_338 = tpu.memref_slice %arg17[%dma_start3A_336, %dma_start3A_337] : memref<10240x128xbf16, #tpu.memory_space<vmem_shared>> -> memref<10240x128xbf16, #tpu.memory_space<vmem_shared>>
      tpu.enqueue_indirect_dma source(%arg14 : memref<80x128xbf16, #tpu.memory_space<vmem>>) target(%dma_start3A_338 : memref<10240x128xbf16, #tpu.memory_space<vmem_shared>>) offsets(%arg11 : memref<80xi32, #tpu.memory_space<vmem>>) semaphore(%arg22 : memref<!tpu.dma_semaphore, #tpu.memory_space<semaphore_mem>>) {add = true}
      %dma_wait3A_339 = arith.constant 0 : i32
      %dma_wait3A_340 = arith.constant 0 : i32
      %dma_wait3A_341 = tpu.memref_slice %arg17[%dma_wait3A_339, %dma_wait3A_340] : memref<10240x128xbf16, #tpu.memory_space<vmem_shared>> -> memref<10240x128xbf16, #tpu.memory_space<vmem_shared>>
      tpu.wait_indirect_dma semaphore(%arg21 : memref<!tpu.dma_semaphore, #tpu.memory_space<semaphore_mem>>) src(%arg13 : memref<80x128xbf16, #tpu.memory_space<vmem>>) dst(%dma_wait3A_341 : memref<10240x128xbf16, #tpu.memory_space<vmem_shared>>)
      %add3A_342 = arith.constant 2 : i32
      %add3A_343 = arith.addi %add3A_324, %add3A_342 : i32
      %mul3A_344 = arith.constant 10000 : i32
      %mul3A_345 = arith.muli %add3A, %mul3A_344 : i32
      %mul3A_346 = arith.constant 80 : i32
      %mul3A_347 = arith.muli %add3A_343, %mul3A_346 : i32
      %add3A_348 = arith.addi %mul3A_345, %mul3A_347 : i32
      %multiple_of3A_349 = tpu.assume_multiple %add3A_348, 8 : i32
      %dma_wait3A_350 = tpu.memref_slice %arg3[%multiple_of3A_349] : memref<320000xi32, #tpu.memory_space<hbm>> -> memref<80xi32, #tpu.memory_space<hbm>>
      %dma_wait3A_351 = tpu.memref_slice %arg3[%multiple_of3A_349] : memref<320000xi32, #tpu.memory_space<hbm>> -> memref<80xi32, #tpu.memory_space<hbm>>
      tpu.wait_dma2 semaphore(%arg24 : memref<!tpu.dma_semaphore, #tpu.memory_space<semaphore_mem>>) src(%dma_wait3A_351 : memref<80xi32, #tpu.memory_space<hbm>>) dst(%arg7 : memref<80xi32, #tpu.memory_space<vmem>>)
      %dma_start3A_352 = arith.constant 0 : i32
      %dma_start3A_353 = arith.constant 0 : i32
      %dma_start3A_354 = tpu.memref_slice %arg2[%dma_start3A_352, %dma_start3A_353] : memref<10240x128xbf16, #tpu.memory_space<hbm>> -> memref<10240x128xbf16, #tpu.memory_space<hbm>>
      tpu.enqueue_indirect_dma source(%dma_start3A_354 : memref<10240x128xbf16, #tpu.memory_space<hbm>>) target(%arg13 : memref<80x128xbf16, #tpu.memory_space<vmem>>) offsets(%arg7 : memref<80xi32, #tpu.memory_space<vmem>>) semaphore(%arg18 : memref<!tpu.dma_semaphore, #tpu.memory_space<semaphore_mem>>)
      %add3A_355 = arith.constant 2 : i32
      %add3A_356 = arith.addi %add3A_324, %add3A_355 : i32
      %mul3A_357 = arith.constant 10000 : i32
      %mul3A_358 = arith.muli %add3A, %mul3A_357 : i32
      %mul3A_359 = arith.constant 80 : i32
      %mul3A_360 = arith.muli %add3A_356, %mul3A_359 : i32
      %add3A_361 = arith.addi %mul3A_358, %mul3A_360 : i32
      %multiple_of3A_362 = tpu.assume_multiple %add3A_361, 8 : i32
      %dma_start3A_363 = tpu.memref_slice %arg4[%multiple_of3A_362] : memref<320000xi32, #tpu.memory_space<hbm>> -> memref<80xi32, #tpu.memory_space<hbm>>
      %dma_start3A_364 = tpu.memref_slice %arg4[%multiple_of3A_362] : memref<320000xi32, #tpu.memory_space<hbm>> -> memref<80xi32, #tpu.memory_space<hbm>>
      tpu.enqueue_dma source(%dma_start3A_364 : memref<80xi32, #tpu.memory_space<hbm>>) target(%arg10 : memref<80xi32, #tpu.memory_space<vmem>>) target_semaphore(%arg27 : memref<!tpu.dma_semaphore, #tpu.memory_space<semaphore_mem>>)
      %add3A_365 = arith.constant 3 : i32
      %add3A_366 = arith.addi %add3A_324, %add3A_365 : i32
      %mul3A_367 = arith.constant 10000 : i32
      %mul3A_368 = arith.muli %add3A, %mul3A_367 : i32
      %mul3A_369 = arith.constant 80 : i32
      %mul3A_370 = arith.muli %add3A_366, %mul3A_369 : i32
      %add3A_371 = arith.addi %mul3A_368, %mul3A_370 : i32
      %multiple_of3A_372 = tpu.assume_multiple %add3A_371, 8 : i32
      %dma_start3A_373 = tpu.memref_slice %arg3[%multiple_of3A_372] : memref<320000xi32, #tpu.memory_space<hbm>> -> memref<80xi32, #tpu.memory_space<hbm>>
      %dma_start3A_374 = tpu.memref_slice %arg3[%multiple_of3A_372] : memref<320000xi32, #tpu.memory_space<hbm>> -> memref<80xi32, #tpu.memory_space<hbm>>
      tpu.enqueue_dma source(%dma_start3A_374 : memref<80xi32, #tpu.memory_space<hbm>>) target(%arg8 : memref<80xi32, #tpu.memory_space<vmem>>) target_semaphore(%arg25 : memref<!tpu.dma_semaphore, #tpu.memory_space<semaphore_mem>>)
    }
    %scan3A_140 = arith.constant 40 : i32
    %dma_wait3A_141 = arith.constant 0 : i32
    %dma_wait3A_142 = arith.constant 0 : i32
    %dma_wait3A_143 = tpu.memref_slice %arg2[%dma_wait3A_141, %dma_wait3A_142] : memref<10240x128xbf16, #tpu.memory_space<hbm>> -> memref<10240x128xbf16, #tpu.memory_space<hbm>>
    tpu.wait_indirect_dma semaphore(%arg20 : memref<!tpu.dma_semaphore, #tpu.memory_space<semaphore_mem>>) src(%dma_wait3A_143 : memref<10240x128xbf16, #tpu.memory_space<hbm>>) dst(%arg15 : memref<80x128xbf16, #tpu.memory_space<vmem>>)
    %mul3A_144 = arith.constant 10000 : i32
    %mul3A_145 = arith.muli %add3A, %mul3A_144 : i32
    %add3A_146 = arith.constant 9760 : i32
    %add3A_147 = arith.addi %mul3A_145, %add3A_146 : i32
    %multiple_of3A_148 = tpu.assume_multiple %add3A_147, 8 : i32
    %dma_wait3A_149 = tpu.memref_slice %arg4[%multiple_of3A_148] : memref<320000xi32, #tpu.memory_space<hbm>> -> memref<80xi32, #tpu.memory_space<hbm>>
    %dma_wait3A_150 = tpu.memref_slice %arg4[%multiple_of3A_148] : memref<320000xi32, #tpu.memory_space<hbm>> -> memref<80xi32, #tpu.memory_space<hbm>>
    tpu.wait_dma2 semaphore(%arg29 : memref<!tpu.dma_semaphore, #tpu.memory_space<semaphore_mem>>) src(%dma_wait3A_150 : memref<80xi32, #tpu.memory_space<hbm>>) dst(%arg12 : memref<80xi32, #tpu.memory_space<vmem>>)
    %dma_start3A_151 = arith.constant 0 : i32
    %dma_start3A_152 = arith.constant 0 : i32
    %dma_start3A_153 = tpu.memref_slice %arg17[%dma_start3A_151, %dma_start3A_152] : memref<10240x128xbf16, #tpu.memory_space<vmem_shared>> -> memref<10240x128xbf16, #tpu.memory_space<vmem_shared>>
    tpu.enqueue_indirect_dma source(%arg15 : memref<80x128xbf16, #tpu.memory_space<vmem>>) target(%dma_start3A_153 : memref<10240x128xbf16, #tpu.memory_space<vmem_shared>>) offsets(%arg12 : memref<80xi32, #tpu.memory_space<vmem>>) semaphore(%arg23 : memref<!tpu.dma_semaphore, #tpu.memory_space<semaphore_mem>>) {add = true}
    %dma_wait3A_154 = arith.constant 0 : i32
    %dma_wait3A_155 = arith.constant 0 : i32
    %dma_wait3A_156 = tpu.memref_slice %arg17[%dma_wait3A_154, %dma_wait3A_155] : memref<10240x128xbf16, #tpu.memory_space<vmem_shared>> -> memref<10240x128xbf16, #tpu.memory_space<vmem_shared>>
    tpu.wait_indirect_dma semaphore(%arg22 : memref<!tpu.dma_semaphore, #tpu.memory_space<semaphore_mem>>) src(%arg14 : memref<80x128xbf16, #tpu.memory_space<vmem>>) dst(%dma_wait3A_156 : memref<10240x128xbf16, #tpu.memory_space<vmem_shared>>)
    %mul3A_157 = arith.constant 10000 : i32
    %mul3A_158 = arith.muli %add3A, %mul3A_157 : i32
    %add3A_159 = arith.constant 9920 : i32
    %add3A_160 = arith.addi %mul3A_158, %add3A_159 : i32
    %multiple_of3A_161 = tpu.assume_multiple %add3A_160, 8 : i32
    %dma_wait3A_162 = tpu.memref_slice %arg3[%multiple_of3A_161] : memref<320000xi32, #tpu.memory_space<hbm>> -> memref<80xi32, #tpu.memory_space<hbm>>
    %dma_wait3A_163 = tpu.memref_slice %arg3[%multiple_of3A_161] : memref<320000xi32, #tpu.memory_space<hbm>> -> memref<80xi32, #tpu.memory_space<hbm>>
    tpu.wait_dma2 semaphore(%arg25 : memref<!tpu.dma_semaphore, #tpu.memory_space<semaphore_mem>>) src(%dma_wait3A_163 : memref<80xi32, #tpu.memory_space<hbm>>) dst(%arg8 : memref<80xi32, #tpu.memory_space<vmem>>)
    %dma_start3A_164 = arith.constant 0 : i32
    %dma_start3A_165 = arith.constant 0 : i32
    %dma_start3A_166 = tpu.memref_slice %arg2[%dma_start3A_164, %dma_start3A_165] : memref<10240x128xbf16, #tpu.memory_space<hbm>> -> memref<10240x128xbf16, #tpu.memory_space<hbm>>
    tpu.enqueue_indirect_dma source(%dma_start3A_166 : memref<10240x128xbf16, #tpu.memory_space<hbm>>) target(%arg14 : memref<80x128xbf16, #tpu.memory_space<vmem>>) offsets(%arg8 : memref<80xi32, #tpu.memory_space<vmem>>) semaphore(%arg19 : memref<!tpu.dma_semaphore, #tpu.memory_space<semaphore_mem>>)
    %mul3A_167 = arith.constant 10000 : i32
    %mul3A_168 = arith.muli %add3A, %mul3A_167 : i32
    %add3A_169 = arith.constant 9920 : i32
    %add3A_170 = arith.addi %mul3A_168, %add3A_169 : i32
    %multiple_of3A_171 = tpu.assume_multiple %add3A_170, 8 : i32
    %dma_start3A_172 = tpu.memref_slice %arg4[%multiple_of3A_171] : memref<320000xi32, #tpu.memory_space<hbm>> -> memref<80xi32, #tpu.memory_space<hbm>>
    %dma_start3A_173 = tpu.memref_slice %arg4[%multiple_of3A_171] : memref<320000xi32, #tpu.memory_space<hbm>> -> memref<80xi32, #tpu.memory_space<hbm>>
    tpu.enqueue_dma source(%dma_start3A_173 : memref<80xi32, #tpu.memory_space<hbm>>) target(%arg11 : memref<80xi32, #tpu.memory_space<vmem>>) target_semaphore(%arg28 : memref<!tpu.dma_semaphore, #tpu.memory_space<semaphore_mem>>)
    %dma_wait3A_174 = arith.constant 0 : i32
    %dma_wait3A_175 = arith.constant 0 : i32
    %dma_wait3A_176 = tpu.memref_slice %arg2[%dma_wait3A_174, %dma_wait3A_175] : memref<10240x128xbf16, #tpu.memory_space<hbm>> -> memref<10240x128xbf16, #tpu.memory_space<hbm>>
    tpu.wait_indirect_dma semaphore(%arg18 : memref<!tpu.dma_semaphore, #tpu.memory_space<semaphore_mem>>) src(%dma_wait3A_176 : memref<10240x128xbf16, #tpu.memory_space<hbm>>) dst(%arg13 : memref<80x128xbf16, #tpu.memory_space<vmem>>)
    %mul3A_177 = arith.constant 10000 : i32
    %mul3A_178 = arith.muli %add3A, %mul3A_177 : i32
    %add3A_179 = arith.constant 9840 : i32
    %add3A_180 = arith.addi %mul3A_178, %add3A_179 : i32
    %multiple_of3A_181 = tpu.assume_multiple %add3A_180, 8 : i32
    %dma_wait3A_182 = tpu.memref_slice %arg4[%multiple_of3A_181] : memref<320000xi32, #tpu.memory_space<hbm>> -> memref<80xi32, #tpu.memory_space<hbm>>
    %dma_wait3A_183 = tpu.memref_slice %arg4[%multiple_of3A_181] : memref<320000xi32, #tpu.memory_space<hbm>> -> memref<80xi32, #tpu.memory_space<hbm>>
    tpu.wait_dma2 semaphore(%arg27 : memref<!tpu.dma_semaphore, #tpu.memory_space<semaphore_mem>>) src(%dma_wait3A_183 : memref<80xi32, #tpu.memory_space<hbm>>) dst(%arg10 : memref<80xi32, #tpu.memory_space<vmem>>)
    %dma_start3A_184 = arith.constant 0 : i32
    %dma_start3A_185 = arith.constant 0 : i32
    %dma_start3A_186 = tpu.memref_slice %arg17[%dma_start3A_184, %dma_start3A_185] : memref<10240x128xbf16, #tpu.memory_space<vmem_shared>> -> memref<10240x128xbf16, #tpu.memory_space<vmem_shared>>
    tpu.enqueue_indirect_dma source(%arg13 : memref<80x128xbf16, #tpu.memory_space<vmem>>) target(%dma_start3A_186 : memref<10240x128xbf16, #tpu.memory_space<vmem_shared>>) offsets(%arg10 : memref<80xi32, #tpu.memory_space<vmem>>) semaphore(%arg21 : memref<!tpu.dma_semaphore, #tpu.memory_space<semaphore_mem>>) {add = true}
    %dma_wait3A_187 = arith.constant 0 : i32
    %dma_wait3A_188 = arith.constant 0 : i32
    %dma_wait3A_189 = tpu.memref_slice %arg17[%dma_wait3A_187, %dma_wait3A_188] : memref<10240x128xbf16, #tpu.memory_space<vmem_shared>> -> memref<10240x128xbf16, #tpu.memory_space<vmem_shared>>
    tpu.wait_indirect_dma semaphore(%arg23 : memref<!tpu.dma_semaphore, #tpu.memory_space<semaphore_mem>>) src(%arg15 : memref<80x128xbf16, #tpu.memory_space<vmem>>) dst(%dma_wait3A_189 : memref<10240x128xbf16, #tpu.memory_space<vmem_shared>>)
    %dma_wait3A_190 = arith.constant 0 : i32
    %dma_wait3A_191 = arith.constant 0 : i32
    %dma_wait3A_192 = tpu.memref_slice %arg2[%dma_wait3A_190, %dma_wait3A_191] : memref<10240x128xbf16, #tpu.memory_space<hbm>> -> memref<10240x128xbf16, #tpu.memory_space<hbm>>
    tpu.wait_indirect_dma semaphore(%arg19 : memref<!tpu.dma_semaphore, #tpu.memory_space<semaphore_mem>>) src(%dma_wait3A_192 : memref<10240x128xbf16, #tpu.memory_space<hbm>>) dst(%arg14 : memref<80x128xbf16, #tpu.memory_space<vmem>>)
    %mul3A_193 = arith.constant 10000 : i32
    %mul3A_194 = arith.muli %add3A, %mul3A_193 : i32
    %add3A_195 = arith.constant 9920 : i32
    %add3A_196 = arith.addi %mul3A_194, %add3A_195 : i32
    %multiple_of3A_197 = tpu.assume_multiple %add3A_196, 8 : i32
    %dma_wait3A_198 = tpu.memref_slice %arg4[%multiple_of3A_197] : memref<320000xi32, #tpu.memory_space<hbm>> -> memref<80xi32, #tpu.memory_space<hbm>>
    %dma_wait3A_199 = tpu.memref_slice %arg4[%multiple_of3A_197] : memref<320000xi32, #tpu.memory_space<hbm>> -> memref<80xi32, #tpu.memory_space<hbm>>
    tpu.wait_dma2 semaphore(%arg28 : memref<!tpu.dma_semaphore, #tpu.memory_space<semaphore_mem>>) src(%dma_wait3A_199 : memref<80xi32, #tpu.memory_space<hbm>>) dst(%arg11 : memref<80xi32, #tpu.memory_space<vmem>>)
    %dma_start3A_200 = arith.constant 0 : i32
    %dma_start3A_201 = arith.constant 0 : i32
    %dma_start3A_202 = tpu.memref_slice %arg17[%dma_start3A_200, %dma_start3A_201] : memref<10240x128xbf16, #tpu.memory_space<vmem_shared>> -> memref<10240x128xbf16, #tpu.memory_space<vmem_shared>>
    tpu.enqueue_indirect_dma source(%arg14 : memref<80x128xbf16, #tpu.memory_space<vmem>>) target(%dma_start3A_202 : memref<10240x128xbf16, #tpu.memory_space<vmem_shared>>) offsets(%arg11 : memref<80xi32, #tpu.memory_space<vmem>>) semaphore(%arg22 : memref<!tpu.dma_semaphore, #tpu.memory_space<semaphore_mem>>) {add = true}
    %dma_wait3A_203 = arith.constant 0 : i32
    %dma_wait3A_204 = arith.constant 0 : i32
    %dma_wait3A_205 = tpu.memref_slice %arg17[%dma_wait3A_203, %dma_wait3A_204] : memref<10240x128xbf16, #tpu.memory_space<vmem_shared>> -> memref<10240x128xbf16, #tpu.memory_space<vmem_shared>>
    tpu.wait_indirect_dma semaphore(%arg21 : memref<!tpu.dma_semaphore, #tpu.memory_space<semaphore_mem>>) src(%arg13 : memref<80x128xbf16, #tpu.memory_space<vmem>>) dst(%dma_wait3A_205 : memref<10240x128xbf16, #tpu.memory_space<vmem_shared>>)
    %dma_wait3A_206 = arith.constant 0 : i32
    %dma_wait3A_207 = arith.constant 0 : i32
    %dma_wait3A_208 = tpu.memref_slice %arg17[%dma_wait3A_206, %dma_wait3A_207] : memref<10240x128xbf16, #tpu.memory_space<vmem_shared>> -> memref<10240x128xbf16, #tpu.memory_space<vmem_shared>>
    tpu.wait_indirect_dma semaphore(%arg22 : memref<!tpu.dma_semaphore, #tpu.memory_space<semaphore_mem>>) src(%arg14 : memref<80x128xbf16, #tpu.memory_space<vmem>>) dst(%dma_wait3A_208 : memref<10240x128xbf16, #tpu.memory_space<vmem_shared>>)
    %barrier3A_209 = arith.constant 0 : index
    tpu.barrier barrier_id(%barrier3A_209)
    %scan3A_210 = arith.constant 0 : i32
    %scan3A_211 = arith.constant 0 : i32
    %scan3A_212 = arith.constant 10 : i32
    %scan3A_213 = arith.addi %scan3A_211, %scan3A_212 : i32
    %scan3A_214 = arith.constant 1 : i32
    scf.for %scan3A_216 = %scan3A_211 to %scan3A_213 step %scan3A_214  : i32 {
      %mul3A_217 = arith.constant 640 : i32
      %mul3A_218 = arith.muli %arg1, %mul3A_217 : i32
      %mul3A_219 = arith.constant 64 : i32
      %mul3A_220 = arith.muli %scan3A_216, %mul3A_219 : i32
      %add3A_221 = arith.addi %mul3A_218, %mul3A_220 : i32
      %multiple_of3A_222 = tpu.assume_multiple %add3A_221, 8 : i32
      "tpu.region"() ({
        %run_scoped3A = tpu.sem_alloc : memref<!tpu.dma_semaphore, #tpu.memory_space<semaphore_mem>>
        %dma_start3A_223 = arith.constant 0 : i32
        %dma_start3A_224 = tpu.memref_slice %arg17[%multiple_of3A_222, %dma_start3A_223] : memref<10240x128xbf16, #tpu.memory_space<vmem_shared>> -> memref<64x128xbf16, #tpu.memory_space<vmem_shared>>
        %dma_start3A_225 = arith.constant 0 : i32
        %dma_start3A_226 = tpu.memref_slice %arg17[%multiple_of3A_222, %dma_start3A_225] : memref<10240x128xbf16, #tpu.memory_space<vmem_shared>> -> memref<64x128xbf16, #tpu.memory_space<vmem_shared>>
        tpu.enqueue_dma source(%dma_start3A_226 : memref<64x128xbf16, #tpu.memory_space<vmem_shared>>) target(%arg16 : memref<64x128xbf16, #tpu.memory_space<vmem>>) target_semaphore(%run_scoped3A : memref<!tpu.dma_semaphore, #tpu.memory_space<semaphore_mem>>)
        %dma_wait3A_227 = arith.constant 0 : i32
        %dma_wait3A_228 = tpu.memref_slice %arg17[%multiple_of3A_222, %dma_wait3A_227] : memref<10240x128xbf16, #tpu.memory_space<vmem_shared>> -> memref<64x128xbf16, #tpu.memory_space<vmem_shared>>
        %dma_wait3A_229 = arith.constant 0 : i32
        %dma_wait3A_230 = tpu.memref_slice %arg17[%multiple_of3A_222, %dma_wait3A_229] : memref<10240x128xbf16, #tpu.memory_space<vmem_shared>> -> memref<64x128xbf16, #tpu.memory_space<vmem_shared>>
        tpu.wait_dma2 semaphore(%run_scoped3A : memref<!tpu.dma_semaphore, #tpu.memory_space<semaphore_mem>>) src(%dma_wait3A_230 : memref<64x128xbf16, #tpu.memory_space<vmem_shared>>) dst(%arg16 : memref<64x128xbf16, #tpu.memory_space<vmem>>)
        tpu.yield
      }) : () -> ()
      "tpu.region"() ({
        %run_scoped3A = tpu.sem_alloc : memref<!tpu.dma_semaphore, #tpu.memory_space<semaphore_mem>>
        %dma_start3A_223 = arith.constant 0 : i32
        %dma_start3A_224 = tpu.memref_slice %arg6[%arg0, %multiple_of3A_222, %dma_start3A_223] : memref<2x10240x128xbf16, #tpu.memory_space<hbm>> -> memref<1x64x128xbf16, #tpu.memory_space<hbm>>
        %dma_start3A_225 = tpu.memref_squeeze %dma_start3A_224 : memref<1x64x128xbf16, #tpu.memory_space<hbm>> -> memref<64x128xbf16, #tpu.memory_space<hbm>>
        %dma_start3A_226 = arith.constant 0 : i32
        %dma_start3A_227 = tpu.memref_slice %arg6[%arg0, %multiple_of3A_222, %dma_start3A_226] : memref<2x10240x128xbf16, #tpu.memory_space<hbm>> -> memref<1x64x128xbf16, #tpu.memory_space<hbm>>
        %dma_start3A_228 = tpu.memref_squeeze %dma_start3A_227 : memref<1x64x128xbf16, #tpu.memory_space<hbm>> -> memref<64x128xbf16, #tpu.memory_space<hbm>>
        tpu.enqueue_dma source(%arg16 : memref<64x128xbf16, #tpu.memory_space<vmem>>) target(%dma_start3A_228 : memref<64x128xbf16, #tpu.memory_space<hbm>>) target_semaphore(%run_scoped3A : memref<!tpu.dma_semaphore, #tpu.memory_space<semaphore_mem>>)
        %dma_wait3A_229 = arith.constant 0 : i32
        %dma_wait3A_230 = tpu.memref_slice %arg6[%arg0, %multiple_of3A_222, %dma_wait3A_229] : memref<2x10240x128xbf16, #tpu.memory_space<hbm>> -> memref<1x64x128xbf16, #tpu.memory_space<hbm>>
        %dma_wait3A_231 = tpu.memref_squeeze %dma_wait3A_230 : memref<1x64x128xbf16, #tpu.memory_space<hbm>> -> memref<64x128xbf16, #tpu.memory_space<hbm>>
        %dma_wait3A_232 = arith.constant 0 : i32
        %dma_wait3A_233 = tpu.memref_slice %arg6[%arg0, %multiple_of3A_222, %dma_wait3A_232] : memref<2x10240x128xbf16, #tpu.memory_space<hbm>> -> memref<1x64x128xbf16, #tpu.memory_space<hbm>>
        %dma_wait3A_234 = tpu.memref_squeeze %dma_wait3A_233 : memref<1x64x128xbf16, #tpu.memory_space<hbm>> -> memref<64x128xbf16, #tpu.memory_space<hbm>>
        tpu.wait_dma2 semaphore(%run_scoped3A : memref<!tpu.dma_semaphore, #tpu.memory_space<semaphore_mem>>) src(%arg16 : memref<64x128xbf16, #tpu.memory_space<vmem>>) dst(%dma_wait3A_234 : memref<64x128xbf16, #tpu.memory_space<hbm>>)
        tpu.yield
      }) : () -> ()
    }
    %scan3A_215 = arith.constant 10 : i32
    return
  }
}

module attributes {stable_mosaic.version = 14 : i64} {
  func.func @_tc_t_body(%arg0: i32, %arg1: memref<1024x128xf32, #tpu.memory_space<vmem>>, %arg2: memref<128x128xf32, #tpu.memory_space<vmem>>, %arg3: memref<1024x128xbf16, #tpu.memory_space<vmem>>) attributes {dimension_semantics = [#tpu.dimension_semantics<arbitrary>], iteration_bounds = array<i64: 10>, scalar_prefetch = 0 : i64, scratch_operands = 0 : i64, tpu.core_type = #tpu.core_type<tc>, window_params = [{transform_indices = @transform_0, window_bounds = array<i64: 1024, 128>}, {pipeline_mode = #tpu.pipeline_mode<synchronous>, transform_indices = @transform_1, window_bounds = array<i64: 128, 128>}, {transform_indices = @transform_2, window_bounds = array<i64: 1024, 128>}]} {
    %get3A = arith.constant 0 : index
    %get3A_0 = arith.constant 0 : index
    %get3A_1 = vector.load %arg1[%get3A, %get3A_0] : memref<1024x128xf32, #tpu.memory_space<vmem>>, vector<1024x128xf32>
    %get3A_2 = arith.constant 0 : index
    %get3A_3 = arith.constant 0 : index
    %get3A_4 = vector.load %arg2[%get3A_2, %get3A_3] : memref<128x128xf32, #tpu.memory_space<vmem>>, vector<128x128xf32>
    %dot_general3A = arith.constant dense<0.000000e+00> : vector<1024x128xf32>
    %dot_general3A_5 = tpu.matmul %get3A_1, %get3A_4, %dot_general3A {dimension_numbers = #tpu.dot_dimension_numbers<[1], [1], [0], [0], [0, 0, 1, 0], [], []>, transpose_lhs_hint = false} : vector<1024x128xf32>, vector<128x128xf32>, vector<1024x128xf32> -> vector<1024x128xf32>
    %convert_element_type3A = arith.truncf %dot_general3A_5 : vector<1024x128xf32> to vector<1024x128xbf16>
    %swap3A = arith.constant 0 : index
    %swap3A_6 = arith.constant 0 : index
    %swap3A_7 = vector.load %arg3[%swap3A, %swap3A_6] : memref<1024x128xbf16, #tpu.memory_space<vmem>>, vector<1024x128xbf16>
    tpu.vector_store %arg3[%swap3A, %swap3A_6], %convert_element_type3A {strides = array<i32>} : memref<1024x128xbf16, #tpu.memory_space<vmem>>, vector<1024x128xbf16>,
    return
  }
  func.func @transform_0(%arg0: i32) -> (i32, i32) {
    %c0_i32 = arith.constant 0 : i32
    %c0_i32_0 = arith.constant 0 : i32
    return %arg0, %c0_i32 : i32, i32
  }
  func.func @transform_1(%arg0: i32) -> (i32, i32) {
    %c0_i32 = arith.constant 0 : i32
    %c0_i32_0 = arith.constant 0 : i32
    %c0_i32_1 = arith.constant 0 : i32
    return %c0_i32, %c0_i32_0 : i32, i32
  }
  func.func @transform_2(%arg0: i32) -> (i32, i32) {
    %c0_i32 = arith.constant 0 : i32
    %c0_i32_0 = arith.constant 0 : i32
    return %arg0, %c0_i32 : i32, i32
  }
}

module attributes {stable_mosaic.version = 14 : i64} {
  func.func @_tc_r_body(%arg0: i32, %arg1: memref<1024x128xf32, #tpu.memory_space<vmem>>, %arg2: memref<128x128xf32, #tpu.memory_space<vmem>>, %arg3: memref<1x128xf32, #tpu.memory_space<vmem>>, %arg4: memref<1024x128xf32, #tpu.memory_space<vmem>>) attributes {dimension_semantics = [#tpu.dimension_semantics<arbitrary>], iteration_bounds = array<i64: 10>, scalar_prefetch = 0 : i64, scratch_operands = 0 : i64, tpu.core_type = #tpu.core_type<tc>, window_params = [{transform_indices = @transform_0, window_bounds = array<i64: 1024, 128>}, {pipeline_mode = #tpu.pipeline_mode<synchronous>, transform_indices = @transform_1, window_bounds = array<i64: 128, 128>}, {pipeline_mode = #tpu.pipeline_mode<synchronous>, transform_indices = @transform_2, window_bounds = array<i64: 1, 128>}, {transform_indices = @transform_3, window_bounds = array<i64: 1024, 128>}]} {
    %get3A = arith.constant 0 : index
    %get3A_0 = arith.constant 0 : index
    %get3A_1 = vector.load %arg1[%get3A, %get3A_0] : memref<1024x128xf32, #tpu.memory_space<vmem>>, vector<1024x128xf32>
    %get3A_2 = arith.constant 0 : index
    %get3A_3 = arith.constant 0 : index
    %get3A_4 = vector.load %arg2[%get3A_2, %get3A_3] : memref<128x128xf32, #tpu.memory_space<vmem>>, vector<128x128xf32>
    %dot_general3A = arith.constant dense<0.000000e+00> : vector<1024x128xf32>
    %dot_general3A_5 = tpu.matmul %get3A_1, %get3A_4, %dot_general3A {dimension_numbers = #tpu.dot_dimension_numbers<[1], [1], [0], [0], [0, 0, 1, 0], [], []>, transpose_lhs_hint = false} : vector<1024x128xf32>, vector<128x128xf32>, vector<1024x128xf32> -> vector<1024x128xf32>
    %get3A_6 = arith.constant 0 : index
    %get3A_7 = arith.constant 0 : index
    %get3A_8 = vector.load %arg3[%get3A_6, %get3A_7] : memref<1x128xf32, #tpu.memory_space<vmem>>, vector<1x128xf32>
    %add3A = vector.broadcast %get3A_8 : vector<1x128xf32> to vector<1024x128xf32>
    %add3A_9 = arith.addf %dot_general3A_5, %add3A : vector<1024x128xf32>
    %swap3A = arith.constant 0 : index
    %swap3A_10 = arith.constant 0 : index
    %swap3A_11 = vector.load %arg4[%swap3A, %swap3A_10] : memref<1024x128xf32, #tpu.memory_space<vmem>>, vector<1024x128xf32>
    tpu.vector_store %arg4[%swap3A, %swap3A_10], %add3A_9 {strides = array<i32>} : memref<1024x128xf32, #tpu.memory_space<vmem>>, vector<1024x128xf32>,
    return
  }
  func.func @transform_0(%arg0: i32) -> (i32, i32) {
    %c0_i32 = arith.constant 0 : i32
    %c0_i32_0 = arith.constant 0 : i32
    return %arg0, %c0_i32 : i32, i32
  }
  func.func @transform_1(%arg0: i32) -> (i32, i32) {
    %c0_i32 = arith.constant 0 : i32
    %c0_i32_0 = arith.constant 0 : i32
    %c0_i32_1 = arith.constant 0 : i32
    return %c0_i32, %c0_i32_0 : i32, i32
  }
  func.func @transform_2(%arg0: i32) -> (i32, i32) {
    %c0_i32 = arith.constant 0 : i32
    %c0_i32_0 = arith.constant 0 : i32
    %c0_i32_1 = arith.constant 0 : i32
    return %c0_i32, %c0_i32_0 : i32, i32
  }
  func.func @transform_3(%arg0: i32) -> (i32, i32) {
    %c0_i32 = arith.constant 0 : i32
    %c0_i32_0 = arith.constant 0 : i32
    return %arg0, %c0_i32 : i32, i32
  }
}

module attributes {stable_mosaic.version = 14 : i64} {
  func.func @_tc_h_body(%arg0: i32, %arg1: memref<2x1024x128xbf16, #tpu.memory_space<vmem>>, %arg2: memref<2x1024x16xf32, #tpu.memory_space<vmem>>, %arg3: memref<1024x128xf32, #tpu.memory_space<vmem>>, %arg4: memref<128x128xf32, #tpu.memory_space<vmem>>, %arg5: memref<1024x128xbf16, #tpu.memory_space<vmem>>, %arg6: memref<1024x128xf32, #tpu.memory_space<vmem>>) attributes {dimension_semantics = [#tpu.dimension_semantics<arbitrary>], iteration_bounds = array<i64: 10>, scalar_prefetch = 0 : i64, scratch_operands = 0 : i64, tpu.core_type = #tpu.core_type<tc>, window_params = [{transform_indices = @transform_0, window_bounds = array<i64: 2, 1024, 128>}, {transform_indices = @transform_1, window_bounds = array<i64: 2, 1024, 16>}, {transform_indices = @transform_2, window_bounds = array<i64: 1024, 128>}, {pipeline_mode = #tpu.pipeline_mode<synchronous>, transform_indices = @transform_3, window_bounds = array<i64: 128, 128>}, {transform_indices = @transform_4, window_bounds = array<i64: 1024, 128>}, {transform_indices = @transform_5, window_bounds = array<i64: 1024, 128>}]} {
    %get3A = arith.constant 0 : index
    %get3A_0 = arith.constant 0 : index
    %get3A_1 = arith.constant 0 : index
    %get3A_2 = vector.load %arg1[%get3A, %get3A_0, %get3A_1] : memref<2x1024x128xbf16, #tpu.memory_space<vmem>>, vector<1x1024x128xbf16>
    %get3A_3 = vector.shape_cast %get3A_2 : vector<1x1024x128xbf16> to vector<1024x128xbf16>
    %convert_element_type3A = arith.extf %get3A_3 : vector<1024x128xbf16> to vector<1024x128xf32>
    %get3A_4 = arith.constant 1 : index
    %get3A_5 = arith.constant 0 : index
    %get3A_6 = arith.constant 0 : index
    %get3A_7 = vector.load %arg1[%get3A_4, %get3A_5, %get3A_6] : memref<2x1024x128xbf16, #tpu.memory_space<vmem>>, vector<1x1024x128xbf16>
    %get3A_8 = vector.shape_cast %get3A_7 : vector<1x1024x128xbf16> to vector<1024x128xbf16>
    %convert_element_type3A_9 = arith.extf %get3A_8 : vector<1024x128xbf16> to vector<1024x128xf32>
    %add3A = arith.addf %convert_element_type3A, %convert_element_type3A_9 : vector<1024x128xf32>
    %get3A_10 = arith.constant 0 : index
    %get3A_11 = arith.constant 0 : index
    %get3A_12 = arith.constant 0 : index
    %get3A_13 = vector.load %arg2[%get3A_10, %get3A_11, %get3A_12] : memref<2x1024x16xf32, #tpu.memory_space<vmem>>, vector<1x1024x1xf32>
    %get3A_14 = vector.shape_cast %get3A_13 : vector<1x1024x1xf32> to vector<1024x1xf32>
    %get3A_15 = arith.constant 1 : index
    %get3A_16 = arith.constant 0 : index
    %get3A_17 = arith.constant 0 : index
    %get3A_18 = vector.load %arg2[%get3A_15, %get3A_16, %get3A_17] : memref<2x1024x16xf32, #tpu.memory_space<vmem>>, vector<1x1024x1xf32>
    %get3A_19 = vector.shape_cast %get3A_18 : vector<1x1024x1xf32> to vector<1024x1xf32>
    %add3A_20 = arith.addf %get3A_14, %get3A_19 : vector<1024x1xf32>
    %max3A = arith.constant 1.000000e+00 : f32
    %max3A_21 = vector.broadcast %max3A : f32 to vector<1024x1xf32>
    %max3A_22 = arith.maximumf %add3A_20, %max3A_21 : vector<1024x1xf32>
    %div3A = vector.broadcast %max3A_22 : vector<1024x1xf32> to vector<1024x128xf32>
    %div3A_23 = arith.divf %add3A, %div3A : vector<1024x128xf32>
    %get3A_24 = arith.constant 0 : index
    %get3A_25 = arith.constant 0 : index
    %get3A_26 = vector.load %arg3[%get3A_24, %get3A_25] : memref<1024x128xf32, #tpu.memory_space<vmem>>, vector<1024x128xf32>
    %add3A_27 = arith.addf %div3A_23, %get3A_26 : vector<1024x128xf32>
    %max3A_28 = arith.constant 0.000000e+00 : f32
    %max3A_29 = vector.broadcast %max3A_28 : f32 to vector<1024x128xf32>
    %max3A_30 = arith.maximumf %add3A_27, %max3A_29 : vector<1024x128xf32>
    %swap3A = arith.constant 0 : index
    %swap3A_31 = arith.constant 0 : index
    %swap3A_32 = vector.load %arg6[%swap3A, %swap3A_31] : memref<1024x128xf32, #tpu.memory_space<vmem>>, vector<1024x128xf32>
    tpu.vector_store %arg6[%swap3A, %swap3A_31], %max3A_30 {strides = array<i32>} : memref<1024x128xf32, #tpu.memory_space<vmem>>, vector<1024x128xf32>,
    %get3A_33 = arith.constant 0 : index
    %get3A_34 = arith.constant 0 : index
    %get3A_35 = vector.load %arg4[%get3A_33, %get3A_34] : memref<128x128xf32, #tpu.memory_space<vmem>>, vector<128x128xf32>
    %dot_general3A = arith.constant dense<0.000000e+00> : vector<1024x128xf32>
    %dot_general3A_36 = tpu.matmul %max3A_30, %get3A_35, %dot_general3A {dimension_numbers = #tpu.dot_dimension_numbers<[1], [1], [0], [0], [0, 0, 1, 0], [], []>, transpose_lhs_hint = false} : vector<1024x128xf32>, vector<128x128xf32>, vector<1024x128xf32> -> vector<1024x128xf32>
    %convert_element_type3A_37 = arith.truncf %dot_general3A_36 : vector<1024x128xf32> to vector<1024x128xbf16>
    %swap3A_38 = arith.constant 0 : index
    %swap3A_39 = arith.constant 0 : index
    %swap3A_40 = vector.load %arg5[%swap3A_38, %swap3A_39] : memref<1024x128xbf16, #tpu.memory_space<vmem>>, vector<1024x128xbf16>
    tpu.vector_store %arg5[%swap3A_38, %swap3A_39], %convert_element_type3A_37 {strides = array<i32>} : memref<1024x128xbf16, #tpu.memory_space<vmem>>, vector<1024x128xbf16>,
    return
  }
  func.func @transform_0(%arg0: i32) -> (i32, i32, i32) {
    %c0_i32 = arith.constant 0 : i32
    %c0_i32_0 = arith.constant 0 : i32
    %c0_i32_1 = arith.constant 0 : i32
    return %c0_i32, %arg0, %c0_i32_0 : i32, i32, i32
  }
  func.func @transform_1(%arg0: i32) -> (i32, i32, i32) {
    %c0_i32 = arith.constant 0 : i32
    %c0_i32_0 = arith.constant 0 : i32
    %c0_i32_1 = arith.constant 0 : i32
    return %c0_i32, %arg0, %c0_i32_0 : i32, i32, i32
  }
  func.func @transform_2(%arg0: i32) -> (i32, i32) {
    %c0_i32 = arith.constant 0 : i32
    %c0_i32_0 = arith.constant 0 : i32
    return %arg0, %c0_i32 : i32, i32
  }
  func.func @transform_3(%arg0: i32) -> (i32, i32) {
    %c0_i32 = arith.constant 0 : i32
    %c0_i32_0 = arith.constant 0 : i32
    %c0_i32_1 = arith.constant 0 : i32
    return %c0_i32, %c0_i32_0 : i32, i32
  }
  func.func @transform_4(%arg0: i32) -> (i32, i32) {
    %c0_i32 = arith.constant 0 : i32
    %c0_i32_0 = arith.constant 0 : i32
    return %arg0, %c0_i32 : i32, i32
  }
  func.func @transform_5(%arg0: i32) -> (i32, i32) {
    %c0_i32 = arith.constant 0 : i32
    %c0_i32_0 = arith.constant 0 : i32
    return %arg0, %c0_i32 : i32, i32
  }
}

module attributes {stable_mosaic.version = 14 : i64} {
  func.func @_tc_out_body(%arg0: i32, %arg1: memref<2x1024x128xbf16, #tpu.memory_space<vmem>>, %arg2: memref<2x1024x16xf32, #tpu.memory_space<vmem>>, %arg3: memref<1024x128xf32, #tpu.memory_space<vmem>>, %arg4: memref<1024x128xf32, #tpu.memory_space<vmem>>) attributes {dimension_semantics = [#tpu.dimension_semantics<arbitrary>], iteration_bounds = array<i64: 10>, scalar_prefetch = 0 : i64, scratch_operands = 0 : i64, tpu.core_type = #tpu.core_type<tc>, window_params = [{transform_indices = @transform_0, window_bounds = array<i64: 2, 1024, 128>}, {transform_indices = @transform_1, window_bounds = array<i64: 2, 1024, 16>}, {transform_indices = @transform_2, window_bounds = array<i64: 1024, 128>}, {transform_indices = @transform_3, window_bounds = array<i64: 1024, 128>}]} {
    %get3A = arith.constant 0 : index
    %get3A_0 = arith.constant 0 : index
    %get3A_1 = arith.constant 0 : index
    %get3A_2 = vector.load %arg1[%get3A, %get3A_0, %get3A_1] : memref<2x1024x128xbf16, #tpu.memory_space<vmem>>, vector<1x1024x128xbf16>
    %get3A_3 = vector.shape_cast %get3A_2 : vector<1x1024x128xbf16> to vector<1024x128xbf16>
    %convert_element_type3A = arith.extf %get3A_3 : vector<1024x128xbf16> to vector<1024x128xf32>
    %get3A_4 = arith.constant 1 : index
    %get3A_5 = arith.constant 0 : index
    %get3A_6 = arith.constant 0 : index
    %get3A_7 = vector.load %arg1[%get3A_4, %get3A_5, %get3A_6] : memref<2x1024x128xbf16, #tpu.memory_space<vmem>>, vector<1x1024x128xbf16>
    %get3A_8 = vector.shape_cast %get3A_7 : vector<1x1024x128xbf16> to vector<1024x128xbf16>
    %convert_element_type3A_9 = arith.extf %get3A_8 : vector<1024x128xbf16> to vector<1024x128xf32>
    %add3A = arith.addf %convert_element_type3A, %convert_element_type3A_9 : vector<1024x128xf32>
    %get3A_10 = arith.constant 0 : index
    %get3A_11 = arith.constant 0 : index
    %get3A_12 = arith.constant 0 : index
    %get3A_13 = vector.load %arg2[%get3A_10, %get3A_11, %get3A_12] : memref<2x1024x16xf32, #tpu.memory_space<vmem>>, vector<1x1024x1xf32>
    %get3A_14 = vector.shape_cast %get3A_13 : vector<1x1024x1xf32> to vector<1024x1xf32>
    %get3A_15 = arith.constant 1 : index
    %get3A_16 = arith.constant 0 : index
    %get3A_17 = arith.constant 0 : index
    %get3A_18 = vector.load %arg2[%get3A_15, %get3A_16, %get3A_17] : memref<2x1024x16xf32, #tpu.memory_space<vmem>>, vector<1x1024x1xf32>
    %get3A_19 = vector.shape_cast %get3A_18 : vector<1x1024x1xf32> to vector<1024x1xf32>
    %add3A_20 = arith.addf %get3A_14, %get3A_19 : vector<1024x1xf32>
    %max3A = arith.constant 1.000000e+00 : f32
    %max3A_21 = vector.broadcast %max3A : f32 to vector<1024x1xf32>
    %max3A_22 = arith.maximumf %add3A_20, %max3A_21 : vector<1024x1xf32>
    %div3A = vector.broadcast %max3A_22 : vector<1024x1xf32> to vector<1024x128xf32>
    %div3A_23 = arith.divf %add3A, %div3A : vector<1024x128xf32>
    %get3A_24 = arith.constant 0 : index
    %get3A_25 = arith.constant 0 : index
    %get3A_26 = vector.load %arg3[%get3A_24, %get3A_25] : memref<1024x128xf32, #tpu.memory_space<vmem>>, vector<1024x128xf32>
    %add3A_27 = arith.addf %div3A_23, %get3A_26 : vector<1024x128xf32>
    %swap3A = arith.constant 0 : index
    %swap3A_28 = arith.constant 0 : index
    %swap3A_29 = vector.load %arg4[%swap3A, %swap3A_28] : memref<1024x128xf32, #tpu.memory_space<vmem>>, vector<1024x128xf32>
    tpu.vector_store %arg4[%swap3A, %swap3A_28], %add3A_27 {strides = array<i32>} : memref<1024x128xf32, #tpu.memory_space<vmem>>, vector<1024x128xf32>,
    return
  }
  func.func @transform_0(%arg0: i32) -> (i32, i32, i32) {
    %c0_i32 = arith.constant 0 : i32
    %c0_i32_0 = arith.constant 0 : i32
    %c0_i32_1 = arith.constant 0 : i32
    return %c0_i32, %arg0, %c0_i32_0 : i32, i32, i32
  }
  func.func @transform_1(%arg0: i32) -> (i32, i32, i32) {
    %c0_i32 = arith.constant 0 : i32
    %c0_i32_0 = arith.constant 0 : i32
    %c0_i32_1 = arith.constant 0 : i32
    return %c0_i32, %arg0, %c0_i32_0 : i32, i32, i32
  }
  func.func @transform_2(%arg0: i32) -> (i32, i32) {
    %c0_i32 = arith.constant 0 : i32
    %c0_i32_0 = arith.constant 0 : i32
    return %arg0, %c0_i32 : i32, i32
  }
  func.func @transform_3(%arg0: i32) -> (i32, i32) {
    %c0_i32 = arith.constant 0 : i32
    %c0_i32_0 = arith.constant 0 : i32
    return %arg0, %c0_i32 : i32, i32
  }
}

</mosaic_0001>

<sc_bundles>
// kernel: kernel.12.cloned.1.call-start
scs
__scs_entry_jumppad:
0x0: {  	(pc) =	sbr.rel $0x88, $3  }
0x1: {  	(tag) =	ssettag $0x0;
	lr =	simm.s32 $0x1  }
0x2: {  	[smem:$0x3F99] =	sst lr;
	_ =	strace $0xD0000000  }
0x3: {  	_ = 	snop  }
0x4: {  	_ = 	snop  }
0x5: {  	_ = 	snop  }
0x6: {  	_ = 	snop  }
0x7: {  	_ = 	snop  }
__scs_overlays_trampoline_lowered:
0x8: {  	[smem:$0x3FA8] =	sst s0  }
0x9: {  	[smem:$0x3FA9] =	sst s1  }
0xa: {  	[smem:$0x3FAA] =	sst s2  }
0xb: {  	[smem:$0x3FAB] =	sst s3  }
0xc: {  	[smem:$0x3FAC] =	sst s4  }
0xd: {  	[smem:$0x3FAD] =	sst s5  }
0xe: {  	[smem:$0x3FAE] =	sst s6  }
0xf: {  	[smem:$0x3FAF] =	sst s7  }
0x10: {  	[smem:$0x3FB0] =	sst s8  }
0x11: {  	[smem:$0x3FB1] =	sst s9;
	s0 =	simm.s32 @!p0 $0x0  }
0x12: {  	s1 =	sld [smem:$0x3F97];
	s0 =	simm.s32 @p0 $0x1  }
0x13: {  	[smem:$0x3FB2] =	sst s0;
	s0 =	simm.s32 @!p1 $0x0  }
0x14: {  	s2 =	sld [smem:$0x3F96];
	s0 =	simm.s32 @p1 $0x1  }
0x15: {  	[smem:$0x3FB3] =	sst s0;
	s0 =	simm.s32 @!p2 $0x0  }
0x16: {  	s3 =	sld [smem:$0x3FDB];
	s0 =	simm.s32 @p2 $0x1  }
0x17: {  	s4 =	simm.s32 $0x1BF5;
	[smem:$0x3FB5] =	sst s0  }
0x18: {  	s0 =	sld [smem:$0x3F98];
	_ =	swait.ge [sflag:s4], $0x0  }
0x19: {  	s7 =	sld [smem:$0x3F99]  }
0x1a: {  	s8 =	sadd.s32 $0xFFFFE003, lr  }
0x1b: {  	s9 =	sadd.s32 $0xFFFFFEF7, lr;
	s5 =	simm.s32 $0xFFFFFFFF;
	p2 =	slt.u32 s8, $0xFFFFF086  }
0x1c: {  	p1 =	slt.u32 s9, $0xF7A;
	s5 =	simm.s32 @!p2 $0x0  }
0x1d: {  	s5 =	simm.s32 @p1 $0x1;
	p0 =	seq.s32 s7, s2  }
0x1e: {  	s7 =	smul.u32 @!p0 $0xF7A, s2;
	p2 =	seq.s32 @!p0 s5, $0x0  }
0x1f: {  	s9 =	smul.u32 $0xF7A, s1;
	s8 =	simm.s32 @!p0 $0x1BF5;
	p2 =	por !p2, p0  }
0x20: {  	[sflag:s8] =	ssyncset.s32 @!p0 $0xFFFFF086;
	s6 =	sadd.s32 @!p0 s3, s7;
	s7 =	simm.s32 @!p0 $0x108  }
0x21: {  	s3 =	sadd.s32 s3, s9;
	s6 =	sadd.s32 @!p0 $0x88, s6;
	s7 =	simm.s32 @p2 $0x1082  }
0x22: {  	[simem:s7], [sflag:s8] =	dma.local @!p0 [hbm:s6], $0xF7A  }
0x23: {  	s9 =	sor.u32 $0xD0000000, s2;
	s6 =	simm.s32 $0x108;
	_ =	swait.ge @!p0 [sflag:s8], $0x0  }
0x24: {  	s3 =	sadd.s32 $0x88, s3;
	s6 =	simm.s32 @!p1 $0x1082;
	[sflag:s4] =	ssyncset.s32 $0xFFFFF086  }
0x25: {  	[simem:s6], [sflag:s4] =	dma.local [hbm:s3], $0xF7A  }
0x26: {  	[smem:$0x3F99] =	sst s1;
	(tag) =	ssettag s2;
	_ =	strace s9  }
0x27: {  	s1 =	sld [smem:$0x3FA9]  }
0x28: {  	s2 =	sld [smem:$0x3FAA]  }
0x29: {  	s4 =	sld [smem:$0x3FAC]  }
0x2a: {  	p0 =	seq.s32 s5, $0x0;
	s5 =	sld [smem:$0x3FAD]  }
0x2b: {  	s6 =	sld [smem:$0x3FAE]  }
0x2c: {  	s7 =	sld [smem:$0x3FAF]  }
0x2d: {  	s3 =	simm.s32 $0x108;
	s8 =	sld [smem:$0x3FB0]  }
0x2e: {  	s3 =	simm.s32 @!p0 $0x1082;
	s9 =	sld [smem:$0x3FB1]  }
0x2f: {  	lr =	sadd.s32 s0, s3;
	s0 =	sld [smem:$0x3FA8]  }
0x30: {  	s3 =	sld [smem:$0x3FAB]  }
0x31: {  	[smem:$0x3FB4] =	sst s10  }
0x32: {  	s10 =	sld [smem:$0x3FB2];
	_ =	sdelay $0x3  }
0x33: {  	p0 =	seq.s32 s10, $0x1;
	s10 =	sld [smem:$0x3FB4];
	_ =	sdelay $0x3  }
0x34: {  	[smem:$0x3FB4] =	sst s10  }
0x35: {  	s10 =	sld [smem:$0x3FB3];
	_ =	sdelay $0x3  }
0x36: {  	p1 =	seq.s32 s10, $0x1;
	s10 =	sld [smem:$0x3FB4];
	_ =	sdelay $0x3  }
0x37: {  	[smem:$0x3FB4] =	sst s10  }
0x38: {  	s10 =	sld [smem:$0x3FB5]  }
0x39: {  	_ = 	snop;
	(pc) =	sbr.ind lr, $3  }
0x3a: {  	_ = 	snop  }
0x3b: {  	_ = 	snop  }
0x3c: {  	p2 =	seq.s32 s10, $0x1;
	s10 =	sld [smem:$0x3FB4]  }
0x3d: {  	_ =	shalt  }
0x3e: {  	_ =	shalt  }
0x3f: {  	_ =	shalt  }
0x40: {  	_ =	shalt  }
0x41: {  	_ =	shalt  }
0x42: {  	_ =	shalt  }
0x43: {  	_ =	shalt  }
0x44: {  	_ =	shalt  }
0x45: {  	_ =	shalt  }
0x46: {  	_ =	shalt  }
0x47: {  	_ =	shalt  }
0x48: {  	_ =	shalt  }
0x49: {  	_ =	shalt  }
0x4a: {  	_ =	shalt  }
0x4b: {  	_ =	shalt  }
0x4c: {  	_ =	shalt  }
0x4d: {  	_ =	shalt  }
0x4e: {  	_ =	shalt  }
0x4f: {  	_ =	shalt  }
0x50: {  	_ =	shalt  }
0x51: {  	_ =	shalt  }
0x52: {  	_ =	shalt  }
0x53: {  	_ =	shalt  }
0x54: {  	_ =	shalt  }
0x55: {  	_ =	shalt  }
0x56: {  	_ =	shalt  }
0x57: {  	_ =	shalt  }
0x58: {  	_ =	shalt  }
0x59: {  	_ =	shalt  }
0x5a: {  	_ =	shalt  }
0x5b: {  	_ =	shalt  }
0x5c: {  	_ =	shalt  }
0x5d: {  	_ =	shalt  }
0x5e: {  	_ =	shalt  }
0x5f: {  	_ =	shalt  }
0x60: {  	_ =	shalt  }
0x61: {  	_ =	shalt  }
0x62: {  	_ =	shalt  }
0x63: {  	_ =	shalt  }
0x64: {  	_ =	shalt  }
0x65: {  	_ =	shalt  }
0x66: {  	_ =	shalt  }
0x67: {  	_ =	shalt  }
0x68: {  	_ =	shalt  }
0x69: {  	_ =	shalt  }
0x6a: {  	_ =	shalt  }
0x6b: {  	_ =	shalt  }
0x6c: {  	_ =	shalt  }
0x6d: {  	_ =	shalt  }
0x6e: {  	_ =	shalt  }
0x6f: {  	_ =	shalt  }
0x70: {  	_ =	shalt  }
0x71: {  	_ =	shalt  }
0x72: {  	_ =	shalt  }
0x73: {  	_ =	shalt  }
0x74: {  	_ =	shalt  }
0x75: {  	_ =	shalt  }
0x76: {  	_ =	shalt  }
0x77: {  	_ =	shalt  }
0x78: {  	_ =	shalt  }
0x79: {  	_ =	shalt  }
0x7a: {  	_ =	shalt  }
0x7b: {  	_ =	shalt  }
0x7c: {  	_ =	shalt  }
0x7d: {  	_ =	shalt  }
0x7e: {  	_ =	shalt  }
0x7f: {  	_ =	shalt  }
0x80: {  	_ =	shalt  }
0x81: {  	_ =	shalt  }
0x82: {  	_ =	shalt  }
0x83: {  	_ =	shalt  }
0x84: {  	_ =	shalt  }
0x85: {  	_ =	shalt  }
0x86: {  	_ =	shalt  }
0x87: {  	_ =	shalt  }
.Lfunc_end0:
.L_simem_size_0:
called_computation.1_lowered:
.L_overlay_start_0:
0x88: {  	s2 =	sld [smem:$0x3FD9]  }
0x89: {  	s3 =	sld [smem:$0x3FFE];
	_ =	sdelay $0x1  }
0x8a: {  	s1 =	srdreg.scid  }
0x8b: {  	s0 =	sand.u32 $0x1, s1  }
0x8c: {  	s17 =	sshll.u32 s0, $0xA;
	s2 =	sadd.s32 s3, s2  }
0x8d: {  	s2 =	sadd.s32 s2, s17  }
0x8e: {  	[smem:$0x3FC0] =	sst s2  }
0x8f: {  	_ = 	snop  }
0x90: {  	s2 =	sld [smem:$0x3FD0];
	(tm) =	ssettm $0x1  }
0x91: {  	s18 =	sld [smem:$0x3FFB];
	_ =	sdelay $0x3  }
0x92: {  	_ =	strace s18  }
0x93: {  	s3 =	sld [smem:$0x3FFC];
	_ =	sdelay $0x3  }
0x94: {  	_ =	strace s3  }
0x95: {  	s3 =	sld [smem:$0x3FFD];
	_ =	sdelay $0x3  }
0x96: {  	_ =	strace s3  }
0x97: {  	_ =	strace $0x8FFFFFFF  }
0x98: {  	s19 =	sld [smem:$0x3FDB];
	_ =	sdelay $0x1  }
0x99: {  	s4 =	simm.s32 $_scs_section_size  }
0x9a: {  	s5 =	simm.s32 $_size__tile_overlayer_lowered;
	s6 =	simm.s32 $_tile_overlayer_lowered  }
0x9b: {  	s22 =	simm.s32 $0x1BFF;
	s21 =	sshll.u32 s6, $0x1;
	s3 =	sadd.s32 s4, s19  }
0x9c: {  	s7 =	simm.s32 $0x0;
	s20 =	sshll.u32 s5, $0x1;
	s5 =	sadd.s32 s21, s3  }
0x9d: {  	[timem:s7], [sflag:s22] =	dma.local [hbm:s5], s20  }
0x9e: {  	_ =	swait.ge [sflag:s22], s20  }
0x9f: {  	s4 =	ssub.s32 $0x0, s20;
	[sflag:s22] =	ssyncset.done $0x0  }
0xa0: {  	[sflag:s22] =	ssyncadd.s32 s4;
	_ =	sdelay $0x1  }
0xa1: {  	s23 =	simm.s32 $0x1B8B  }
0xa2: {  	_ =	swait.ge [sflag:s23], $0x1  }
0xa3: {  	[sflag:s23] =	ssyncset.done $0x0  }
0xa4: {  	s25 =	simm.s32 $0x1B8E;
	s24 =	sld [smem:$0x3FFE];
	[sflag:s23] =	ssyncadd.s32 $0xFFFFFFFF  }
0xa5: {  	s26 =	simm.s32 $execute0_lowered;
	[smem:$0x3FD2] =	sst s25  }
0xa6: {  	s5 =	sshll.u32 s26, $0x1;
	_ =	strace $0x80000049;
	[dreg:$0x1] =	wrdreg $0xFFFFFFFF  }
0xa7: {  	s28 =	simm.s32 $_size_execute0_lowered;
	s3 =	sadd.s32 s3, s5;
	[dreg:$0x0] =	wrdreg $0x0  }
0xa8: {  	s5 =	sshll.u32 s28, $0x1;
	[dreg:$0x2] =	wrdreg s3  }
0xa9: {  	[dreg:$0x3] =	wrdreg s5  }
0xaa: {  	[dreg:$0x4] =	wrdreg $0xC0  }
0xab: {  	_ =	task [dreg:s7], $0x5FFFF  }
0xac: {  	[dreg:$0x1] =	wrdreg $0xFFFFFFFF  }
0xad: {  	[dreg:$0x0] =	wrdreg $0x60  }
0xae: {  	[dreg:$0x2] =	wrdreg s2  }
0xaf: {  	[dreg:$0x3] =	wrdreg s24  }
0xb0: {  	[dreg:$0x4] =	wrdreg $0x4DE00  }
0xb1: {  	[dreg:$0x5] =	wrdreg $0x9  }
0xb2: {  	_ =	task.clear_ibuf [dreg:s7], $0x6FFFF;
	_ =	strace $0x90000049  }
0xb3: {  	s29 =	simm.s32 $0x9;
	_ =	strace $0x8000004B  }
0xb4: {  	_ =	swait.ge [sflag:s29], $0x1  }
0xb5: {  	[sflag:s29] =	ssyncadd.s32 $0xFFFFFFFF  }
0xb6: {  	_ =	strace $0x9000004B  }
0xb7: {  	_ =	sfence  }
0xb8: {  	s30 =	sld [smem:$0x0];
	_ =	sdelay $0x2  }
0xb9: {  	s31 =	sshll.u32 s1, $0xD;
	s1 =	sshrl.u32 s1, $0x2  }
0xba: {  	s3 =	sand.u32 $0x4000, s31;
	s1 =	sadd.s32 s1, s30  }
0xbb: {  	s0 =	sor.u32 s3, s0;
	s1 =	sshll.u32 s1, $0x11  }
0xbc: {  	s0 =	sor.u32 s1, s0  }
0xbd: {  	s0 =	sadd.s32 $0x8F2B, s0  }
0xbe: {  	[sflag:s0] =	ssyncadd.remote.s32 $0x1  }
0xbf: {  	_ =	sfence.sel $0xFFFF  }
0xc0: {  	[dreg:$0x0] =	wrdreg $0xFFFFFFFF;
	(pc) =	sbr.abs _section_cstart, $3  }
0xc1: {  	[dreg:$0x1] =	wrdreg $0xFFFFFFFF  }
0xc2: {  	_ =	task.clear_ibuf [dreg:s7], $0x2FFFF;
	_ =	strace $0x9FFFFFFF  }
0xc3: {  	(tm) =	ssettm $0x7FFFFFFF  }
tec
execute0_lowered:
.L_overlay_start_1:
0x0: {  	(tag) =	ssettag $0x1  }
0x1: {  	s1 =	rddreg [dreg:$0x0]  }
0x2: {  	s0 =	rddreg [dreg:$0x1]  }
0x3: {  	s2 =	rddreg [dreg:$0x2];
	s4 =	simm.s32 $0x0;
	s3 =	srdreg.scid  }
0x4: {  	s23 =	stileid.u32;
	s28 =	simm.s32 $0xA0;
	s29 =	simm.s32 $0x7  }
0x5: {  	[smem:$0x7FF] =	sst s4;
	s5 =	sadd.s32 $0xB600, s0;
	s11 =	sand.u32 $0x1, s3  }
0x6: {  	s3 =	smul.u32 $0x14000, s23;
	s6 =	sadd.s32 $0x1800, s0;
	s7 =	sshll.u32 s23, $0x1  }
0x7: {  	s12 =	sadd.s32 $0x65400, s0;
	s16 =	smul.u32 $0x4E20, s23;
	s0 =	sadd.s32 $0x1600, s0  }
0x8: {  	_ =	strace $0x8000004A;
	s13 =	smul.u32 $0x140000, s11;
	s8 =	ssub.s32 $0x2, s11  }
0x9: {  	s7 =	sor.u32 s11, s7;
	s11 =	smul.u32 $0x2710, s11;
	[dreg:$0x1b] =	wrdreg s0  }
0xa: {  	s9 =	sshrl.u32 s8, $0x1;
	s10 =	smul.u32 $0x2710, s7;
	s14 =	sadd.s32 s13, s3  }
0xb: {  	s7 =	ssub.s32 s8, s9;
	s8 =	sor.u32 $0x2000, s3;
	s16 =	sadd.s32 s11, s16  }
0xc: {  	s11 =	sadd.s32 $0x8000, s3;
	s22 =	sshrl.u32 s14, $0x4;
	s14 =	sshrl.u32 s10, $0x3  }
0xd: {  	s24 =	sadd.s32 s13, s8;
	s10 =	sadd.s32 $0x6000, s3;
	s20 =	sadd.s32 $0x230, s16  }
0xe: {  	s21 =	sadd.s32 s13, s11;
	s9 =	sadd.s32 s12, s22;
	s15 =	sshrl.u32 s24, $0x4  }
0xf: {  	s26 =	sadd.s32 s13, s10;
	[dreg:$0x9] =	wrdreg s9;
	s9 =	sadd.s32 $0x4000, s3  }
0x10: {  	s15 =	sadd.s32 s12, s15;
	s18 =	sshrl.u32 s26, $0x4;
	s17 =	sadd.s32 s13, s9  }
0x11: {  	[dreg:$0xa] =	wrdreg s15;
	s19 =	sadd.s32 s12, s18;
	s18 =	sadd.s32 $0x1E0, s16  }
0x12: {  	s25 =	sshrl.u32 s17, $0x4;
	[dreg:$0xc] =	wrdreg s19;
	s17 =	sshrl.u32 s21, $0x4  }
0x13: {  	s18 =	sshrl.u32 s18, $0x3;
	s19 =	sadd.s32 $0x190, s16;
	s15 =	sadd.s32 s12, s25  }
0x14: {  	s22 =	sadd.s32 s18, s6;
	s24 =	sadd.s32 s18, s5;
	[dreg:$0xb] =	wrdreg s15  }
0x15: {  	s18 =	sshrl.u32 s19, $0x3;
	s19 =	sadd.s32 $0xA000, s3;
	[dreg:$0x5] =	wrdreg s22  }
0x16: {  	s17 =	sadd.s32 s12, s17;
	s15 =	sshrl.u32 s20, $0x3;
	[dreg:$0x6] =	wrdreg s24  }
0x17: {  	s25 =	sadd.s32 s18, s6;
	s26 =	sadd.s32 s13, s19;
	s20 =	sadd.s32 $0xC000, s3  }
0x18: {  	[dreg:$0xd] =	wrdreg s17;
	s17 =	sadd.s32 $0xE000, s3;
	s15 =	sadd.s32 s15, s5  }
0x19: {  	[dreg:$0x7] =	wrdreg s25;
	s21 =	sadd.s32 s13, s20;
	s24 =	sadd.s32 s13, s17  }
0x1a: {  	[dreg:$0x4] =	wrdreg s15;
	s15 =	sshrl.u32 s26, $0x4;
	s26 =	sadd.s32 s18, s5  }
0x1b: {  	s22 =	sshrl.u32 s21, $0x4;
	s15 =	sadd.s32 s12, s15;
	[dreg:$0x8] =	wrdreg s26  }
0x1c: {  	s21 =	sadd.s32 $0x10000, s3;
	[dreg:$0xe] =	wrdreg s15;
	s15 =	sadd.s32 s12, s22  }
0x1d: {  	s18 =	sadd.s32 $0xA, s14;
	s22 =	sadd.s32 s13, s21;
	[dreg:$0xf] =	wrdreg s15  }
0x1e: {  	s15 =	sshrl.u32 s24, $0x4;
	s25 =	sshrl.u32 s22, $0x4;
	s22 =	sadd.s32 s5, s18  }
0x1f: {  	s24 =	sadd.s32 $0x12000, s3;
	s15 =	sadd.s32 s12, s15;
	[dreg:$0x13] =	wrdreg s22  }
0x20: {  	s13 =	sadd.s32 s13, s24;
	s22 =	sadd.s32 s6, s14;
	[dreg:$0x10] =	wrdreg s15  }
0x21: {  	s15 =	sadd.s32 s12, s25;
	s13 =	sshrl.u32 s13, $0x4;
	[dreg:$0x16] =	wrdreg s22  }
0x22: {  	s25 =	sadd.s32 $0x14, s14;
	[dreg:$0x11] =	wrdreg s15;
	s12 =	sadd.s32 s12, s13  }
0x23: {  	s15 =	smul.u32 $0x28000, s23;
	s23 =	sadd.s32 s5, s25;
	[dreg:$0x12] =	wrdreg s12  }
0x24: {  	s13 =	sadd.s32 $0x1E, s14;
	s12 =	sadd.s32 s6, s18;
	[dreg:$0x17] =	wrdreg s23  }
0x25: {  	s18 =	sadd.s32 s5, s14;
	s5 =	sadd.s32 s5, s13;
	[dreg:$0x14] =	wrdreg s12  }
0x26: {  	s30 =	simm.s32 $0x1E0;
	s26 =	sadd.s32 $0x140, s16;
	[dreg:$0x19] =	wrdreg s5  }
0x27: {  	s14 =	sshrl.u32 s3, $0x1;
	s12 =	sadd.s32 s6, s25;
	[dreg:$0x15] =	wrdreg s18  }
0x28: {  	s25 =	sshrl.u32 s26, $0x3;
	s26 =	sadd.s32 s6, s13;
	[dreg:$0x18] =	wrdreg s12  }
0x29: {  	s16 =	sshrl.u32 s8, $0x1;
	s0 =	sadd.s32 s14, s2;
	[dreg:$0x1a] =	wrdreg s26  }
0x2a: {  	s13 =	sshrl.u32 s15, $0x2;
	s15 =	smax.u32 s7, $0x1;
	[dreg:$0x1d] =	wrdreg s0  }
0x2b: {  	s31 =	simm.s32 $0x8;
	[dreg:$0x1e] =	wrdreg s15;
	s0 =	sadd.s32 s16, s2  }
0x2c: {  	s8 =	sshrl.u32 s19, $0x1;
	s15 =	sadd.s32 $0x28, s18;
	[dreg:$0x1f] =	wrdreg s0  }
0x2d: {  	s23 =	sadd.s32 s25, s6;
	s16 =	sadd.s32 $0x4D8, s22;
	[smem:$0x7F3] =	sst s15  }
0x2e: {  	s5 =	sadd.s32 s13, s2;
	s25 =	sshrl.u32 s9, $0x1;
	[smem:$0x7F4] =	sst s16  }
0x2f: {  	s26 =	sshrl.u32 s10, $0x1;
	s0 =	sadd.s32 s25, s2;
	[dreg:$0x1c] =	wrdreg s5  }
0x30: {  	s9 =	sshrl.u32 s20, $0x1;
	s6 =	sadd.s32 s26, s2;
	[smem:$0x7EB] =	sst s0  }
0x31: {  	s13 =	sshrl.u32 s24, $0x1;
	s10 =	sadd.s32 s9, s2;
	[smem:$0x7EC] =	sst s6  }
0x32: {  	s7 =	sshrl.u32 s11, $0x1;
	s14 =	sadd.s32 s13, s2;
	[smem:$0x7EF] =	sst s10  }
0x33: {  	s11 =	sshrl.u32 s17, $0x1;
	s17 =	sadd.s32 $0x1000, s5;
	[smem:$0x7F2] =	sst s14  }
0x34: {  	s3 =	simm.s32 $0x1;
	s18 =	sadd.s32 $0x2000, s5;
	[smem:$0x7F5] =	sst s17  }
0x35: {  	s12 =	sshrl.u32 s21, $0x1;
	s19 =	sadd.s32 $0x3000, s5;
	[smem:$0x7F6] =	sst s18  }
0x36: {  	s20 =	sadd.s32 $0x4000, s5;
	s21 =	sadd.s32 $0x5000, s5;
	[smem:$0x7F7] =	sst s19  }
0x37: {  	s22 =	sadd.s32 $0x6000, s5;
	s24 =	sadd.s32 $0x7000, s5;
	[smem:$0x7F8] =	sst s20  }
0x38: {  	s25 =	sadd.s32 $0x8000, s5;
	s26 =	sadd.s32 $0x9000, s5;
	[smem:$0x7F9] =	sst s21  }
0x39: {  	s5 =	simm.s32 $0xA;
	s9 =	simm.s32 $0x2;
	[smem:$0x7FA] =	sst s22  }
0x3a: {  	s13 =	simm.s32 $0xC;
	s15 =	simm.s32 $0x6;
	[smem:$0x7FB] =	sst s24  }
0x3b: {  	s16 =	simm.s32 $0x0;
	s0 =	sadd.s32 s7, s2;
	[smem:$0x7FC] =	sst s25  }
0x3c: {  	[smem:$0x7FD] =	sst s26;
	s22 =	simm.s32 $0x3DE0;
	s24 =	simm.s32 $0xD  }
0x3d: {  	s17 =	simm.s32 $0xF0;
	s18 =	simm.s32 $0x50;
	s26 =	simm.s32 $0x140  }
0x3e: {  	s6 =	simm.s32 $0x9;
	s7 =	simm.s32 $0x29E0;
	s10 =	simm.s32 $0xB  }
0x3f: {  	s14 =	simm.s32 $0x5;
	[smem:$0x7ED] =	sst s0;
	s0 =	sadd.s32 s8, s2  }
0x40: {  	s8 =	simm.s32 $0x190;
	[smem:$0x7EE] =	sst s0;
	s0 =	sadd.s32 s11, s2  }
0x41: {  	s11 =	simm.s32 $0x4;
	[smem:$0x7F0] =	sst s0;
	s0 =	sadd.s32 s12, s2  }
0x42: {  	s12 =	simm.s32 $0x3;
	[smem:$0x7F1] =	sst s0;
	s0 =	simm.s32 $0x15E0  }
.LBB2_1:
0x43: {  	s19 =	rddreg [dreg:$0x1b]  }
0x44: {  	[tilespmem:s22], [sflag:$0xD] =	stream.linear.gather [hbm4b:s19+s4], $0x1000, $0x38;
	[tilespmem:$0xEDE0] =	vst v63  }
0x45: {  	_ =	swait.ge [sflag:s24], $0x1000  }
0x46: {  	[sflag:s24] =	ssyncset.done $0x0  }
0x47: {  	s21 =	rddreg [dreg:$0x1c];
	[sflag:s24] =	ssyncadd.s32 $0xFFFFF000  }
0x48: {  	[spmem:s21] =	stream.linear.scatter [tilespmem:s22], [sflag:$0xD], $0x1000, $0x38;
	[tilespmem:$0xEDE0] =	vst v63  }
0x49: {  	_ =	swait.ge [sflag:s24], $0x1000  }
0x4a: {  	s25 =	sld [smem:$0x7F5]  }
0x4b: {  	[sflag:s24] =	ssyncset.done $0x0  }
0x4c: {  	[sflag:s24] =	ssyncadd.s32 $0xFFFFF000  }
0x4d: {  	[spmem:s25] =	stream.linear.scatter [tilespmem:s22], [sflag:$0xD], $0x1000, $0x38;
	[tilespmem:$0xEDE0] =	vst v63  }
0x4e: {  	_ =	swait.ge [sflag:s24], $0x1000  }
0x4f: {  	s20 =	sld [smem:$0x7F6]  }
0x50: {  	[sflag:s24] =	ssyncset.done $0x0  }
0x51: {  	[sflag:s24] =	ssyncadd.s32 $0xFFFFF000  }
0x52: {  	[spmem:s20] =	stream.linear.scatter [tilespmem:s22], [sflag:$0xD], $0x1000, $0x38;
	[tilespmem:$0xEDE0] =	vst v63  }
0x53: {  	_ =	swait.ge [sflag:s24], $0x1000  }
0x54: {  	s21 =	sld [smem:$0x7F7]  }
0x55: {  	[sflag:s24] =	ssyncset.done $0x0  }
0x56: {  	[sflag:s24] =	ssyncadd.s32 $0xFFFFF000  }
0x57: {  	[spmem:s21] =	stream.linear.scatter [tilespmem:s22], [sflag:$0xD], $0x1000, $0x38;
	[tilespmem:$0xEDE0] =	vst v63  }
0x58: {  	_ =	swait.ge [sflag:s24], $0x1000  }
0x59: {  	s25 =	sld [smem:$0x7F8]  }
0x5a: {  	[sflag:s24] =	ssyncset.done $0x0  }
0x5b: {  	[sflag:s24] =	ssyncadd.s32 $0xFFFFF000  }
0x5c: {  	[spmem:s25] =	stream.linear.scatter [tilespmem:s22], [sflag:$0xD], $0x1000, $0x38;
	[tilespmem:$0xEDE0] =	vst v63  }
0x5d: {  	_ =	swait.ge [sflag:s24], $0x1000  }
0x5e: {  	s20 =	sld [smem:$0x7F9]  }
0x5f: {  	[sflag:s24] =	ssyncset.done $0x0  }
0x60: {  	[sflag:s24] =	ssyncadd.s32 $0xFFFFF000  }
0x61: {  	[spmem:s20] =	stream.linear.scatter [tilespmem:s22], [sflag:$0xD], $0x1000, $0x38;
	[tilespmem:$0xEDE0] =	vst v63  }
0x62: {  	_ =	swait.ge [sflag:s24], $0x1000  }
0x63: {  	s21 =	sld [smem:$0x7FA]  }
0x64: {  	[sflag:s24] =	ssyncset.done $0x0  }
0x65: {  	[sflag:s24] =	ssyncadd.s32 $0xFFFFF000  }
0x66: {  	[spmem:s21] =	stream.linear.scatter [tilespmem:s22], [sflag:$0xD], $0x1000, $0x38;
	[tilespmem:$0xEDE0] =	vst v63  }
0x67: {  	_ =	swait.ge [sflag:s24], $0x1000  }
0x68: {  	s25 =	sld [smem:$0x7FB]  }
0x69: {  	[sflag:s24] =	ssyncset.done $0x0  }
0x6a: {  	[sflag:s24] =	ssyncadd.s32 $0xFFFFF000  }
0x6b: {  	[spmem:s25] =	stream.linear.scatter [tilespmem:s22], [sflag:$0xD], $0x1000, $0x38;
	[tilespmem:$0xEDE0] =	vst v63  }
0x6c: {  	_ =	swait.ge [sflag:s24], $0x1000  }
0x6d: {  	s20 =	sld [smem:$0x7FC]  }
0x6e: {  	[sflag:s24] =	ssyncset.done $0x0  }
0x6f: {  	[sflag:s24] =	ssyncadd.s32 $0xFFFFF000  }
0x70: {  	[spmem:s20] =	stream.linear.scatter [tilespmem:s22], [sflag:$0xD], $0x1000, $0x38;
	[tilespmem:$0xEDE0] =	vst v63  }
0x71: {  	_ =	swait.ge [sflag:s24], $0x1000  }
0x72: {  	s21 =	sld [smem:$0x7FD]  }
0x73: {  	[sflag:s24] =	ssyncset.done $0x0  }
0x74: {  	[sflag:s24] =	ssyncadd.s32 $0xFFFFF000  }
0x75: {  	[spmem:s21] =	stream.linear.scatter [tilespmem:s22], [sflag:$0xD], $0x1000, $0x38;
	[tilespmem:$0xEDE0] =	vst v63  }
0x76: {  	_ =	swait.ge [sflag:s24], $0x1000  }
0x77: {  	[sflag:s24] =	ssyncset.done $0x0  }
0x78: {  	[sflag:s24] =	ssyncadd.s32 $0xFFFFF000  }
0x79: {  	[bflag:$0x0] =	sbarrier.arrive $0xFFFF  }
0x7a: {  	s25 =	rddreg [dreg:$0x15]  }
0x7b: {  	[tilespmem:s4], [sflag:$0x7] =	stream.linear.gather [hbm4b:s25+s4], $0x50, $0x38;
	[tilespmem:$0xEDE0] =	vst v63  }
0x7c: {  	s20 =	rddreg [dreg:$0x16]  }
0x7d: {  	[tilespmem:s17], [sflag:$0xA] =	stream.linear.gather [hbm4b:s20+s4], $0x50, $0x38;
	[tilespmem:$0xEDE0] =	vst v63  }
0x7e: {  	s21 =	rddreg [dreg:$0x13]  }
0x7f: {  	[tilespmem:s18], [sflag:$0x8] =	stream.linear.gather [hbm4b:s21+s4], $0x50, $0x38;
	[tilespmem:$0xEDE0] =	vst v63  }
0x80: {  	s25 =	rddreg [dreg:$0x14]  }
0x81: {  	[tilespmem:s26], [sflag:$0xB] =	stream.linear.gather [hbm4b:s25+s4], $0x50, $0x38;
	[tilespmem:$0xEDE0] =	vst v63  }
0x82: {  	s20 =	rddreg [dreg:$0x17]  }
0x83: {  	[tilespmem:s28], [sflag:$0x9] =	stream.linear.gather [hbm4b:s20+s4], $0x50, $0x38;
	[tilespmem:$0xEDE0] =	vst v63  }
0x84: {  	_ =	swait.ge [sflag:s29], $0x50  }
0x85: {  	[sflag:s29] =	ssyncset.done $0x0  }
0x86: {  	[sflag:s29] =	ssyncadd.s32 $0xFFFFFFB0  }
0x87: {  	[tilespmem:s30], [sflag:$0x1] =	stream.indirect.gather [hbm4b:s1+s18], $0x40, s4, s18, $0xb8;
	[tilespmem:$0xEDE0] =	vst v63  }
0x88: {  	_ =	swait.ge [sflag:s31], $0x50  }
0x89: {  	[sflag:s31] =	ssyncset.done $0x0  }
0x8a: {  	[sflag:s31] =	ssyncadd.s32 $0xFFFFFFB0  }
0x8b: {  	[tilespmem:s0], [sflag:$0x2] =	stream.indirect.gather [hbm4b:s1+s18], $0x40, s18, s18, $0xb8;
	[tilespmem:$0xEDE0] =	vst v63  }
0x8c: {  	_ =	swait.ge [sflag:s3], $0x1400  }
0x8d: {  	[sflag:s3] =	ssyncset.done $0x0  }
0x8e: {  	[sflag:s3] =	ssyncadd.s32 $0xFFFFEC00  }
0x8f: {  	_ =	swait.ge [sflag:s5], $0x50  }
0x90: {  	[sflag:s5] =	ssyncset.done $0x0  }
0x91: {  	[sflag:s5] =	ssyncadd.s32 $0xFFFFFFB0  }
0x92: {  	[spmem:s2] =	stream.indirect.scatter.add.bf16 [tilespmem:s30], [sflag:$0x4], $0x40, s17, s18, $0xb8;
	[tilespmem:$0xEDE0] =	vst v63  }
0x93: {  	_ =	swait.ge [sflag:s6], $0x50  }
0x94: {  	[sflag:s6] =	ssyncset.done $0x0  }
0x95: {  	[sflag:s6] =	ssyncadd.s32 $0xFFFFFFB0  }
0x96: {  	[tilespmem:s7], [sflag:$0x3] =	stream.indirect.gather [hbm4b:s1+s18], $0x40, s28, s18, $0xb8;
	[tilespmem:$0xEDE0] =	vst v63  }
0x97: {  	s21 =	rddreg [dreg:$0x18]  }
0x98: {  	[tilespmem:s8], [sflag:$0xC] =	stream.linear.gather [hbm4b:s21+s4], $0x50, $0x38;
	[tilespmem:$0xEDE0] =	vst v63  }
0x99: {  	s25 =	rddreg [dreg:$0x19]  }
0x9a: {  	[tilespmem:s4], [sflag:$0x7] =	stream.linear.gather [hbm4b:s25+s4], $0x50, $0x38;
	[tilespmem:$0xEDE0] =	vst v63  }
0x9b: {  	_ =	swait.ge [sflag:s9], $0x1400  }
0x9c: {  	[sflag:s9] =	ssyncset.done $0x0  }
0x9d: {  	[sflag:s9] =	ssyncadd.s32 $0xFFFFEC00  }
0x9e: {  	_ =	swait.ge [sflag:s10], $0x50  }
0x9f: {  	[sflag:s10] =	ssyncset.done $0x0  }
0xa0: {  	[sflag:s10] =	ssyncadd.s32 $0xFFFFFFB0  }
0xa1: {  	[spmem:s2] =	stream.indirect.scatter.add.bf16 [tilespmem:s0], [sflag:$0x5], $0x40, s26, s18, $0xb8;
	[tilespmem:$0xEDE0] =	vst v63  }
0xa2: {  	_ =	swait.ge [sflag:s11], $0x1400  }
0xa3: {  	[sflag:s11] =	ssyncset.done $0x0  }
0xa4: {  	[sflag:s11] =	ssyncadd.s32 $0xFFFFEC00  }
0xa5: {  	_ =	swait.ge [sflag:s29], $0x50  }
0xa6: {  	[sflag:s29] =	ssyncset.done $0x0  }
0xa7: {  	s20 =	rddreg [dreg:$0x1a];
	[sflag:s29] =	ssyncadd.s32 $0xFFFFFFB0  }
0xa8: {  	[tilespmem:s30], [sflag:$0x1] =	stream.indirect.gather [hbm4b:s1+s18], $0x40, s4, s18, $0xb8;
	[tilespmem:$0xEDE0] =	vst v63  }
0xa9: {  	s21 =	sld [smem:$0x7F3]  }
0xaa: {  	[tilespmem:s17], [sflag:$0xA] =	stream.linear.gather [hbm4b:s20+s4], $0x50, $0x38;
	[tilespmem:$0xEDE0] =	vst v63  }
0xab: {  	_ = 	snop  }
0xac: {  	[tilespmem:s18], [sflag:$0x8] =	stream.linear.gather [hbm4b:s21+s4], $0x50, $0x38;
	[tilespmem:$0xEDE0] =	vst v63  }
0xad: {  	_ =	swait.ge [sflag:s12], $0x1400  }
0xae: {  	[sflag:s12] =	ssyncset.done $0x0  }
0xaf: {  	[sflag:s12] =	ssyncadd.s32 $0xFFFFEC00  }
0xb0: {  	_ =	swait.ge [sflag:s13], $0x50  }
0xb1: {  	[sflag:s13] =	ssyncset.done $0x0  }
0xb2: {  	[sflag:s13] =	ssyncadd.s32 $0xFFFFFFB0  }
0xb3: {  	[spmem:s2] =	stream.indirect.scatter.add.bf16 [tilespmem:s7], [sflag:$0x6], $0x40, s8, s18, $0xb8;
	[tilespmem:$0xEDE0] =	vst v63  }
0xb4: {  	_ =	swait.ge [sflag:s14], $0x1400  }
0xb5: {  	[sflag:s14] =	ssyncset.done $0x0  }
0xb6: {  	[sflag:s14] =	ssyncadd.s32 $0xFFFFEC00  }
0xb7: {  	_ =	swait.ge [sflag:s31], $0x50  }
0xb8: {  	[sflag:s31] =	ssyncset.done $0x0  }
0xb9: {  	[sflag:s31] =	ssyncadd.s32 $0xFFFFFFB0  }
0xba: {  	[tilespmem:s0], [sflag:$0x2] =	stream.indirect.gather [hbm4b:s1+s18], $0x40, s18, s18, $0xb8;
	[tilespmem:$0xEDE0] =	vst v63  }
0xbb: {  	s20 =	sadd.s32 $0x0, s23;
	s25 =	rddreg [dreg:$0x8]  }
0xbc: {  	[tilespmem:s26], [sflag:$0xB] =	stream.linear.gather [hbm4b:s20+s4], $0x50, $0x38;
	[tilespmem:$0xEDE0] =	vst v63  }
0xbd: {  	s19 =	sadd.s32 $0x0, s25  }
0xbe: {  	[tilespmem:s28], [sflag:$0x9] =	stream.linear.gather [hbm4b:s19+s4], $0x50, $0x38;
	[tilespmem:$0xEDE0] =	vst v63  }
0xbf: {  	_ =	swait.ge [sflag:s3], $0x1400  }
0xc0: {  	[sflag:s3] =	ssyncset.done $0x0  }
0xc1: {  	[sflag:s3] =	ssyncadd.s32 $0xFFFFEC00  }
0xc2: {  	_ =	swait.ge [sflag:s5], $0x50  }
0xc3: {  	[sflag:s5] =	ssyncset.done $0x0  }
0xc4: {  	[sflag:s5] =	ssyncadd.s32 $0xFFFFFFB0  }
0xc5: {  	[spmem:s2] =	stream.indirect.scatter.add.bf16 [tilespmem:s30], [sflag:$0x4], $0x40, s17, s18, $0xb8;
	[tilespmem:$0xEDE0] =	vst v63  }
0xc6: {  	_ =	swait.ge [sflag:s15], $0x1400  }
0xc7: {  	[sflag:s15] =	ssyncset.done $0x0  }
0xc8: {  	[sflag:s15] =	ssyncadd.s32 $0xFFFFEC00  }
0xc9: {  	_ =	swait.ge [sflag:s6], $0x50  }
0xca: {  	[sflag:s6] =	ssyncset.done $0x0  }
0xcb: {  	s21 =	rddreg [dreg:$0x7];
	[sflag:s6] =	ssyncadd.s32 $0xFFFFFFB0  }
0xcc: {  	[tilespmem:s7], [sflag:$0x3] =	stream.indirect.gather [hbm4b:s1+s18], $0x40, s28, s18, $0xb8;
	[tilespmem:$0xEDE0] =	vst v63  }
0xcd: {  	s25 =	rddreg [dreg:$0x6];
	s19 =	sadd.s32 $0x0, s21  }
0xce: {  	[tilespmem:s8], [sflag:$0xC] =	stream.linear.gather [hbm4b:s19+s4], $0x50, $0x38;
	[tilespmem:$0xEDE0] =	vst v63  }
0xcf: {  	s20 =	sadd.s32 $0x0, s25  }
0xd0: {  	[tilespmem:s4], [sflag:$0x7] =	stream.linear.gather [hbm4b:s20+s4], $0x50, $0x38;
	[tilespmem:$0xEDE0] =	vst v63  }
0xd1: {  	_ =	swait.ge [sflag:s9], $0x1400  }
0xd2: {  	[sflag:s9] =	ssyncset.done $0x0  }
0xd3: {  	[sflag:s9] =	ssyncadd.s32 $0xFFFFEC00  }
0xd4: {  	_ =	swait.ge [sflag:s10], $0x50  }
0xd5: {  	[sflag:s10] =	ssyncset.done $0x0  }
0xd6: {  	[sflag:s10] =	ssyncadd.s32 $0xFFFFFFB0  }
0xd7: {  	[spmem:s2] =	stream.indirect.scatter.add.bf16 [tilespmem:s0], [sflag:$0x5], $0x40, s26, s18, $0xb8;
	[tilespmem:$0xEDE0] =	vst v63  }
0xd8: {  	_ =	swait.ge [sflag:s11], $0x1400  }
0xd9: {  	[sflag:s11] =	ssyncset.done $0x0  }
0xda: {  	[sflag:s11] =	ssyncadd.s32 $0xFFFFEC00  }
0xdb: {  	_ =	swait.ge [sflag:s29], $0x50  }
0xdc: {  	[sflag:s29] =	ssyncset.done $0x0  }
0xdd: {  	s21 =	rddreg [dreg:$0x5];
	[sflag:s29] =	ssyncadd.s32 $0xFFFFFFB0  }
0xde: {  	[tilespmem:s30], [sflag:$0x1] =	stream.indirect.gather [hbm4b:s1+s18], $0x40, s4, s18, $0xb8;
	[tilespmem:$0xEDE0] =	vst v63  }
0xdf: {  	s25 =	rddreg [dreg:$0x4];
	s19 =	sadd.s32 $0x0, s21  }
0xe0: {  	[tilespmem:s17], [sflag:$0xA] =	stream.linear.gather [hbm4b:s19+s4], $0x50, $0x38;
	[tilespmem:$0xEDE0] =	vst v63  }
0xe1: {  	s20 =	sadd.s32 $0x0, s25;
	s19 =	simm.s32 $0x1E  }
.LBB2_2:
0xe2: {  	[tilespmem:s18], [sflag:$0x8] =	stream.linear.gather [hbm4b:s20+s4], $0x50, $0x38;
	[tilespmem:$0xEDE0] =	vst v63  }
0xe3: {  	_ =	swait.ge [sflag:s12], $0x1400  }
0xe4: {  	[sflag:s12] =	ssyncset.done $0x0  }
0xe5: {  	[sflag:s12] =	ssyncadd.s32 $0xFFFFEC00  }
0xe6: {  	_ =	swait.ge [sflag:s13], $0x50  }
0xe7: {  	[sflag:s13] =	ssyncset.done $0x0  }
0xe8: {  	[sflag:s13] =	ssyncadd.s32 $0xFFFFFFB0  }
0xe9: {  	[spmem:s2] =	stream.indirect.scatter.add.bf16 [tilespmem:s7], [sflag:$0x6], $0x40, s8, s18, $0xb8;
	[tilespmem:$0xEDE0] =	vst v63  }
0xea: {  	_ =	swait.ge [sflag:s14], $0x1400  }
0xeb: {  	[sflag:s14] =	ssyncset.done $0x0  }
0xec: {  	[sflag:s14] =	ssyncadd.s32 $0xFFFFEC00  }
0xed: {  	_ =	swait.ge [sflag:s31], $0x50  }
0xee: {  	[sflag:s31] =	ssyncset.done $0x0  }
0xef: {  	s20 =	smov.u32 s19;
	[sflag:s31] =	ssyncadd.s32 $0xFFFFFFB0  }
0xf0: {  	[tilespmem:s0], [sflag:$0x2] =	stream.indirect.gather [hbm4b:s1+s18], $0x40, s18, s18, $0xb8;
	[tilespmem:$0xEDE0] =	vst v63  }
0xf1: {  	s25 =	sadd.s32 s20, s23;
	s21 =	rddreg [dreg:$0x8]  }
0xf2: {  	[tilespmem:s26], [sflag:$0xB] =	stream.linear.gather [hbm4b:s25+s4], $0x50, $0x38;
	[tilespmem:$0xEDE0] =	vst v63  }
0xf3: {  	s21 =	sadd.s32 s20, s21  }
0xf4: {  	[tilespmem:s28], [sflag:$0x9] =	stream.linear.gather [hbm4b:s21+s4], $0x50, $0x38;
	[tilespmem:$0xEDE0] =	vst v63  }
0xf5: {  	_ =	swait.ge [sflag:s3], $0x1400  }
0xf6: {  	[sflag:s3] =	ssyncset.done $0x0  }
0xf7: {  	[sflag:s3] =	ssyncadd.s32 $0xFFFFEC00  }
0xf8: {  	_ =	swait.ge [sflag:s5], $0x50  }
0xf9: {  	[sflag:s5] =	ssyncset.done $0x0  }
0xfa: {  	[sflag:s5] =	ssyncadd.s32 $0xFFFFFFB0  }
0xfb: {  	[spmem:s2] =	stream.indirect.scatter.add.bf16 [tilespmem:s30], [sflag:$0x4], $0x40, s17, s18, $0xb8;
	[tilespmem:$0xEDE0] =	vst v63  }
0xfc: {  	_ =	swait.ge [sflag:s15], $0x1400  }
0xfd: {  	[sflag:s15] =	ssyncset.done $0x0  }
0xfe: {  	[sflag:s15] =	ssyncadd.s32 $0xFFFFEC00  }
0xff: {  	_ =	swait.ge [sflag:s6], $0x50  }
0x100: {  	[sflag:s6] =	ssyncset.done $0x0  }
0x101: {  	s21 =	rddreg [dreg:$0x7];
	[sflag:s6] =	ssyncadd.s32 $0xFFFFFFB0  }
0x102: {  	[tilespmem:s7], [sflag:$0x3] =	stream.indirect.gather [hbm4b:s1+s18], $0x40, s28, s18, $0xb8;
	[tilespmem:$0xEDE0] =	vst v63  }
0x103: {  	s25 =	rddreg [dreg:$0x6];
	s21 =	sadd.s32 s20, s21  }
0x104: {  	[tilespmem:s8], [sflag:$0xC] =	stream.linear.gather [hbm4b:s21+s4], $0x50, $0x38;
	[tilespmem:$0xEDE0] =	vst v63  }
0x105: {  	s25 =	sadd.s32 s20, s25  }
0x106: {  	[tilespmem:s4], [sflag:$0x7] =	stream.linear.gather [hbm4b:s25+s4], $0x50, $0x38;
	[tilespmem:$0xEDE0] =	vst v63  }
0x107: {  	_ =	swait.ge [sflag:s9], $0x1400  }
0x108: {  	[sflag:s9] =	ssyncset.done $0x0  }
0x109: {  	[sflag:s9] =	ssyncadd.s32 $0xFFFFEC00  }
0x10a: {  	_ =	swait.ge [sflag:s10], $0x50  }
0x10b: {  	[sflag:s10] =	ssyncset.done $0x0  }
0x10c: {  	[sflag:s10] =	ssyncadd.s32 $0xFFFFFFB0  }
0x10d: {  	[spmem:s2] =	stream.indirect.scatter.add.bf16 [tilespmem:s0], [sflag:$0x5], $0x40, s26, s18, $0xb8;
	[tilespmem:$0xEDE0] =	vst v63  }
0x10e: {  	_ =	swait.ge [sflag:s11], $0x1400  }
0x10f: {  	[sflag:s11] =	ssyncset.done $0x0  }
0x110: {  	[sflag:s11] =	ssyncadd.s32 $0xFFFFEC00  }
0x111: {  	p0 =	sne.s32 s19, $0x492;
	_ =	swait.ge [sflag:s29], $0x50  }
.Ltmp0:
0x112: {  	[sflag:s29] =	ssyncset.done $0x0;
	s21 =	rddreg [dreg:$0x5];
	(pc) =	sbr.rel @p0 .LBB2_2-.Ltmp0, $4  }
0x113: {  	s25 =	rddreg [dreg:$0x4];
	[sflag:s29] =	ssyncadd.s32 $0xFFFFFFB0  }
0x114: {  	[tilespmem:s30], [sflag:$0x1] =	stream.indirect.gather [hbm4b:s1+s18], $0x40, s4, s18, $0xb8;
	[tilespmem:$0xEDE0] =	vst v63  }
0x115: {  	s19 =	sadd.s32 $0x1E, s19;
	s21 =	sadd.s32 s20, s21;
	s20 =	sadd.s32 s20, s25  }
0x116: {  	[tilespmem:s17], [sflag:$0xA] =	stream.linear.gather [hbm4b:s21+s4], $0x50, $0x38;
	[tilespmem:$0xEDE0] =	vst v63  }
0x117: {  	[tilespmem:s18], [sflag:$0x8] =	stream.linear.gather [hbm4b:s20+s4], $0x50, $0x38;
	[tilespmem:$0xEDE0] =	vst v63  }
0x118: {  	_ =	swait.ge [sflag:s12], $0x1400  }
0x119: {  	[sflag:s12] =	ssyncset.done $0x0  }
0x11a: {  	[sflag:s12] =	ssyncadd.s32 $0xFFFFEC00  }
0x11b: {  	_ =	swait.ge [sflag:s13], $0x50  }
0x11c: {  	[sflag:s13] =	ssyncset.done $0x0  }
0x11d: {  	[sflag:s13] =	ssyncadd.s32 $0xFFFFFFB0  }
0x11e: {  	[spmem:s2] =	stream.indirect.scatter.add.bf16 [tilespmem:s7], [sflag:$0x6], $0x40, s8, s18, $0xb8;
	[tilespmem:$0xEDE0] =	vst v63  }
0x11f: {  	_ =	swait.ge [sflag:s14], $0x1400  }
0x120: {  	[sflag:s14] =	ssyncset.done $0x0  }
0x121: {  	[sflag:s14] =	ssyncadd.s32 $0xFFFFEC00  }
0x122: {  	_ =	swait.ge [sflag:s31], $0x50  }
0x123: {  	[sflag:s31] =	ssyncset.done $0x0  }
0x124: {  	s19 =	sld [smem:$0x7F4];
	[sflag:s31] =	ssyncadd.s32 $0xFFFFFFB0  }
0x125: {  	[tilespmem:s0], [sflag:$0x2] =	stream.indirect.gather [hbm4b:s1+s18], $0x40, s18, s18, $0xb8;
	[tilespmem:$0xEDE0] =	vst v63  }
0x126: {  	_ = 	snop  }
0x127: {  	[tilespmem:s26], [sflag:$0xB] =	stream.linear.gather [hbm4b:s19+s4], $0x50, $0x38;
	[tilespmem:$0xEDE0] =	vst v63  }
0x128: {  	_ =	swait.ge [sflag:s3], $0x1400  }
0x129: {  	[sflag:s3] =	ssyncset.done $0x0  }
0x12a: {  	[sflag:s3] =	ssyncadd.s32 $0xFFFFEC00  }
0x12b: {  	_ =	swait.ge [sflag:s5], $0x50  }
0x12c: {  	[sflag:s5] =	ssyncset.done $0x0  }
0x12d: {  	[sflag:s5] =	ssyncadd.s32 $0xFFFFFFB0  }
0x12e: {  	[spmem:s2] =	stream.indirect.scatter.add.bf16 [tilespmem:s30], [sflag:$0x4], $0x40, s17, s18, $0xb8;
	[tilespmem:$0xEDE0] =	vst v63  }
0x12f: {  	_ =	swait.ge [sflag:s15], $0x1400  }
0x130: {  	[sflag:s15] =	ssyncset.done $0x0  }
0x131: {  	[sflag:s15] =	ssyncadd.s32 $0xFFFFEC00  }
0x132: {  	_ =	swait.ge [sflag:s9], $0x1400  }
0x133: {  	[sflag:s9] =	ssyncset.done $0x0  }
0x134: {  	[sflag:s9] =	ssyncadd.s32 $0xFFFFEC00  }
0x135: {  	_ =	swait.ge [sflag:s10], $0x50  }
0x136: {  	[sflag:s10] =	ssyncset.done $0x0  }
0x137: {  	[sflag:s10] =	ssyncadd.s32 $0xFFFFFFB0  }
0x138: {  	[spmem:s2] =	stream.indirect.scatter.add.bf16 [tilespmem:s0], [sflag:$0x5], $0x40, s26, s18, $0xb8;
	[tilespmem:$0xEDE0] =	vst v63  }
0x139: {  	_ =	swait.ge [sflag:s11], $0x1400  }
0x13a: {  	[sflag:s11] =	ssyncset.done $0x0  }
0x13b: {  	[sflag:s11] =	ssyncadd.s32 $0xFFFFEC00  }
0x13c: {  	_ =	swait.ge [sflag:s14], $0x1400  }
0x13d: {  	[sflag:s14] =	ssyncset.done $0x0  }
0x13e: {  	[sflag:s14] =	ssyncadd.s32 $0xFFFFEC00  }
0x13f: {  	[bflag:$0x0] =	sbarrier.arrive $0xFFFF  }
0x140: {  	s20 =	rddreg [dreg:$0x1d]  }
0x141: {  	[tilespmem:s22], [sflag:$0xD] =	stream.linear.gather [spmem:s20], $0x1000, $0x38;
	[tilespmem:$0xEDE0] =	vst v63  }
0x142: {  	_ =	swait.ge [sflag:s24], $0x1000  }
0x143: {  	[sflag:s24] =	ssyncset.done $0x0  }
0x144: {  	s21 =	rddreg [dreg:$0x9];
	[sflag:s24] =	ssyncadd.s32 $0xFFFFF000  }
0x145: {  	[hbm4b:s21+s4] =	stream.linear.scatter [tilespmem:s22], [sflag:$0xD], $0x1000, $0x38;
	[tilespmem:$0xEDE0] =	vst v63  }
0x146: {  	_ =	swait.ge [sflag:s24], $0x1000  }
0x147: {  	[sflag:s24] =	ssyncset.done $0x0  }
0x148: {  	s25 =	rddreg [dreg:$0x1f];
	[sflag:s24] =	ssyncadd.s32 $0xFFFFF000  }
0x149: {  	[tilespmem:s22], [sflag:$0xD] =	stream.linear.gather [spmem:s25], $0x1000, $0x38;
	[tilespmem:$0xEDE0] =	vst v63  }
0x14a: {  	_ =	swait.ge [sflag:s24], $0x1000  }
0x14b: {  	[sflag:s24] =	ssyncset.done $0x0  }
0x14c: {  	s20 =	rddreg [dreg:$0xa];
	[sflag:s24] =	ssyncadd.s32 $0xFFFFF000  }
0x14d: {  	[hbm4b:s20+s4] =	stream.linear.scatter [tilespmem:s22], [sflag:$0xD], $0x1000, $0x38;
	[tilespmem:$0xEDE0] =	vst v63  }
0x14e: {  	_ =	swait.ge [sflag:s24], $0x1000  }
0x14f: {  	s21 =	sld [smem:$0x7EB]  }
0x150: {  	[sflag:s24] =	ssyncset.done $0x0  }
0x151: {  	[sflag:s24] =	ssyncadd.s32 $0xFFFFF000  }
0x152: {  	[tilespmem:s22], [sflag:$0xD] =	stream.linear.gather [spmem:s21], $0x1000, $0x38;
	[tilespmem:$0xEDE0] =	vst v63  }
0x153: {  	_ =	swait.ge [sflag:s24], $0x1000  }
0x154: {  	[sflag:s24] =	ssyncset.done $0x0  }
0x155: {  	s25 =	rddreg [dreg:$0xb];
	[sflag:s24] =	ssyncadd.s32 $0xFFFFF000  }
0x156: {  	[hbm4b:s25+s4] =	stream.linear.scatter [tilespmem:s22], [sflag:$0xD], $0x1000, $0x38;
	[tilespmem:$0xEDE0] =	vst v63  }
0x157: {  	_ =	swait.ge [sflag:s24], $0x1000  }
0x158: {  	s20 =	sld [smem:$0x7EC]  }
0x159: {  	[sflag:s24] =	ssyncset.done $0x0  }
0x15a: {  	[sflag:s24] =	ssyncadd.s32 $0xFFFFF000  }
0x15b: {  	[tilespmem:s22], [sflag:$0xD] =	stream.linear.gather [spmem:s20], $0x1000, $0x38;
	[tilespmem:$0xEDE0] =	vst v63  }
0x15c: {  	_ =	swait.ge [sflag:s24], $0x1000  }
0x15d: {  	[sflag:s24] =	ssyncset.done $0x0  }
0x15e: {  	s21 =	rddreg [dreg:$0xc];
	[sflag:s24] =	ssyncadd.s32 $0xFFFFF000  }
0x15f: {  	[hbm4b:s21+s4] =	stream.linear.scatter [tilespmem:s22], [sflag:$0xD], $0x1000, $0x38;
	[tilespmem:$0xEDE0] =	vst v63  }
0x160: {  	_ =	swait.ge [sflag:s24], $0x1000  }
0x161: {  	s25 =	sld [smem:$0x7ED]  }
0x162: {  	[sflag:s24] =	ssyncset.done $0x0  }
0x163: {  	[sflag:s24] =	ssyncadd.s32 $0xFFFFF000  }
0x164: {  	[tilespmem:s22], [sflag:$0xD] =	stream.linear.gather [spmem:s25], $0x1000, $0x38;
	[tilespmem:$0xEDE0] =	vst v63  }
0x165: {  	_ =	swait.ge [sflag:s24], $0x1000  }
0x166: {  	[sflag:s24] =	ssyncset.done $0x0  }
0x167: {  	s20 =	rddreg [dreg:$0xd];
	[sflag:s24] =	ssyncadd.s32 $0xFFFFF000  }
0x168: {  	[hbm4b:s20+s4] =	stream.linear.scatter [tilespmem:s22], [sflag:$0xD], $0x1000, $0x38;
	[tilespmem:$0xEDE0] =	vst v63  }
0x169: {  	_ =	swait.ge [sflag:s24], $0x1000  }
0x16a: {  	s21 =	sld [smem:$0x7EE]  }
0x16b: {  	[sflag:s24] =	ssyncset.done $0x0  }
0x16c: {  	[sflag:s24] =	ssyncadd.s32 $0xFFFFF000  }
0x16d: {  	[tilespmem:s22], [sflag:$0xD] =	stream.linear.gather [spmem:s21], $0x1000, $0x38;
	[tilespmem:$0xEDE0] =	vst v63  }
0x16e: {  	_ =	swait.ge [sflag:s24], $0x1000  }
0x16f: {  	[sflag:s24] =	ssyncset.done $0x0  }
0x170: {  	s25 =	rddreg [dreg:$0xe];
	[sflag:s24] =	ssyncadd.s32 $0xFFFFF000  }
0x171: {  	[hbm4b:s25+s4] =	stream.linear.scatter [tilespmem:s22], [sflag:$0xD], $0x1000, $0x38;
	[tilespmem:$0xEDE0] =	vst v63  }
0x172: {  	_ =	swait.ge [sflag:s24], $0x1000  }
0x173: {  	s20 =	sld [smem:$0x7EF]  }
0x174: {  	[sflag:s24] =	ssyncset.done $0x0  }
0x175: {  	[sflag:s24] =	ssyncadd.s32 $0xFFFFF000  }
0x176: {  	[tilespmem:s22], [sflag:$0xD] =	stream.linear.gather [spmem:s20], $0x1000, $0x38;
	[tilespmem:$0xEDE0] =	vst v63  }
0x177: {  	_ =	swait.ge [sflag:s24], $0x1000  }
0x178: {  	[sflag:s24] =	ssyncset.done $0x0  }
0x179: {  	s21 =	rddreg [dreg:$0xf];
	[sflag:s24] =	ssyncadd.s32 $0xFFFFF000  }
0x17a: {  	[hbm4b:s21+s4] =	stream.linear.scatter [tilespmem:s22], [sflag:$0xD], $0x1000, $0x38;
	[tilespmem:$0xEDE0] =	vst v63  }
0x17b: {  	_ =	swait.ge [sflag:s24], $0x1000  }
0x17c: {  	s25 =	sld [smem:$0x7F0]  }
0x17d: {  	[sflag:s24] =	ssyncset.done $0x0  }
0x17e: {  	[sflag:s24] =	ssyncadd.s32 $0xFFFFF000  }
0x17f: {  	[tilespmem:s22], [sflag:$0xD] =	stream.linear.gather [spmem:s25], $0x1000, $0x38;
	[tilespmem:$0xEDE0] =	vst v63  }
0x180: {  	_ =	swait.ge [sflag:s24], $0x1000  }
0x181: {  	[sflag:s24] =	ssyncset.done $0x0  }
0x182: {  	s20 =	rddreg [dreg:$0x10];
	[sflag:s24] =	ssyncadd.s32 $0xFFFFF000  }
0x183: {  	[hbm4b:s20+s4] =	stream.linear.scatter [tilespmem:s22], [sflag:$0xD], $0x1000, $0x38;
	[tilespmem:$0xEDE0] =	vst v63  }
0x184: {  	_ =	swait.ge [sflag:s24], $0x1000  }
0x185: {  	s21 =	sld [smem:$0x7F1]  }
0x186: {  	[sflag:s24] =	ssyncset.done $0x0  }
0x187: {  	[sflag:s24] =	ssyncadd.s32 $0xFFFFF000  }
0x188: {  	[tilespmem:s22], [sflag:$0xD] =	stream.linear.gather [spmem:s21], $0x1000, $0x38;
	[tilespmem:$0xEDE0] =	vst v63  }
0x189: {  	_ =	swait.ge [sflag:s24], $0x1000  }
0x18a: {  	[sflag:s24] =	ssyncset.done $0x0  }
0x18b: {  	s25 =	rddreg [dreg:$0x11];
	[sflag:s24] =	ssyncadd.s32 $0xFFFFF000  }
0x18c: {  	[hbm4b:s25+s4] =	stream.linear.scatter [tilespmem:s22], [sflag:$0xD], $0x1000, $0x38;
	[tilespmem:$0xEDE0] =	vst v63  }
0x18d: {  	_ =	swait.ge [sflag:s24], $0x1000  }
0x18e: {  	s20 =	sld [smem:$0x7F2]  }
0x18f: {  	[sflag:s24] =	ssyncset.done $0x0  }
0x190: {  	[sflag:s24] =	ssyncadd.s32 $0xFFFFF000  }
0x191: {  	[tilespmem:s22], [sflag:$0xD] =	stream.linear.gather [spmem:s20], $0x1000, $0x38;
	[tilespmem:$0xEDE0] =	vst v63  }
0x192: {  	_ =	swait.ge [sflag:s24], $0x1000  }
0x193: {  	[sflag:s24] =	ssyncset.done $0x0  }
0x194: {  	s21 =	rddreg [dreg:$0x12];
	[sflag:s24] =	ssyncadd.s32 $0xFFFFF000  }
0x195: {  	[hbm4b:s21+s4] =	stream.linear.scatter [tilespmem:s22], [sflag:$0xD], $0x1000, $0x38;
	[tilespmem:$0xEDE0] =	vst v63  }
0x196: {  	_ =	swait.ge [sflag:s24], $0x1000  }
0x197: {  	s16 =	sadd.s32 $0x1, s16;
	s25 =	rddreg [dreg:$0x1e]  }
0x198: {  	p0 =	sne.s32 s16, s25  }
.Ltmp1:
0x199: {  	_ = 	snop;
	(pc) =	sbr.rel @p0 .LBB2_1-.Ltmp1, $3  }
0x19a: {  	_ =	sdelay $0x1  }
0x19b: {  	[sflag:s24] =	ssyncset.done $0x0  }
0x19c: {  	[sflag:s24] =	ssyncadd.s32 $0xFFFFF000  }
0x19d: {  	_ =	sfence.sel $0x180000  }
0x19e: {  	[bflag:$0x0] =	sbarrier.arrive $0xFFFF  }
0x19f: {  	_ =	strace $0x9000004A  }
0x1a0: {  	s0 =	stileid.u32;
	[bflag:$0x2] =	sbarrier.arrive $0xFFFF  }
0x1a1: {  	p0 =	sne.s32 s0, $0x0;
	s0 =	rddreg [dreg:$0x3]  }
0x1a2: {  	s0 =	sadd.s32 @!p0 $0x100000, s0  }
0x1a3: {  	[sflag:s0] =	ssyncadd.tile.s32 @!p0 $0x1;
	_ =	shalt  }
.Lfunc_end2:
_tile_overlayer_lowered:
.L_overlay_start_2:
0x1a4: {  	(tag) =	ssettag $0x2  }
0x1a5: {  	s0 =	rddreg [dreg:$0x0];
	s2 =	stileid.u32  }
0x1a6: {  	s1 =	rddreg [dreg:$0x1];
	p0 =	sne.s32 s2, $0x0  }
0x1a7: {  	s3 =	rddreg [dreg:$0x2];
	[bflag:$0x3] =	sbarrier.arrive $0xFFFF;
	s2 =	simm.s32 @!p0 $0x1C0D  }
0x1a8: {  	[timem:s3], [sflag:s2] =	dma.local @!p0 [hbm:s0], s1  }
0x1a9: {  	s0 =	simm.s32 @!p0 $0xD  }
0x1aa: {  	_ =	swait.ge @!p0 [sflag:s0], s1  }
0x1ab: {  	s1 =	ssub.s32 @!p0 $0x0, s1;
	[sflag:s0] =	ssyncset.done @!p0 $0x0  }
0x1ac: {  	[sflag:s0] =	ssyncadd.s32 @!p0 s1  }
0x1ad: {  	[bflag:$0x3] =	sbarrier.arrive $0xFFFF  }
0x1ae: {  	_ =	shalt  }

// kernel: kernel.9.cloned.1.call-start
scs
__scs_entry_jumppad:
0x0: {  	(pc) =	sbr.rel $0x88, $3  }
0x1: {  	(tag) =	ssettag $0x0;
	lr =	simm.s32 $0x1  }
0x2: {  	[smem:$0x3F99] =	sst lr;
	_ =	strace $0xD0000000  }
0x3: {  	_ = 	snop  }
0x4: {  	_ = 	snop  }
0x5: {  	_ = 	snop  }
0x6: {  	_ = 	snop  }
0x7: {  	_ = 	snop  }
__scs_overlays_trampoline_lowered:
0x8: {  	[smem:$0x3FA8] =	sst s0  }
0x9: {  	[smem:$0x3FA9] =	sst s1  }
0xa: {  	[smem:$0x3FAA] =	sst s2  }
0xb: {  	[smem:$0x3FAB] =	sst s3  }
0xc: {  	[smem:$0x3FAC] =	sst s4  }
0xd: {  	[smem:$0x3FAD] =	sst s5  }
0xe: {  	[smem:$0x3FAE] =	sst s6  }
0xf: {  	[smem:$0x3FAF] =	sst s7  }
0x10: {  	[smem:$0x3FB0] =	sst s8  }
0x11: {  	[smem:$0x3FB1] =	sst s9;
	s0 =	simm.s32 @!p0 $0x0  }
0x12: {  	s1 =	sld [smem:$0x3F97];
	s0 =	simm.s32 @p0 $0x1  }
0x13: {  	[smem:$0x3FB2] =	sst s0;
	s0 =	simm.s32 @!p1 $0x0  }
0x14: {  	s2 =	sld [smem:$0x3F96];
	s0 =	simm.s32 @p1 $0x1  }
0x15: {  	[smem:$0x3FB3] =	sst s0;
	s0 =	simm.s32 @!p2 $0x0  }
0x16: {  	s3 =	sld [smem:$0x3FDB];
	s0 =	simm.s32 @p2 $0x1  }
0x17: {  	s4 =	simm.s32 $0x1BF5;
	[smem:$0x3FB5] =	sst s0  }
0x18: {  	s0 =	sld [smem:$0x3F98];
	_ =	swait.ge [sflag:s4], $0x0  }
0x19: {  	s7 =	sld [smem:$0x3F99]  }
0x1a: {  	s8 =	sadd.s32 $0xFFFFE003, lr  }
0x1b: {  	s9 =	sadd.s32 $0xFFFFFEF7, lr;
	s5 =	simm.s32 $0xFFFFFFFF;
	p2 =	slt.u32 s8, $0xFFFFF086  }
0x1c: {  	p1 =	slt.u32 s9, $0xF7A;
	s5 =	simm.s32 @!p2 $0x0  }
0x1d: {  	s5 =	simm.s32 @p1 $0x1;
	p0 =	seq.s32 s7, s2  }
0x1e: {  	s7 =	smul.u32 @!p0 $0xF7A, s2;
	p2 =	seq.s32 @!p0 s5, $0x0  }
0x1f: {  	s9 =	smul.u32 $0xF7A, s1;
	s8 =	simm.s32 @!p0 $0x1BF5;
	p2 =	por !p2, p0  }
0x20: {  	[sflag:s8] =	ssyncset.s32 @!p0 $0xFFFFF086;
	s6 =	sadd.s32 @!p0 s3, s7;
	s7 =	simm.s32 @!p0 $0x108  }
0x21: {  	s3 =	sadd.s32 s3, s9;
	s6 =	sadd.s32 @!p0 $0x88, s6;
	s7 =	simm.s32 @p2 $0x1082  }
0x22: {  	[simem:s7], [sflag:s8] =	dma.local @!p0 [hbm:s6], $0xF7A  }
0x23: {  	s9 =	sor.u32 $0xD0000000, s2;
	s6 =	simm.s32 $0x108;
	_ =	swait.ge @!p0 [sflag:s8], $0x0  }
0x24: {  	s3 =	sadd.s32 $0x88, s3;
	s6 =	simm.s32 @!p1 $0x1082;
	[sflag:s4] =	ssyncset.s32 $0xFFFFF086  }
0x25: {  	[simem:s6], [sflag:s4] =	dma.local [hbm:s3], $0xF7A  }
0x26: {  	[smem:$0x3F99] =	sst s1;
	(tag) =	ssettag s2;
	_ =	strace s9  }
0x27: {  	s1 =	sld [smem:$0x3FA9]  }
0x28: {  	s2 =	sld [smem:$0x3FAA]  }
0x29: {  	s4 =	sld [smem:$0x3FAC]  }
0x2a: {  	p0 =	seq.s32 s5, $0x0;
	s5 =	sld [smem:$0x3FAD]  }
0x2b: {  	s6 =	sld [smem:$0x3FAE]  }
0x2c: {  	s7 =	sld [smem:$0x3FAF]  }
0x2d: {  	s3 =	simm.s32 $0x108;
	s8 =	sld [smem:$0x3FB0]  }
0x2e: {  	s3 =	simm.s32 @!p0 $0x1082;
	s9 =	sld [smem:$0x3FB1]  }
0x2f: {  	lr =	sadd.s32 s0, s3;
	s0 =	sld [smem:$0x3FA8]  }
0x30: {  	s3 =	sld [smem:$0x3FAB]  }
0x31: {  	[smem:$0x3FB4] =	sst s10  }
0x32: {  	s10 =	sld [smem:$0x3FB2];
	_ =	sdelay $0x3  }
0x33: {  	p0 =	seq.s32 s10, $0x1;
	s10 =	sld [smem:$0x3FB4];
	_ =	sdelay $0x3  }
0x34: {  	[smem:$0x3FB4] =	sst s10  }
0x35: {  	s10 =	sld [smem:$0x3FB3];
	_ =	sdelay $0x3  }
0x36: {  	p1 =	seq.s32 s10, $0x1;
	s10 =	sld [smem:$0x3FB4];
	_ =	sdelay $0x3  }
0x37: {  	[smem:$0x3FB4] =	sst s10  }
0x38: {  	s10 =	sld [smem:$0x3FB5]  }
0x39: {  	_ = 	snop;
	(pc) =	sbr.ind lr, $3  }
0x3a: {  	_ = 	snop  }
0x3b: {  	_ = 	snop  }
0x3c: {  	p2 =	seq.s32 s10, $0x1;
	s10 =	sld [smem:$0x3FB4]  }
0x3d: {  	_ =	shalt  }
0x3e: {  	_ =	shalt  }
0x3f: {  	_ =	shalt  }
0x40: {  	_ =	shalt  }
0x41: {  	_ =	shalt  }
0x42: {  	_ =	shalt  }
0x43: {  	_ =	shalt  }
0x44: {  	_ =	shalt  }
0x45: {  	_ =	shalt  }
0x46: {  	_ =	shalt  }
0x47: {  	_ =	shalt  }
0x48: {  	_ =	shalt  }
0x49: {  	_ =	shalt  }
0x4a: {  	_ =	shalt  }
0x4b: {  	_ =	shalt  }
0x4c: {  	_ =	shalt  }
0x4d: {  	_ =	shalt  }
0x4e: {  	_ =	shalt  }
0x4f: {  	_ =	shalt  }
0x50: {  	_ =	shalt  }
0x51: {  	_ =	shalt  }
0x52: {  	_ =	shalt  }
0x53: {  	_ =	shalt  }
0x54: {  	_ =	shalt  }
0x55: {  	_ =	shalt  }
0x56: {  	_ =	shalt  }
0x57: {  	_ =	shalt  }
0x58: {  	_ =	shalt  }
0x59: {  	_ =	shalt  }
0x5a: {  	_ =	shalt  }
0x5b: {  	_ =	shalt  }
0x5c: {  	_ =	shalt  }
0x5d: {  	_ =	shalt  }
0x5e: {  	_ =	shalt  }
0x5f: {  	_ =	shalt  }
0x60: {  	_ =	shalt  }
0x61: {  	_ =	shalt  }
0x62: {  	_ =	shalt  }
0x63: {  	_ =	shalt  }
0x64: {  	_ =	shalt  }
0x65: {  	_ =	shalt  }
0x66: {  	_ =	shalt  }
0x67: {  	_ =	shalt  }
0x68: {  	_ =	shalt  }
0x69: {  	_ =	shalt  }
0x6a: {  	_ =	shalt  }
0x6b: {  	_ =	shalt  }
0x6c: {  	_ =	shalt  }
0x6d: {  	_ =	shalt  }
0x6e: {  	_ =	shalt  }
0x6f: {  	_ =	shalt  }
0x70: {  	_ =	shalt  }
0x71: {  	_ =	shalt  }
0x72: {  	_ =	shalt  }
0x73: {  	_ =	shalt  }
0x74: {  	_ =	shalt  }
0x75: {  	_ =	shalt  }
0x76: {  	_ =	shalt  }
0x77: {  	_ =	shalt  }
0x78: {  	_ =	shalt  }
0x79: {  	_ =	shalt  }
0x7a: {  	_ =	shalt  }
0x7b: {  	_ =	shalt  }
0x7c: {  	_ =	shalt  }
0x7d: {  	_ =	shalt  }
0x7e: {  	_ =	shalt  }
0x7f: {  	_ =	shalt  }
0x80: {  	_ =	shalt  }
0x81: {  	_ =	shalt  }
0x82: {  	_ =	shalt  }
0x83: {  	_ =	shalt  }
0x84: {  	_ =	shalt  }
0x85: {  	_ =	shalt  }
0x86: {  	_ =	shalt  }
0x87: {  	_ =	shalt  }
.Lfunc_end0:
.L_simem_size_0:
called_computation_lowered:
.L_overlay_start_0:
0x88: {  	s2 =	sld [smem:$0x3FD9]  }
0x89: {  	s3 =	sld [smem:$0x3FFE];
	_ =	sdelay $0x1  }
0x8a: {  	s1 =	srdreg.scid  }
0x8b: {  	s0 =	sand.u32 $0x1, s1  }
0x8c: {  	s17 =	sshll.u32 s0, $0xA;
	s2 =	sadd.s32 s3, s2  }
0x8d: {  	s2 =	sadd.s32 s2, s17  }
0x8e: {  	[smem:$0x3FC0] =	sst s2  }
0x8f: {  	_ = 	snop  }
0x90: {  	s2 =	sld [smem:$0x3FD0];
	(tm) =	ssettm $0x1  }
0x91: {  	s18 =	sld [smem:$0x3FFB];
	_ =	sdelay $0x3  }
0x92: {  	_ =	strace s18  }
0x93: {  	s3 =	sld [smem:$0x3FFC];
	_ =	sdelay $0x3  }
0x94: {  	_ =	strace s3  }
0x95: {  	s3 =	sld [smem:$0x3FFD];
	_ =	sdelay $0x3  }
0x96: {  	_ =	strace s3  }
0x97: {  	_ =	strace $0x8FFFFFFF  }
0x98: {  	s19 =	sld [smem:$0x3FDB];
	_ =	sdelay $0x1  }
0x99: {  	s4 =	simm.s32 $_scs_section_size  }
0x9a: {  	s5 =	simm.s32 $_size__tile_overlayer_lowered;
	s6 =	simm.s32 $_tile_overlayer_lowered  }
0x9b: {  	s22 =	simm.s32 $0x1BFF;
	s21 =	sshll.u32 s6, $0x1;
	s3 =	sadd.s32 s4, s19  }
0x9c: {  	s7 =	simm.s32 $0x0;
	s20 =	sshll.u32 s5, $0x1;
	s5 =	sadd.s32 s21, s3  }
0x9d: {  	[timem:s7], [sflag:s22] =	dma.local [hbm:s5], s20  }
0x9e: {  	_ =	swait.ge [sflag:s22], s20  }
0x9f: {  	s4 =	ssub.s32 $0x0, s20;
	[sflag:s22] =	ssyncset.done $0x0  }
0xa0: {  	[sflag:s22] =	ssyncadd.s32 s4;
	_ =	sdelay $0x1  }
0xa1: {  	s23 =	simm.s32 $0x1B8B  }
0xa2: {  	_ =	swait.ge [sflag:s23], $0x1  }
0xa3: {  	[sflag:s23] =	ssyncset.done $0x0  }
0xa4: {  	s25 =	simm.s32 $0x1B8E;
	s24 =	sld [smem:$0x3FFE];
	[sflag:s23] =	ssyncadd.s32 $0xFFFFFFFF  }
0xa5: {  	s26 =	simm.s32 $execute0_lowered;
	[smem:$0x3FD2] =	sst s25  }
0xa6: {  	s5 =	sshll.u32 s26, $0x1;
	_ =	strace $0x80000046;
	[dreg:$0x1] =	wrdreg $0xFFFFFFFF  }
0xa7: {  	s28 =	simm.s32 $_size_execute0_lowered;
	s3 =	sadd.s32 s3, s5;
	[dreg:$0x0] =	wrdreg $0x0  }
0xa8: {  	s5 =	sshll.u32 s28, $0x1;
	[dreg:$0x2] =	wrdreg s3  }
0xa9: {  	[dreg:$0x3] =	wrdreg s5  }
0xaa: {  	[dreg:$0x4] =	wrdreg $0xC0  }
0xab: {  	_ =	task [dreg:s7], $0x5FFFF  }
0xac: {  	[dreg:$0x1] =	wrdreg $0xFFFFFFFF  }
0xad: {  	[dreg:$0x0] =	wrdreg $0x60  }
0xae: {  	[dreg:$0x2] =	wrdreg s2  }
0xaf: {  	[dreg:$0x3] =	wrdreg s24  }
0xb0: {  	[dreg:$0x4] =	wrdreg $0x56E00  }
0xb1: {  	[dreg:$0x5] =	wrdreg $0xF6E00  }
0xb2: {  	[dreg:$0x6] =	wrdreg $0x9  }
0xb3: {  	_ =	task.clear_ibuf [dreg:s7], $0x7FFFF;
	_ =	strace $0x90000046  }
0xb4: {  	s29 =	simm.s32 $0x9;
	_ =	strace $0x80000048  }
0xb5: {  	_ =	swait.ge [sflag:s29], $0x1  }
0xb6: {  	[sflag:s29] =	ssyncadd.s32 $0xFFFFFFFF  }
0xb7: {  	_ =	strace $0x90000048  }
0xb8: {  	_ =	sfence  }
0xb9: {  	s30 =	sld [smem:$0x0];
	_ =	sdelay $0x2  }
0xba: {  	s31 =	sshll.u32 s1, $0xD;
	s1 =	sshrl.u32 s1, $0x2  }
0xbb: {  	s3 =	sand.u32 $0x4000, s31;
	s1 =	sadd.s32 s1, s30  }
0xbc: {  	s0 =	sor.u32 s3, s0;
	s1 =	sshll.u32 s1, $0x11  }
0xbd: {  	s0 =	sor.u32 s1, s0  }
0xbe: {  	s0 =	sadd.s32 $0x8F2B, s0  }
0xbf: {  	[sflag:s0] =	ssyncadd.remote.s32 $0x1  }
0xc0: {  	_ =	sfence.sel $0xFFFF  }
0xc1: {  	[dreg:$0x0] =	wrdreg $0xFFFFFFFF;
	(pc) =	sbr.abs _section_cstart, $3  }
0xc2: {  	[dreg:$0x1] =	wrdreg $0xFFFFFFFF  }
0xc3: {  	_ =	task.clear_ibuf [dreg:s7], $0x2FFFF;
	_ =	strace $0x9FFFFFFF  }
0xc4: {  	(tm) =	ssettm $0x7FFFFFFF  }
0xc5: {  	_ =	shalt  }
tec
execute0_lowered:
.L_overlay_start_1:
0x0: {  	(tag) =	ssettag $0x1  }
0x1: {  	s4 =	rddreg [dreg:$0x1]  }
0x2: {  	s2 =	rddreg [dreg:$0x2]  }
0x3: {  	s3 =	rddreg [dreg:$0x3];
	s5 =	simm.s32 $0x0;
	s0 =	srdreg.scid  }
0x4: {  	s16 =	stileid.u32;
	s28 =	simm.s32 $0xB;
	s29 =	simm.s32 $0x15E0  }
0x5: {  	s30 =	simm.s32 $0x1;
	s31 =	simm.s32 $0xD;
	s8 =	smul.u32 $0x14000, s16  }
0x6: {  	[smem:$0x7FF] =	sst s5;
	s6 =	sand.u32 $0x1, s0;
	s19 =	smul.u32 $0x2800, s16  }
0x7: {  	s7 =	sadd.s32 $0xB600, s4;
	s10 =	sadd.s32 $0x1600, s4;
	s12 =	smul.u32 $0x4E20, s16  }
0x8: {  	s11 =	sadd.s32 $0x15400, s4;
	s20 =	sadd.s32 $0x15600, s4;
	s0 =	smul.u32 $0x140000, s6  }
0x9: {  	_ =	strace $0x80000047;
	[dreg:$0xb] =	wrdreg s10;
	s18 =	smul.u32 $0x28000, s6  }
0xa: {  	s21 =	sshll.u32 s16, $0x1;
	[dreg:$0xc] =	wrdreg s11;
	s25 =	smul.u32 $0x2710, s6  }
0xb: {  	s22 =	sor.u32 s6, s21;
	s23 =	ssub.s32 $0x2, s6;
	s6 =	smul.u32 $0x280, s16  }
0xc: {  	s9 =	sadd.s32 $0x1800, s4;
	[dreg:$0xd] =	wrdreg s20;
	s10 =	smul.u32 $0x2710, s22  }
0xd: {  	s24 =	sshrl.u32 s23, $0x1;
	s0 =	sadd.s32 s8, s0;
	s8 =	sadd.s32 s19, s18  }
0xe: {  	s11 =	sadd.s32 s25, s12;
	s25 =	smul.u32 $0x28000, s16;
	s0 =	sshrl.u32 s0, $0x4  }
0xf: {  	s8 =	sshrl.u32 s8, $0x3;
	s10 =	sshrl.u32 s10, $0x3;
	s19 =	sadd.s32 $0x230, s11  }
0x10: {  	s21 =	sadd.s32 $0x1E0, s11;
	s15 =	sadd.s32 $0x190, s11;
	s11 =	sadd.s32 $0x140, s11  }
0x11: {  	s0 =	sadd.s32 s0, s4;
	s4 =	sadd.s32 s8, s4;
	s8 =	ssub.s32 s23, s24  }
0x12: {  	s17 =	sadd.s32 s7, s10;
	s13 =	sadd.s32 $0xA, s10;
	s18 =	sadd.s32 s9, s10  }
0x13: {  	s1 =	sadd.s32 $0x14, s10;
	s10 =	sadd.s32 $0x1E, s10;
	[dreg:$0xe] =	wrdreg s17  }
0x14: {  	s24 =	sshrl.u32 s15, $0x3;
	s14 =	sadd.s32 s7, s13;
	[dreg:$0xf] =	wrdreg s18  }
0x15: {  	s15 =	sor.u32 $0x40, s6;
	s26 =	sadd.s32 s9, s13;
	[dreg:$0x10] =	wrdreg s14  }
0x16: {  	s11 =	sshrl.u32 s11, $0x3;
	s20 =	sadd.s32 s7, s1;
	[dreg:$0x11] =	wrdreg s26  }
0x17: {  	s13 =	sshrl.u32 s19, $0x3;
	s12 =	sadd.s32 s9, s1;
	[dreg:$0x12] =	wrdreg s20  }
0x18: {  	s1 =	sadd.s32 s7, s10;
	s10 =	sadd.s32 s9, s10;
	[dreg:$0x13] =	wrdreg s12  }
0x19: {  	s8 =	smax.u32 s8, $0x1;
	s4 =	sadd.s32 $0x3D800, s4;
	[dreg:$0x14] =	wrdreg s1  }
0x1a: {  	s0 =	sadd.s32 $0x15800, s0;
	s13 =	sadd.s32 s13, s7;
	[dreg:$0x15] =	wrdreg s10  }
0x1b: {  	s14 =	sshrl.u32 s21, $0x3;
	s26 =	sadd.s32 s24, s9;
	[dreg:$0x16] =	wrdreg s8  }
0x1c: {  	s21 =	sadd.s32 $0x80, s6;
	s1 =	sadd.s32 $0x100, s6;
	[smem:$0x7F9] =	sst s4  }
0x1d: {  	[smem:$0x7FA] =	sst s0;
	s4 =	simm.s32 $0x42E0;
	s0 =	simm.s32 $0xC  }
0x1e: {  	[dreg:$0x5] =	wrdreg s13;
	s22 =	sadd.s32 s14, s9;
	s23 =	sadd.s32 s14, s7  }
0x1f: {  	[dreg:$0x8] =	wrdreg s26;
	s13 =	sshrl.u32 s25, $0x2;
	s7 =	sadd.s32 s24, s7  }
0x20: {  	s14 =	smul.u32 $0xA000, s16;
	s9 =	sadd.s32 s11, s9;
	[dreg:$0x6] =	wrdreg s22  }
0x21: {  	s16 =	sshll.u32 s15, $0x6;
	s8 =	sshll.u32 s21, $0x4;
	[dreg:$0x7] =	wrdreg s23  }
0x22: {  	s24 =	sadd.s32 $0xC0, s6;
	[dreg:$0x9] =	wrdreg s7;
	s26 =	sadd.s32 s13, s2  }
0x23: {  	s20 =	sadd.s32 s16, s2;
	s7 =	sshll.u32 s15, $0x4;
	[dreg:$0xa] =	wrdreg s9  }
0x24: {  	s22 =	sshll.u32 s21, $0x6;
	s23 =	sadd.s32 s8, s3;
	s25 =	sshll.u32 s24, $0x6  }
0x25: {  	s9 =	sshll.u32 s1, $0x4;
	s13 =	sadd.s32 $0x180, s6;
	s15 =	sadd.s32 $0x1C0, s6  }
0x26: {  	s10 =	sshrl.u32 s14, $0x2;
	[dreg:$0x19] =	wrdreg s20;
	s7 =	sadd.s32 s7, s3  }
0x27: {  	[dreg:$0x1c] =	wrdreg s23;
	s8 =	sadd.s32 s25, s2;
	s14 =	sshll.u32 s13, $0x6  }
0x28: {  	s16 =	sshll.u32 s15, $0x6;
	s20 =	sadd.s32 $0x200, s6;
	[dreg:$0x17] =	wrdreg s26  }
0x29: {  	s25 =	sadd.s32 $0x28, s17;
	s17 =	simm.s32 $0x52E0;
	[dreg:$0x1a] =	wrdreg s7  }
0x2a: {  	s19 =	sadd.s32 s10, s3;
	s7 =	sadd.s32 s22, s2;
	[dreg:$0x1d] =	wrdreg s8  }
0x2b: {  	s8 =	sshll.u32 s1, $0x6;
	s10 =	sadd.s32 $0x140, s6;
	s6 =	sadd.s32 $0x240, s6  }
0x2c: {  	s21 =	sshll.u32 s20, $0x6;
	s22 =	sshll.u32 s20, $0x4;
	[smem:$0x7FB] =	sst s25  }
0x2d: {  	s1 =	sadd.s32 $0x4D8, s18;
	s20 =	simm.s32 $0x3DE0;
	[dreg:$0x18] =	wrdreg s19  }
0x2e: {  	s25 =	simm.s32 $0xA;
	s18 =	simm.s32 $0x8;
	[dreg:$0x1b] =	wrdreg s7  }
0x2f: {  	s7 =	sshll.u32 s24, $0x4;
	s11 =	sshll.u32 s10, $0x6;
	s19 =	sshll.u32 s15, $0x4  }
0x30: {  	s23 =	sshll.u32 s6, $0x6;
	[smem:$0x7FC] =	sst s1;
	s7 =	sadd.s32 s7, s3  }
0x31: {  	s6 =	sshll.u32 s6, $0x4;
	s24 =	sadd.s32 s23, s2;
	[dreg:$0x1e] =	wrdreg s7  }
0x32: {  	s6 =	sadd.s32 s6, s3;
	s23 =	simm.s32 $0x140;
	[smem:$0x7F7] =	sst s24  }
0x33: {  	s7 =	sadd.s32 s8, s2;
	s8 =	sshll.u32 s10, $0x4;
	[smem:$0x7F8] =	sst s6  }
0x34: {  	s24 =	simm.s32 $0x1E0;
	[dreg:$0x1f] =	wrdreg s7;
	s7 =	sadd.s32 s9, s3  }
0x35: {  	s6 =	simm.s32 $0x190;
	s12 =	sadd.s32 s8, s3;
	[smem:$0x7EE] =	sst s7  }
0x36: {  	s10 =	simm.s32 $0x7;
	s8 =	sadd.s32 s14, s2;
	[smem:$0x7F0] =	sst s12  }
0x37: {  	s9 =	simm.s32 $0xF;
	s7 =	sadd.s32 s11, s2;
	[smem:$0x7F1] =	sst s8  }
0x38: {  	s14 =	simm.s32 $0x5;
	[smem:$0x7EF] =	sst s7;
	s7 =	sshll.u32 s13, $0x4  }
0x39: {  	s8 =	simm.s32 $0x2;
	s11 =	simm.s32 $0xE;
	s7 =	sadd.s32 s7, s3  }
0x3a: {  	s12 =	simm.s32 $0x4;
	[smem:$0x7F2] =	sst s7;
	s7 =	sadd.s32 s16, s2  }
0x3b: {  	s13 =	simm.s32 $0x9;
	[smem:$0x7F3] =	sst s7;
	s7 =	sadd.s32 s19, s3  }
0x3c: {  	s16 =	simm.s32 $0x10;
	[smem:$0x7F4] =	sst s7;
	s7 =	sadd.s32 s21, s2  }
0x3d: {  	s19 =	simm.s32 $0x6;
	s2 =	simm.s32 $0x0;
	[smem:$0x7F5] =	sst s7  }
0x3e: {  	s21 =	simm.s32 $0xF0;
	s7 =	sadd.s32 s22, s3;
	[smem:$0x7FD] =	sst s2  }
0x3f: {  	s22 =	simm.s32 $0x50;
	[smem:$0x7F6] =	sst s7;
	s7 =	simm.s32 $0x29E0  }
.LBB2_1:
0x40: {  	s15 =	rddreg [dreg:$0xb]  }
0x41: {  	[tilespmem:s4], [sflag:$0x10] =	stream.linear.gather [hbm4b:s15+s5], $0x1000, $0x38;
	[tilespmem:$0x11EE0] =	vst v63  }
0x42: {  	_ =	swait.ge [sflag:s16], $0x1000  }
0x43: {  	[sflag:s16] =	ssyncset.done $0x0  }
0x44: {  	s1 =	rddreg [dreg:$0xc];
	[sflag:s16] =	ssyncadd.s32 $0xFFFFF000  }
0x45: {  	[tilespmem:s17], [sflag:$0x10] =	stream.linear.gather [hbm4b:s1+s5], $0x400, $0x38;
	[tilespmem:$0x11EE0] =	vst v63  }
0x46: {  	_ =	swait.ge [sflag:s16], $0x400  }
0x47: {  	[sflag:s16] =	ssyncset.done $0x0  }
0x48: {  	s2 =	rddreg [dreg:$0xd];
	[sflag:s16] =	ssyncadd.s32 $0xFFFFFC00  }
0x49: {  	[tilespmem:s20], [sflag:$0x10] =	stream.linear.gather [hbm4b:s2+s5], $0x500, $0x38;
	[tilespmem:$0x11EE0] =	vst v63  }
0x4a: {  	_ =	swait.ge [sflag:s16], $0x500  }
0x4b: {  	[sflag:s16] =	ssyncset.done $0x0  }
0x4c: {  	[sflag:s16] =	ssyncadd.s32 $0xFFFFFB00  }
0x4d: {  	[spmem:s26] =	stream.linear.scatter [tilespmem:s4], [sflag:$0x10], $0x1000, $0x38;
	[tilespmem:$0x11EE0] =	vst v63  }
0x4e: {  	_ =	swait.ge [sflag:s16], $0x1000  }
0x4f: {  	[sflag:s16] =	ssyncset.done $0x0  }
0x50: {  	s26 =	rddreg [dreg:$0x18];
	[sflag:s16] =	ssyncadd.s32 $0xFFFFF000  }
0x51: {  	[spmem:s26] =	stream.linear.scatter [tilespmem:s17], [sflag:$0x10], $0x400, $0x38;
	[tilespmem:$0x11EE0] =	vst v63  }
0x52: {  	_ =	swait.ge [sflag:s16], $0x400  }
0x53: {  	[sflag:s16] =	ssyncset.done $0x0  }
0x54: {  	s1 =	rddreg [dreg:$0x19];
	[sflag:s16] =	ssyncadd.s32 $0xFFFFFC00  }
0x55: {  	[spmem:s1] =	stream.linear.scatter [tilespmem:s4], [sflag:$0x10], $0x1000, $0x38;
	[tilespmem:$0x11EE0] =	vst v63  }
0x56: {  	_ =	swait.ge [sflag:s16], $0x1000  }
0x57: {  	[sflag:s16] =	ssyncset.done $0x0  }
0x58: {  	s2 =	rddreg [dreg:$0x1a];
	[sflag:s16] =	ssyncadd.s32 $0xFFFFF000  }
0x59: {  	[spmem:s2] =	stream.linear.scatter [tilespmem:s17], [sflag:$0x10], $0x400, $0x38;
	[tilespmem:$0x11EE0] =	vst v63  }
0x5a: {  	_ =	swait.ge [sflag:s16], $0x400  }
0x5b: {  	[sflag:s16] =	ssyncset.done $0x0  }
0x5c: {  	s26 =	rddreg [dreg:$0x1b];
	[sflag:s16] =	ssyncadd.s32 $0xFFFFFC00  }
0x5d: {  	[spmem:s26] =	stream.linear.scatter [tilespmem:s4], [sflag:$0x10], $0x1000, $0x38;
	[tilespmem:$0x11EE0] =	vst v63  }
0x5e: {  	_ =	swait.ge [sflag:s16], $0x1000  }
0x5f: {  	[sflag:s16] =	ssyncset.done $0x0  }
0x60: {  	s1 =	rddreg [dreg:$0x1c];
	[sflag:s16] =	ssyncadd.s32 $0xFFFFF000  }
0x61: {  	[spmem:s1] =	stream.linear.scatter [tilespmem:s17], [sflag:$0x10], $0x400, $0x38;
	[tilespmem:$0x11EE0] =	vst v63  }
0x62: {  	_ =	swait.ge [sflag:s16], $0x400  }
0x63: {  	[sflag:s16] =	ssyncset.done $0x0  }
0x64: {  	s2 =	rddreg [dreg:$0x1d];
	[sflag:s16] =	ssyncadd.s32 $0xFFFFFC00  }
0x65: {  	[spmem:s2] =	stream.linear.scatter [tilespmem:s4], [sflag:$0x10], $0x1000, $0x38;
	[tilespmem:$0x11EE0] =	vst v63  }
0x66: {  	_ =	swait.ge [sflag:s16], $0x1000  }
0x67: {  	[sflag:s16] =	ssyncset.done $0x0  }
0x68: {  	s26 =	rddreg [dreg:$0x1e];
	[sflag:s16] =	ssyncadd.s32 $0xFFFFF000  }
0x69: {  	[spmem:s26] =	stream.linear.scatter [tilespmem:s17], [sflag:$0x10], $0x400, $0x38;
	[tilespmem:$0x11EE0] =	vst v63  }
0x6a: {  	_ =	swait.ge [sflag:s16], $0x400  }
0x6b: {  	[sflag:s16] =	ssyncset.done $0x0  }
0x6c: {  	s1 =	rddreg [dreg:$0x1f];
	[sflag:s16] =	ssyncadd.s32 $0xFFFFFC00  }
0x6d: {  	[spmem:s1] =	stream.linear.scatter [tilespmem:s4], [sflag:$0x10], $0x1000, $0x38;
	[tilespmem:$0x11EE0] =	vst v63  }
0x6e: {  	_ =	swait.ge [sflag:s16], $0x1000  }
0x6f: {  	s2 =	sld [smem:$0x7EE]  }
0x70: {  	[sflag:s16] =	ssyncset.done $0x0  }
0x71: {  	[sflag:s16] =	ssyncadd.s32 $0xFFFFF000  }
0x72: {  	[spmem:s2] =	stream.linear.scatter [tilespmem:s17], [sflag:$0x10], $0x400, $0x38;
	[tilespmem:$0x11EE0] =	vst v63  }
0x73: {  	_ =	swait.ge [sflag:s16], $0x400  }
0x74: {  	s26 =	sld [smem:$0x7EF]  }
0x75: {  	[sflag:s16] =	ssyncset.done $0x0  }
0x76: {  	[sflag:s16] =	ssyncadd.s32 $0xFFFFFC00  }
0x77: {  	[spmem:s26] =	stream.linear.scatter [tilespmem:s4], [sflag:$0x10], $0x1000, $0x38;
	[tilespmem:$0x11EE0] =	vst v63  }
0x78: {  	_ =	swait.ge [sflag:s16], $0x1000  }
0x79: {  	s1 =	sld [smem:$0x7F0]  }
0x7a: {  	[sflag:s16] =	ssyncset.done $0x0  }
0x7b: {  	[sflag:s16] =	ssyncadd.s32 $0xFFFFF000  }
0x7c: {  	[spmem:s1] =	stream.linear.scatter [tilespmem:s17], [sflag:$0x10], $0x400, $0x38;
	[tilespmem:$0x11EE0] =	vst v63  }
0x7d: {  	_ =	swait.ge [sflag:s16], $0x400  }
0x7e: {  	s2 =	sld [smem:$0x7F1]  }
0x7f: {  	[sflag:s16] =	ssyncset.done $0x0  }
0x80: {  	[sflag:s16] =	ssyncadd.s32 $0xFFFFFC00  }
0x81: {  	[spmem:s2] =	stream.linear.scatter [tilespmem:s4], [sflag:$0x10], $0x1000, $0x38;
	[tilespmem:$0x11EE0] =	vst v63  }
0x82: {  	_ =	swait.ge [sflag:s16], $0x1000  }
0x83: {  	s26 =	sld [smem:$0x7F2]  }
0x84: {  	[sflag:s16] =	ssyncset.done $0x0  }
0x85: {  	[sflag:s16] =	ssyncadd.s32 $0xFFFFF000  }
0x86: {  	[spmem:s26] =	stream.linear.scatter [tilespmem:s17], [sflag:$0x10], $0x400, $0x38;
	[tilespmem:$0x11EE0] =	vst v63  }
0x87: {  	_ =	swait.ge [sflag:s16], $0x400  }
0x88: {  	s1 =	sld [smem:$0x7F3]  }
0x89: {  	[sflag:s16] =	ssyncset.done $0x0  }
0x8a: {  	[sflag:s16] =	ssyncadd.s32 $0xFFFFFC00  }
0x8b: {  	[spmem:s1] =	stream.linear.scatter [tilespmem:s4], [sflag:$0x10], $0x1000, $0x38;
	[tilespmem:$0x11EE0] =	vst v63  }
0x8c: {  	_ =	swait.ge [sflag:s16], $0x1000  }
0x8d: {  	s2 =	sld [smem:$0x7F4]  }
0x8e: {  	[sflag:s16] =	ssyncset.done $0x0  }
0x8f: {  	[sflag:s16] =	ssyncadd.s32 $0xFFFFF000  }
0x90: {  	[spmem:s2] =	stream.linear.scatter [tilespmem:s17], [sflag:$0x10], $0x400, $0x38;
	[tilespmem:$0x11EE0] =	vst v63  }
0x91: {  	_ =	swait.ge [sflag:s16], $0x400  }
0x92: {  	s26 =	sld [smem:$0x7F5]  }
0x93: {  	[sflag:s16] =	ssyncset.done $0x0  }
0x94: {  	[sflag:s16] =	ssyncadd.s32 $0xFFFFFC00  }
0x95: {  	[spmem:s26] =	stream.linear.scatter [tilespmem:s4], [sflag:$0x10], $0x1000, $0x38;
	[tilespmem:$0x11EE0] =	vst v63  }
0x96: {  	_ =	swait.ge [sflag:s16], $0x1000  }
0x97: {  	s1 =	sld [smem:$0x7F6]  }
0x98: {  	[sflag:s16] =	ssyncset.done $0x0  }
0x99: {  	[sflag:s16] =	ssyncadd.s32 $0xFFFFF000  }
0x9a: {  	[spmem:s1] =	stream.linear.scatter [tilespmem:s17], [sflag:$0x10], $0x400, $0x38;
	[tilespmem:$0x11EE0] =	vst v63  }
0x9b: {  	_ =	swait.ge [sflag:s16], $0x400  }
0x9c: {  	s2 =	sld [smem:$0x7F7]  }
0x9d: {  	[sflag:s16] =	ssyncset.done $0x0  }
0x9e: {  	[sflag:s16] =	ssyncadd.s32 $0xFFFFFC00  }
0x9f: {  	[spmem:s2] =	stream.linear.scatter [tilespmem:s4], [sflag:$0x10], $0x1000, $0x38;
	[tilespmem:$0x11EE0] =	vst v63  }
0xa0: {  	_ =	swait.ge [sflag:s16], $0x1000  }
0xa1: {  	s4 =	sld [smem:$0x7F8]  }
0xa2: {  	[sflag:s16] =	ssyncset.done $0x0  }
0xa3: {  	[sflag:s16] =	ssyncadd.s32 $0xFFFFF000  }
0xa4: {  	[spmem:s4] =	stream.linear.scatter [tilespmem:s17], [sflag:$0x10], $0x400, $0x38;
	[tilespmem:$0x11EE0] =	vst v63  }
0xa5: {  	_ =	swait.ge [sflag:s16], $0x400  }
0xa6: {  	[sflag:s16] =	ssyncset.done $0x0  }
0xa7: {  	[sflag:s16] =	ssyncadd.s32 $0xFFFFFC00  }
0xa8: {  	[bflag:$0x0] =	sbarrier.arrive $0xFFFF  }
0xa9: {  	s26 =	rddreg [dreg:$0xe]  }
0xaa: {  	[tilespmem:s5], [sflag:$0xA] =	stream.linear.gather [hbm4b:s26+s5], $0x50, $0x38;
	[tilespmem:$0x11EE0] =	vst v63  }
0xab: {  	s1 =	rddreg [dreg:$0xf]  }
0xac: {  	[tilespmem:s21], [sflag:$0xD] =	stream.linear.gather [hbm4b:s1+s5], $0x50, $0x38;
	[tilespmem:$0x11EE0] =	vst v63  }
0xad: {  	s2 =	rddreg [dreg:$0x10]  }
0xae: {  	[tilespmem:s22], [sflag:$0xB] =	stream.linear.gather [hbm4b:s2+s5], $0x50, $0x38;
	[tilespmem:$0x11EE0] =	vst v63  }
0xaf: {  	s4 =	rddreg [dreg:$0x11]  }
0xb0: {  	[tilespmem:s23], [sflag:$0xE] =	stream.linear.gather [hbm4b:s4+s5], $0x50, $0x38;
	[tilespmem:$0x11EE0] =	vst v63  }
0xb1: {  	s17 =	rddreg [dreg:$0x12];
	s26 =	simm.s32 $0xA0  }
0xb2: {  	[tilespmem:s26], [sflag:$0xC] =	stream.linear.gather [hbm4b:s17+s5], $0x50, $0x38;
	[tilespmem:$0x11EE0] =	vst v63  }
0xb3: {  	_ =	swait.ge [sflag:s25], $0x50  }
0xb4: {  	[sflag:s25] =	ssyncset.done $0x0  }
0xb5: {  	[sflag:s25] =	ssyncadd.s32 $0xFFFFFFB0  }
0xb6: {  	s2 =	rddreg [dreg:$0x0]  }
0xb7: {  	[tilespmem:s24], [sflag:$0x1] =	stream.indirect.gather [hbm4b:s2+s22], $0x40, s5, s22, $0xb8;
	[tilespmem:$0x11EE0] =	vst v63  }
0xb8: {  	_ =	swait.ge [sflag:s28], $0x50  }
0xb9: {  	[sflag:s28] =	ssyncset.done $0x0  }
0xba: {  	[sflag:s28] =	ssyncadd.s32 $0xFFFFFFB0  }
0xbb: {  	[tilespmem:s29], [sflag:$0x2] =	stream.indirect.gather [hbm4b:s2+s22], $0x40, s22, s22, $0xb8;
	[tilespmem:$0x11EE0] =	vst v63  }
0xbc: {  	_ =	swait.ge [sflag:s30], $0x1400  }
0xbd: {  	[sflag:s30] =	ssyncset.done $0x0  }
0xbe: {  	[sflag:s30] =	ssyncadd.s32 $0xFFFFEC00  }
0xbf: {  	_ =	swait.ge [sflag:s31], $0x50  }
0xc0: {  	[sflag:s31] =	ssyncset.done $0x0  }
0xc1: {  	[sflag:s31] =	ssyncadd.s32 $0xFFFFFFB0  }
0xc2: {  	s1 =	rddreg [dreg:$0x2]  }
0xc3: {  	[spmem:s1] =	stream.indirect.scatter.add.bf16 [tilespmem:s24], [sflag:$0x4], $0x40, s21, s22, $0xb8;
	[tilespmem:$0x11EE0] =	vst v63  }
0xc4: {  	_ = 	snop  }
0xc5: {  	[spmem:s3] =	stream.indirect.scatter.add.f32 [tilespmem:s20], [sflag:$0x7], $0x10, s21, s22, $0xb8;
	[tilespmem:$0x11EE0] =	vst v63  }
0xc6: {  	_ =	swait.ge [sflag:s0], $0x50  }
0xc7: {  	[sflag:s0] =	ssyncset.done $0x0  }
0xc8: {  	[sflag:s0] =	ssyncadd.s32 $0xFFFFFFB0  }
0xc9: {  	[tilespmem:s7], [sflag:$0x3] =	stream.indirect.gather [hbm4b:s2+s22], $0x40, s26, s22, $0xb8;
	[tilespmem:$0x11EE0] =	vst v63  }
0xca: {  	s17 =	rddreg [dreg:$0x13]  }
0xcb: {  	[tilespmem:s6], [sflag:$0xF] =	stream.linear.gather [hbm4b:s17+s5], $0x50, $0x38;
	[tilespmem:$0x11EE0] =	vst v63  }
0xcc: {  	s26 =	rddreg [dreg:$0x14]  }
0xcd: {  	[tilespmem:s5], [sflag:$0xA] =	stream.linear.gather [hbm4b:s26+s5], $0x50, $0x38;
	[tilespmem:$0x11EE0] =	vst v63  }
0xce: {  	_ =	swait.ge [sflag:s8], $0x1400  }
0xcf: {  	[sflag:s8] =	ssyncset.done $0x0  }
0xd0: {  	[sflag:s8] =	ssyncadd.s32 $0xFFFFEC00  }
0xd1: {  	_ =	swait.ge [sflag:s11], $0x50  }
0xd2: {  	[sflag:s11] =	ssyncset.done $0x0  }
0xd3: {  	[sflag:s11] =	ssyncadd.s32 $0xFFFFFFB0  }
0xd4: {  	[spmem:s1] =	stream.indirect.scatter.add.bf16 [tilespmem:s29], [sflag:$0x5], $0x40, s23, s22, $0xb8;
	[tilespmem:$0x11EE0] =	vst v63  }
0xd5: {  	_ = 	snop  }
0xd6: {  	[spmem:s3] =	stream.indirect.scatter.add.f32 [tilespmem:s20], [sflag:$0x8], $0x10, s23, s22, $0xb8;
	[tilespmem:$0x11EE0] =	vst v63  }
0xd7: {  	_ =	swait.ge [sflag:s12], $0x1400  }
0xd8: {  	[sflag:s12] =	ssyncset.done $0x0  }
0xd9: {  	[sflag:s12] =	ssyncadd.s32 $0xFFFFEC00  }
0xda: {  	_ =	swait.ge [sflag:s10], $0x500  }
0xdb: {  	[sflag:s10] =	ssyncset.done $0x0  }
0xdc: {  	[sflag:s10] =	ssyncadd.s32 $0xFFFFFB00  }
0xdd: {  	_ =	swait.ge [sflag:s25], $0x50  }
0xde: {  	[sflag:s25] =	ssyncset.done $0x0  }
0xdf: {  	s4 =	rddreg [dreg:$0x15];
	[sflag:s25] =	ssyncadd.s32 $0xFFFFFFB0  }
0xe0: {  	[tilespmem:s24], [sflag:$0x1] =	stream.indirect.gather [hbm4b:s2+s22], $0x40, s5, s22, $0xb8;
	[tilespmem:$0x11EE0] =	vst v63  }
0xe1: {  	s17 =	sld [smem:$0x7FB]  }
0xe2: {  	[tilespmem:s21], [sflag:$0xD] =	stream.linear.gather [hbm4b:s4+s5], $0x50, $0x38;
	[tilespmem:$0x11EE0] =	vst v63  }
0xe3: {  	s26 =	simm.s32 $0x3  }
0xe4: {  	[tilespmem:s22], [sflag:$0xB] =	stream.linear.gather [hbm4b:s17+s5], $0x50, $0x38;
	[tilespmem:$0x11EE0] =	vst v63  }
0xe5: {  	_ =	swait.ge [sflag:s26], $0x1400  }
0xe6: {  	[sflag:s26] =	ssyncset.done $0x0  }
0xe7: {  	[sflag:s26] =	ssyncadd.s32 $0xFFFFEC00  }
0xe8: {  	_ =	swait.ge [sflag:s9], $0x50  }
0xe9: {  	[sflag:s9] =	ssyncset.done $0x0  }
0xea: {  	[sflag:s9] =	ssyncadd.s32 $0xFFFFFFB0  }
0xeb: {  	[spmem:s1] =	stream.indirect.scatter.add.bf16 [tilespmem:s7], [sflag:$0x6], $0x40, s6, s22, $0xb8;
	[tilespmem:$0x11EE0] =	vst v63  }
0xec: {  	_ = 	snop  }
0xed: {  	[spmem:s3] =	stream.indirect.scatter.add.f32 [tilespmem:s20], [sflag:$0x9], $0x10, s6, s22, $0xb8;
	[tilespmem:$0x11EE0] =	vst v63  }
0xee: {  	_ =	swait.ge [sflag:s14], $0x1400  }
0xef: {  	[sflag:s14] =	ssyncset.done $0x0  }
0xf0: {  	[sflag:s14] =	ssyncadd.s32 $0xFFFFEC00  }
0xf1: {  	_ =	swait.ge [sflag:s18], $0x500  }
0xf2: {  	[sflag:s18] =	ssyncset.done $0x0  }
0xf3: {  	[sflag:s18] =	ssyncadd.s32 $0xFFFFFB00  }
0xf4: {  	_ =	swait.ge [sflag:s28], $0x50  }
0xf5: {  	[sflag:s28] =	ssyncset.done $0x0  }
0xf6: {  	s18 =	rddreg [dreg:$0xa];
	[sflag:s28] =	ssyncadd.s32 $0xFFFFFFB0  }
0xf7: {  	[tilespmem:s29], [sflag:$0x2] =	stream.indirect.gather [hbm4b:s2+s22], $0x40, s22, s22, $0xb8;
	[tilespmem:$0x11EE0] =	vst v63  }
0xf8: {  	s9 =	rddreg [dreg:$0x9];
	s15 =	sadd.s32 $0x0, s18  }
0xf9: {  	[tilespmem:s23], [sflag:$0xE] =	stream.linear.gather [hbm4b:s15+s5], $0x50, $0x38;
	[tilespmem:$0x11EE0] =	vst v63  }
0xfa: {  	s4 =	simm.s32 $0xA0;
	s14 =	sadd.s32 $0x0, s9  }
0xfb: {  	[tilespmem:s4], [sflag:$0xC] =	stream.linear.gather [hbm4b:s14+s5], $0x50, $0x38;
	[tilespmem:$0x11EE0] =	vst v63  }
0xfc: {  	_ =	swait.ge [sflag:s30], $0x1400  }
0xfd: {  	[sflag:s30] =	ssyncset.done $0x0  }
0xfe: {  	[sflag:s30] =	ssyncadd.s32 $0xFFFFEC00  }
0xff: {  	_ =	swait.ge [sflag:s31], $0x50  }
0x100: {  	[sflag:s31] =	ssyncset.done $0x0  }
0x101: {  	[sflag:s31] =	ssyncadd.s32 $0xFFFFFFB0  }
0x102: {  	[spmem:s1] =	stream.indirect.scatter.add.bf16 [tilespmem:s24], [sflag:$0x4], $0x40, s21, s22, $0xb8;
	[tilespmem:$0x11EE0] =	vst v63  }
0x103: {  	_ = 	snop  }
0x104: {  	[spmem:s3] =	stream.indirect.scatter.add.f32 [tilespmem:s20], [sflag:$0x7], $0x10, s21, s22, $0xb8;
	[tilespmem:$0x11EE0] =	vst v63  }
0x105: {  	_ =	swait.ge [sflag:s19], $0x1400  }
0x106: {  	[sflag:s19] =	ssyncset.done $0x0  }
0x107: {  	[sflag:s19] =	ssyncadd.s32 $0xFFFFEC00  }
0x108: {  	_ =	swait.ge [sflag:s13], $0x500  }
0x109: {  	[sflag:s13] =	ssyncset.done $0x0  }
0x10a: {  	[sflag:s13] =	ssyncadd.s32 $0xFFFFFB00  }
0x10b: {  	_ =	swait.ge [sflag:s0], $0x50  }
0x10c: {  	[sflag:s0] =	ssyncset.done $0x0  }
0x10d: {  	s17 =	rddreg [dreg:$0x8];
	[sflag:s0] =	ssyncadd.s32 $0xFFFFFFB0  }
0x10e: {  	[tilespmem:s7], [sflag:$0x3] =	stream.indirect.gather [hbm4b:s2+s22], $0x40, s4, s22, $0xb8;
	[tilespmem:$0x11EE0] =	vst v63  }
0x10f: {  	s18 =	rddreg [dreg:$0x7];
	s15 =	sadd.s32 $0x0, s17  }
0x110: {  	[tilespmem:s6], [sflag:$0xF] =	stream.linear.gather [hbm4b:s15+s5], $0x50, $0x38;
	[tilespmem:$0x11EE0] =	vst v63  }
0x111: {  	s19 =	sadd.s32 $0x0, s18  }
0x112: {  	[tilespmem:s5], [sflag:$0xA] =	stream.linear.gather [hbm4b:s19+s5], $0x50, $0x38;
	[tilespmem:$0x11EE0] =	vst v63  }
0x113: {  	_ =	swait.ge [sflag:s8], $0x1400  }
0x114: {  	[sflag:s8] =	ssyncset.done $0x0  }
0x115: {  	[sflag:s8] =	ssyncadd.s32 $0xFFFFEC00  }
0x116: {  	_ =	swait.ge [sflag:s11], $0x50  }
0x117: {  	[sflag:s11] =	ssyncset.done $0x0  }
0x118: {  	[sflag:s11] =	ssyncadd.s32 $0xFFFFFFB0  }
0x119: {  	[spmem:s1] =	stream.indirect.scatter.add.bf16 [tilespmem:s29], [sflag:$0x5], $0x40, s23, s22, $0xb8;
	[tilespmem:$0x11EE0] =	vst v63  }
0x11a: {  	_ = 	snop  }
0x11b: {  	[spmem:s3] =	stream.indirect.scatter.add.f32 [tilespmem:s20], [sflag:$0x8], $0x10, s23, s22, $0xb8;
	[tilespmem:$0x11EE0] =	vst v63  }
0x11c: {  	_ =	swait.ge [sflag:s12], $0x1400  }
0x11d: {  	s9 =	simm.s32 $0xF;
	[sflag:s12] =	ssyncset.done $0x0  }
0x11e: {  	s28 =	simm.s32 $0xA;
	s14 =	simm.s32 $0x7;
	[sflag:s12] =	ssyncadd.s32 $0xFFFFEC00  }
0x11f: {  	s30 =	simm.s32 $0xB;
	s31 =	simm.s32 $0x1;
	_ =	swait.ge [sflag:s10], $0x500  }
0x120: {  	s13 =	simm.s32 $0x6;
	s0 =	simm.s32 $0xD;
	[sflag:s10] =	ssyncset.done $0x0  }
0x121: {  	s7 =	simm.s32 $0x190;
	s6 =	simm.s32 $0xC;
	[sflag:s10] =	ssyncadd.s32 $0xFFFFFB00  }
0x122: {  	s11 =	simm.s32 $0x2;
	s20 =	simm.s32 $0x9;
	_ =	swait.ge [sflag:s25], $0x50  }
0x123: {  	s12 =	simm.s32 $0xE;
	[sflag:s25] =	ssyncset.done $0x0;
	s23 =	rddreg [dreg:$0x6]  }
0x124: {  	s10 =	simm.s32 $0x4;
	s29 =	rddreg [dreg:$0x5];
	[sflag:s25] =	ssyncadd.s32 $0xFFFFFFB0  }
0x125: {  	[tilespmem:s24], [sflag:$0x1] =	stream.indirect.gather [hbm4b:s2+s22], $0x40, s5, s22, $0xb8;
	[tilespmem:$0x11EE0] =	vst v63  }
0x126: {  	s15 =	sadd.s32 $0x0, s23;
	s17 =	sadd.s32 $0x0, s29;
	s25 =	simm.s32 $0x140  }
0x127: {  	[tilespmem:s21], [sflag:$0xD] =	stream.linear.gather [hbm4b:s15+s5], $0x50, $0x38;
	[tilespmem:$0x11EE0] =	vst v63  }
0x128: {  	s23 =	simm.s32 $0xF0;
	s15 =	simm.s32 $0x1E;
	s21 =	simm.s32 $0x3DE0  }
.LBB2_2:
0x129: {  	[tilespmem:s22], [sflag:$0xB] =	stream.linear.gather [hbm4b:s17+s5], $0x50, $0x38;
	[tilespmem:$0x11EE0] =	vst v63  }
0x12a: {  	_ =	swait.ge [sflag:s26], $0x1400  }
0x12b: {  	[sflag:s26] =	ssyncset.done $0x0  }
0x12c: {  	[sflag:s26] =	ssyncadd.s32 $0xFFFFEC00  }
0x12d: {  	_ =	swait.ge [sflag:s9], $0x50  }
0x12e: {  	[sflag:s9] =	ssyncset.done $0x0  }
0x12f: {  	[sflag:s9] =	ssyncadd.s32 $0xFFFFFFB0  }
0x130: {  	s19 =	simm.s32 $0x29E0;
	s1 =	rddreg [dreg:$0x2]  }
0x131: {  	[spmem:s1] =	stream.indirect.scatter.add.bf16 [tilespmem:s19], [sflag:$0x6], $0x40, s7, s22, $0xb8;
	[tilespmem:$0x11EE0] =	vst v63  }
0x132: {  	s2 =	simm.s32 $0x5  }
0x133: {  	[spmem:s3] =	stream.indirect.scatter.add.f32 [tilespmem:s21], [sflag:$0x9], $0x10, s7, s22, $0xb8;
	[tilespmem:$0x11EE0] =	vst v63  }
0x134: {  	_ =	swait.ge [sflag:s2], $0x1400  }
0x135: {  	[sflag:s2] =	ssyncset.done $0x0  }
0x136: {  	s26 =	simm.s32 $0x8;
	[sflag:s2] =	ssyncadd.s32 $0xFFFFEC00  }
0x137: {  	_ =	swait.ge [sflag:s26], $0x500  }
0x138: {  	[sflag:s26] =	ssyncset.done $0x0  }
0x139: {  	[sflag:s26] =	ssyncadd.s32 $0xFFFFFB00  }
0x13a: {  	_ =	swait.ge [sflag:s30], $0x50  }
0x13b: {  	[sflag:s30] =	ssyncset.done $0x0  }
0x13c: {  	s24 =	rddreg [dreg:$0xa];
	[sflag:s30] =	ssyncadd.s32 $0xFFFFFFB0  }
0x13d: {  	s17 =	smov.u32 s15;
	s4 =	simm.s32 $0x15E0;
	s8 =	rddreg [dreg:$0x0]  }
0x13e: {  	[tilespmem:s4], [sflag:$0x2] =	stream.indirect.gather [hbm4b:s8+s22], $0x40, s22, s22, $0xb8;
	[tilespmem:$0x11EE0] =	vst v63  }
0x13f: {  	s2 =	rddreg [dreg:$0x9];
	s24 =	sadd.s32 s17, s24  }
0x140: {  	[tilespmem:s25], [sflag:$0xE] =	stream.linear.gather [hbm4b:s24+s5], $0x50, $0x38;
	[tilespmem:$0x11EE0] =	vst v63  }
0x141: {  	s29 =	simm.s32 $0xA0;
	s18 =	sadd.s32 s17, s2  }
0x142: {  	[tilespmem:s29], [sflag:$0xC] =	stream.linear.gather [hbm4b:s18+s5], $0x50, $0x38;
	[tilespmem:$0x11EE0] =	vst v63  }
0x143: {  	_ =	swait.ge [sflag:s31], $0x1400  }
0x144: {  	[sflag:s31] =	ssyncset.done $0x0  }
0x145: {  	[sflag:s31] =	ssyncadd.s32 $0xFFFFEC00  }
0x146: {  	_ =	swait.ge [sflag:s0], $0x50  }
0x147: {  	[sflag:s0] =	ssyncset.done $0x0  }
0x148: {  	s2 =	simm.s32 $0x1E0;
	[sflag:s0] =	ssyncadd.s32 $0xFFFFFFB0  }
0x149: {  	[spmem:s1] =	stream.indirect.scatter.add.bf16 [tilespmem:s2], [sflag:$0x4], $0x40, s23, s22, $0xb8;
	[tilespmem:$0x11EE0] =	vst v63  }
0x14a: {  	_ = 	snop  }
0x14b: {  	[spmem:s3] =	stream.indirect.scatter.add.f32 [tilespmem:s21], [sflag:$0x7], $0x10, s23, s22, $0xb8;
	[tilespmem:$0x11EE0] =	vst v63  }
0x14c: {  	_ =	swait.ge [sflag:s13], $0x1400  }
0x14d: {  	[sflag:s13] =	ssyncset.done $0x0  }
0x14e: {  	[sflag:s13] =	ssyncadd.s32 $0xFFFFEC00  }
0x14f: {  	_ =	swait.ge [sflag:s20], $0x500  }
0x150: {  	[sflag:s20] =	ssyncset.done $0x0  }
0x151: {  	[sflag:s20] =	ssyncadd.s32 $0xFFFFFB00  }
0x152: {  	_ =	swait.ge [sflag:s6], $0x50  }
0x153: {  	[sflag:s6] =	ssyncset.done $0x0  }
0x154: {  	s24 =	rddreg [dreg:$0x8];
	[sflag:s6] =	ssyncadd.s32 $0xFFFFFFB0  }
0x155: {  	[tilespmem:s19], [sflag:$0x3] =	stream.indirect.gather [hbm4b:s8+s22], $0x40, s29, s22, $0xb8;
	[tilespmem:$0x11EE0] =	vst v63  }
0x156: {  	s26 =	rddreg [dreg:$0x7];
	s24 =	sadd.s32 s17, s24  }
0x157: {  	[tilespmem:s7], [sflag:$0xF] =	stream.linear.gather [hbm4b:s24+s5], $0x50, $0x38;
	[tilespmem:$0x11EE0] =	vst v63  }
0x158: {  	s26 =	sadd.s32 s17, s26  }
0x159: {  	[tilespmem:s5], [sflag:$0xA] =	stream.linear.gather [hbm4b:s26+s5], $0x50, $0x38;
	[tilespmem:$0x11EE0] =	vst v63  }
0x15a: {  	_ =	swait.ge [sflag:s11], $0x1400  }
0x15b: {  	[sflag:s11] =	ssyncset.done $0x0  }
0x15c: {  	[sflag:s11] =	ssyncadd.s32 $0xFFFFEC00  }
0x15d: {  	_ =	swait.ge [sflag:s12], $0x50  }
0x15e: {  	[sflag:s12] =	ssyncset.done $0x0  }
0x15f: {  	[sflag:s12] =	ssyncadd.s32 $0xFFFFFFB0  }
0x160: {  	[spmem:s1] =	stream.indirect.scatter.add.bf16 [tilespmem:s4], [sflag:$0x5], $0x40, s25, s22, $0xb8;
	[tilespmem:$0x11EE0] =	vst v63  }
0x161: {  	_ = 	snop  }
0x162: {  	[spmem:s3] =	stream.indirect.scatter.add.f32 [tilespmem:s21], [sflag:$0x8], $0x10, s25, s22, $0xb8;
	[tilespmem:$0x11EE0] =	vst v63  }
0x163: {  	_ =	swait.ge [sflag:s10], $0x1400  }
0x164: {  	[sflag:s10] =	ssyncset.done $0x0  }
0x165: {  	[sflag:s10] =	ssyncadd.s32 $0xFFFFEC00  }
0x166: {  	_ =	swait.ge [sflag:s14], $0x500  }
0x167: {  	[sflag:s14] =	ssyncset.done $0x0  }
0x168: {  	p0 =	sne.s32 s15, $0x492;
	[sflag:s14] =	ssyncadd.s32 $0xFFFFFB00  }
0x169: {  	s15 =	sadd.s32 $0x1E, s15;
	s18 =	simm.s32 $0x29E0;
	_ =	swait.ge [sflag:s28], $0x50  }
.Ltmp0:
0x16a: {  	[sflag:s28] =	ssyncset.done $0x0;
	s4 =	rddreg [dreg:$0x6];
	(pc) =	sbr.rel @p0 .LBB2_2-.Ltmp0, $4  }
0x16b: {  	s29 =	simm.s32 $0x1E0;
	s19 =	rddreg [dreg:$0x5];
	[sflag:s28] =	ssyncadd.s32 $0xFFFFFFB0  }
0x16c: {  	[tilespmem:s2], [sflag:$0x1] =	stream.indirect.gather [hbm4b:s8+s22], $0x40, s5, s22, $0xb8;
	[tilespmem:$0x11EE0] =	vst v63  }
0x16d: {  	s26 =	simm.s32 $0x3;
	s24 =	sadd.s32 s17, s4;
	s17 =	sadd.s32 s17, s19  }
0x16e: {  	[tilespmem:s23], [sflag:$0xD] =	stream.linear.gather [hbm4b:s24+s5], $0x50, $0x38;
	[tilespmem:$0x11EE0] =	vst v63  }
0x16f: {  	[tilespmem:s22], [sflag:$0xB] =	stream.linear.gather [hbm4b:s17+s5], $0x50, $0x38;
	[tilespmem:$0x11EE0] =	vst v63  }
0x170: {  	_ =	swait.ge [sflag:s26], $0x1400  }
0x171: {  	[sflag:s26] =	ssyncset.done $0x0  }
0x172: {  	[sflag:s26] =	ssyncadd.s32 $0xFFFFEC00  }
0x173: {  	_ =	swait.ge [sflag:s9], $0x50  }
0x174: {  	[sflag:s9] =	ssyncset.done $0x0  }
0x175: {  	[sflag:s9] =	ssyncadd.s32 $0xFFFFFFB0  }
0x176: {  	s1 =	rddreg [dreg:$0x2]  }
0x177: {  	[spmem:s1] =	stream.indirect.scatter.add.bf16 [tilespmem:s18], [sflag:$0x6], $0x40, s7, s22, $0xb8;
	[tilespmem:$0x11EE0] =	vst v63  }
0x178: {  	s8 =	simm.s32 $0x5  }
0x179: {  	[spmem:s3] =	stream.indirect.scatter.add.f32 [tilespmem:s21], [sflag:$0x9], $0x10, s7, s22, $0xb8;
	[tilespmem:$0x11EE0] =	vst v63  }
0x17a: {  	_ =	swait.ge [sflag:s8], $0x1400  }
0x17b: {  	[sflag:s8] =	ssyncset.done $0x0  }
0x17c: {  	s24 =	simm.s32 $0x8;
	[sflag:s8] =	ssyncadd.s32 $0xFFFFEC00  }
0x17d: {  	_ =	swait.ge [sflag:s24], $0x500  }
0x17e: {  	[sflag:s24] =	ssyncset.done $0x0  }
0x17f: {  	[sflag:s24] =	ssyncadd.s32 $0xFFFFFB00  }
0x180: {  	_ =	swait.ge [sflag:s30], $0x50  }
0x181: {  	[sflag:s30] =	ssyncset.done $0x0  }
0x182: {  	s4 =	sld [smem:$0x7FC];
	[sflag:s30] =	ssyncadd.s32 $0xFFFFFFB0  }
0x183: {  	s6 =	simm.s32 $0x15E0;
	s2 =	rddreg [dreg:$0x0]  }
0x184: {  	[tilespmem:s6], [sflag:$0x2] =	stream.indirect.gather [hbm4b:s2+s22], $0x40, s22, s22, $0xb8;
	[tilespmem:$0x11EE0] =	vst v63  }
0x185: {  	s15 =	simm.s32 $0x0  }
0x186: {  	[tilespmem:s25], [sflag:$0xE] =	stream.linear.gather [hbm4b:s4+s15], $0x50, $0x38;
	[tilespmem:$0x11EE0] =	vst v63  }
0x187: {  	_ =	swait.ge [sflag:s31], $0x1400  }
0x188: {  	[sflag:s31] =	ssyncset.done $0x0  }
0x189: {  	[sflag:s31] =	ssyncadd.s32 $0xFFFFEC00  }
0x18a: {  	_ =	swait.ge [sflag:s0], $0x50  }
0x18b: {  	[sflag:s0] =	ssyncset.done $0x0  }
0x18c: {  	[sflag:s0] =	ssyncadd.s32 $0xFFFFFFB0  }
0x18d: {  	[spmem:s1] =	stream.indirect.scatter.add.bf16 [tilespmem:s29], [sflag:$0x4], $0x40, s23, s22, $0xb8;
	[tilespmem:$0x11EE0] =	vst v63  }
0x18e: {  	_ = 	snop  }
0x18f: {  	[spmem:s3] =	stream.indirect.scatter.add.f32 [tilespmem:s21], [sflag:$0x7], $0x10, s23, s22, $0xb8;
	[tilespmem:$0x11EE0] =	vst v63  }
0x190: {  	_ =	swait.ge [sflag:s13], $0x1400  }
0x191: {  	[sflag:s13] =	ssyncset.done $0x0  }
0x192: {  	[sflag:s13] =	ssyncadd.s32 $0xFFFFEC00  }
0x193: {  	_ =	swait.ge [sflag:s20], $0x500  }
0x194: {  	[sflag:s20] =	ssyncset.done $0x0  }
0x195: {  	[sflag:s20] =	ssyncadd.s32 $0xFFFFFB00  }
0x196: {  	_ =	swait.ge [sflag:s11], $0x1400  }
0x197: {  	[sflag:s11] =	ssyncset.done $0x0  }
0x198: {  	[sflag:s11] =	ssyncadd.s32 $0xFFFFEC00  }
0x199: {  	_ =	swait.ge [sflag:s12], $0x50  }
0x19a: {  	[sflag:s12] =	ssyncset.done $0x0  }
0x19b: {  	[sflag:s12] =	ssyncadd.s32 $0xFFFFFFB0  }
0x19c: {  	[spmem:s1] =	stream.indirect.scatter.add.bf16 [tilespmem:s6], [sflag:$0x5], $0x40, s25, s22, $0xb8;
	[tilespmem:$0x11EE0] =	vst v63  }
0x19d: {  	_ = 	snop  }
0x19e: {  	[spmem:s3] =	stream.indirect.scatter.add.f32 [tilespmem:s21], [sflag:$0x8], $0x10, s25, s22, $0xb8;
	[tilespmem:$0x11EE0] =	vst v63  }
0x19f: {  	_ =	swait.ge [sflag:s10], $0x1400  }
0x1a0: {  	[sflag:s10] =	ssyncset.done $0x0  }
0x1a1: {  	[sflag:s10] =	ssyncadd.s32 $0xFFFFEC00  }
0x1a2: {  	_ =	swait.ge [sflag:s14], $0x500  }
0x1a3: {  	[sflag:s14] =	ssyncset.done $0x0  }
0x1a4: {  	[sflag:s14] =	ssyncadd.s32 $0xFFFFFB00  }
0x1a5: {  	_ =	swait.ge [sflag:s8], $0x1400  }
0x1a6: {  	[sflag:s8] =	ssyncset.done $0x0  }
0x1a7: {  	[sflag:s8] =	ssyncadd.s32 $0xFFFFEC00  }
0x1a8: {  	_ =	swait.ge [sflag:s24], $0x500  }
0x1a9: {  	[sflag:s24] =	ssyncset.done $0x0  }
0x1aa: {  	[sflag:s24] =	ssyncadd.s32 $0xFFFFFB00  }
0x1ab: {  	[bflag:$0x0] =	sbarrier.arrive $0xFFFF  }
0x1ac: {  	s1 =	simm.s32 $0x42E0;
	s26 =	rddreg [dreg:$0x17]  }
0x1ad: {  	[tilespmem:s1], [sflag:$0x10] =	stream.linear.gather [spmem:s26], $0x1000, $0x38;
	[tilespmem:$0x11EE0] =	vst v63  }
0x1ae: {  	_ =	swait.ge [sflag:s16], $0x1000  }
0x1af: {  	s25 =	sld [smem:$0x7FA]  }
0x1b0: {  	[sflag:s16] =	ssyncset.done $0x0  }
0x1b1: {  	[sflag:s16] =	ssyncadd.s32 $0xFFFFF000  }
0x1b2: {  	[hbm4b:s25+s5] =	stream.linear.scatter [tilespmem:s1], [sflag:$0x10], $0x1000, $0x38;
	[tilespmem:$0x11EE0] =	vst v63  }
0x1b3: {  	_ =	swait.ge [sflag:s16], $0x1000  }
0x1b4: {  	s28 =	simm.s32 $0xB;
	[sflag:s16] =	ssyncset.done $0x0  }
0x1b5: {  	s2 =	simm.s32 $0x52E0;
	s24 =	rddreg [dreg:$0x18];
	[sflag:s16] =	ssyncadd.s32 $0xFFFFF000  }
0x1b6: {  	[tilespmem:s2], [sflag:$0x10] =	stream.linear.gather [spmem:s24], $0x400, $0x38;
	[tilespmem:$0x11EE0] =	vst v63  }
0x1b7: {  	s18 =	simm.s32 $0x8;
	s30 =	simm.s32 $0x1;
	_ =	swait.ge [sflag:s16], $0x400  }
0x1b8: {  	s15 =	simm.s32 $0x80;
	s31 =	simm.s32 $0xD;
	s4 =	sld [smem:$0x7F9]  }
0x1b9: {  	s23 =	simm.s32 $0x140;
	s13 =	simm.s32 $0x9;
	s20 =	simm.s32 $0x3DE0  }
0x1ba: {  	s11 =	simm.s32 $0xE;
	s12 =	simm.s32 $0x4;
	[sflag:s16] =	ssyncset.done $0x0  }
0x1bb: {  	s6 =	simm.s32 $0x190;
	[sflag:s16] =	ssyncadd.s32 $0xFFFFFC00;
	s29 =	sadd.s32 $0x0, s4  }
0x1bc: {  	[hbm4b:s29+s5] =	stream.linear.scatter [tilespmem:s2], [sflag:$0x10], $0x400, $0x38;
	[tilespmem:$0x11EE0] =	vst v63  }
0x1bd: {  	s10 =	simm.s32 $0x7;
	s14 =	simm.s32 $0x5;
	_ =	swait.ge [sflag:s16], $0x400  }
0x1be: {  	s8 =	simm.s32 $0x2;
	s17 =	sadd.s32 $0x200, s25;
	[sflag:s16] =	ssyncset.done $0x0  }
.LBB2_4:
0x1bf: {  	[sflag:s16] =	ssyncadd.s32 $0xFFFFFC00  }
0x1c0: {  	s24 =	sadd.s32 $0x400, s24;
	s26 =	sadd.s32 $0x1000, s26;
	s29 =	smov.u32 s15  }
0x1c1: {  	[tilespmem:s1], [sflag:$0x10] =	stream.linear.gather [spmem:s26], $0x1000, $0x38;
	[tilespmem:$0x11EE0] =	vst v63  }
0x1c2: {  	p0 =	sne.s32 s15, $0x480;
	s15 =	sadd.s32 $0x80, s15;
	_ =	swait.ge [sflag:s16], $0x1000  }
0x1c3: {  	[sflag:s16] =	ssyncset.done $0x0  }
0x1c4: {  	[sflag:s16] =	ssyncadd.s32 $0xFFFFF000  }
0x1c5: {  	[hbm4b:s17+s5] =	stream.linear.scatter [tilespmem:s1], [sflag:$0x10], $0x1000, $0x38;
	[tilespmem:$0x11EE0] =	vst v63  }
0x1c6: {  	_ =	swait.ge [sflag:s16], $0x1000  }
0x1c7: {  	[sflag:s16] =	ssyncset.done $0x0  }
0x1c8: {  	[sflag:s16] =	ssyncadd.s32 $0xFFFFF000  }
0x1c9: {  	[tilespmem:s2], [sflag:$0x10] =	stream.linear.gather [spmem:s24], $0x400, $0x38;
	[tilespmem:$0x11EE0] =	vst v63  }
0x1ca: {  	_ =	swait.ge [sflag:s16], $0x400  }
.Ltmp1:
0x1cb: {  	[sflag:s16] =	ssyncset.done $0x0;
	(pc) =	sbr.rel @p0 .LBB2_4-.Ltmp1, $4  }
0x1cc: {  	s29 =	sadd.s32 s29, s4;
	[sflag:s16] =	ssyncadd.s32 $0xFFFFFC00  }
0x1cd: {  	[hbm4b:s29+s5] =	stream.linear.scatter [tilespmem:s2], [sflag:$0x10], $0x400, $0x38;
	[tilespmem:$0x11EE0] =	vst v63  }
0x1ce: {  	_ =	swait.ge [sflag:s16], $0x400  }
0x1cf: {  	s17 =	sadd.s32 $0x200, s17;
	[sflag:s16] =	ssyncset.done $0x0  }
0x1d0: {  	s0 =	sld [smem:$0x7FD];
	_ =	sdelay $0x2  }
0x1d1: {  	s15 =	rddreg [dreg:$0x16];
	s0 =	sadd.s32 $0x1, s0  }
0x1d2: {  	p0 =	sne.s32 s0, s15  }
.Ltmp2:
0x1d3: {  	[sflag:s16] =	ssyncadd.s32 $0xFFFFFC00;
	(pc) =	sbr.rel @p0 .LBB2_1-.Ltmp2, $4  }
0x1d4: {  	s26 =	rddreg [dreg:$0x17];
	s4 =	simm.s32 $0x42E0;
	s17 =	simm.s32 $0x52E0  }
0x1d5: {  	s24 =	simm.s32 $0x1E0;
	s29 =	simm.s32 $0x15E0;
	s21 =	simm.s32 $0xF0  }
0x1d6: {  	s25 =	simm.s32 $0xA;
	s7 =	simm.s32 $0x29E0;
	s9 =	simm.s32 $0xF  }
0x1d7: {  	s19 =	simm.s32 $0x6;
	[smem:$0x7FD] =	sst s0;
	s0 =	simm.s32 $0xC  }
0x1d8: {  	_ =	sfence.sel $0x180000  }
0x1d9: {  	[bflag:$0x0] =	sbarrier.arrive $0xFFFF  }
0x1da: {  	_ =	strace $0x90000047  }
0x1db: {  	s0 =	stileid.u32;
	[bflag:$0x2] =	sbarrier.arrive $0xFFFF  }
0x1dc: {  	p0 =	sne.s32 s0, $0x0;
	s0 =	rddreg [dreg:$0x4]  }
0x1dd: {  	s0 =	sadd.s32 @!p0 $0x100000, s0  }
0x1de: {  	[sflag:s0] =	ssyncadd.tile.s32 @!p0 $0x1;
	_ =	shalt  }
.Lfunc_end2:
_tile_overlayer_lowered:
.L_overlay_start_2:
0x1df: {  	(tag) =	ssettag $0x2  }
0x1e0: {  	s0 =	rddreg [dreg:$0x0];
	s2 =	stileid.u32  }
0x1e1: {  	s1 =	rddreg [dreg:$0x1];
	p0 =	sne.s32 s2, $0x0  }
0x1e2: {  	s3 =	rddreg [dreg:$0x2];
	[bflag:$0x3] =	sbarrier.arrive $0xFFFF;
	s2 =	simm.s32 @!p0 $0x1C10  }
0x1e3: {  	[timem:s3], [sflag:s2] =	dma.local @!p0 [hbm:s0], s1  }
0x1e4: {  	s0 =	simm.s32 @!p0 $0x10  }
0x1e5: {  	_ =	swait.ge @!p0 [sflag:s0], s1  }
0x1e6: {  	s1 =	ssub.s32 @!p0 $0x0, s1;
	[sflag:s0] =	ssyncset.done @!p0 $0x0  }
0x1e7: {  	[sflag:s0] =	ssyncadd.s32 @!p0 s1  }
0x1e8: {  	[bflag:$0x3] =	sbarrier.arrive $0xFFFF  }
0x1e9: {  	_ =	shalt  }

</sc_bundles>
